<compile_context>
chip_gen: v7x
topology: tpu7x:2x2x1
jax: 0.10.2.dev20260603
libtpu: 0.0.44.dev20260713+nightly
codegen_flags: <defaults>
</compile_context>

<pallas_src>
import functools

import jax
import jax.numpy as jnp
from jax import lax
from jax.experimental import pallas as pl
from jax.experimental.pallas import tpu as pltpu
from jax.experimental.pallas import tpu_sc as plsc

_B = 128
_A = 64
_KNN = 8
_NT = 27
_NCH = 112
_HUGE = 0x7F800000
_MASKHI = ~2047


def _sc_body(cell_hbm, x_hbm, xt_hbm, out_hbm,
             cellb, xb, xtb, xcb, ub, scb, ssb, pN, edges, wbuf, minacc,
             outst):
    wid = lax.axis_index("s") * 2 + lax.axis_index("c")
    iota = lax.iota(jnp.int32, 16)
    i16 = iota * 16
    huge_i = jnp.full((16,), _HUGE, jnp.int32)

    def _vperm(v, idx):
        return lax.gather(
            v, idx[:, None],
            lax.GatherDimensionNumbers(offset_dims=(), collapsed_slice_dims=(0,),
                                       start_index_map=(0,)),
            (1,), mode=lax.GatherScatterMode.PROMISE_IN_BOUNDS)

    def _allsum(v):
        for sh in (8, 4, 2, 1):
            v = v + _vperm(v, iota ^ sh)
        return v

    for k in range(108, _NCH):
        pN[pl.ds(k * 16, 16)] = huge_i

    def structure_body(sl, outv):
        s = wid * 4 + sl
        pltpu.sync_copy(cell_hbm.at[s], cellb)
        pltpu.sync_copy(x_hbm.at[s], xb)
        pltpu.sync_copy(xt_hbm.at[s], xtb)

        cv = cellb[...]
        c = [[cv[3 * r + l] for l in range(3)] for r in range(3)]

        for cb in range(4):
            xcomp = [xb[pl.ds(comp * 64 + cb * 16, 16)] for comp in range(3)]
            xcc = [xcomp[0] * c[0][l] + xcomp[1] * c[1][l] + xcomp[2] * c[2][l]
                   for l in range(3)]
            for l in range(3):
                xcb[pl.ds(l * 64 + cb * 16, 16)] = xcc[l]
            ssb[pl.ds(cb * 16, 16)] = (
                xcc[0] * xcc[0] + xcc[1] * xcc[1] + xcc[2] * xcc[2])
            for comp in range(3):
                ub[pl.ds(comp * 64 + cb * 16, 16)] = (
                    xtb[pl.ds(comp * 64 + cb * 16, 16)] - xcomp[comp])

        for h in range(2):
            th = iota + 16 * h
            q3 = (th * 1366) >> 12
            q9 = (q3 * 1366) >> 12
            f0 = (q9 - 1).astype(jnp.float32)
            f1 = ((q3 % 3) - 1).astype(jnp.float32)
            f2 = ((th % 3) - 1).astype(jnp.float32)
            for l in range(3):
                scb[pl.ds(l * 32 + 16 * h, 16)] = (
                    f0 * c[0][l] + f1 * c[1][l] + f2 * c[2][l])

        def row_body(i, edgevec):
            xi = [xcb[pl.ds(comp * 64 + i, 16)][0] for comp in range(3)]
            selfidx = 13 * 64 + i
            xcv = [[xcb[pl.ds(comp * 64 + cb * 16, 16)] for cb in range(4)]
                   for comp in range(3)]

            def t_body(t, mm):
                m1, m2 = mm
                z = [xi[comp] - scb[pl.ds(comp * 32 + t, 16)][0]
                     for comp in range(3)]
                t64 = t * 64
                for cb in range(4):
                    tx = xcv[0][cb] - z[0]
                    ty = xcv[1][cb] - z[1]
                    tz = xcv[2][cb] - z[2]
                    d = tx * tx + ty * ty + tz * tz
                    di = lax.bitcast_convert_type(d, jnp.int32)
                    idxv = iota + (t64 + cb * 16)
                    key = (di & _MASKHI) | idxv
                    key = jnp.where(idxv == selfidx, _HUGE, key)
                    nm1 = jnp.minimum(m1, key)
                    tt2 = jnp.maximum(m1, key)
                    m2 = jnp.minimum(m2, tt2)
                    m1 = nm1
                    pN[pl.ds(t64 + cb * 16, 16)] = key
                return m1, m2

            min1v, min2v = lax.fori_loop(0, _NT, t_body, (huge_i, huge_i))

            half = 8 * (i & 1)
            for e in range(_KNN):
                pm = lax.sort(min1v)[0]
                idx = pm & 2047
                lane = pm & 15
                edgevec = jnp.where(iota == half + e, idx, edgevec)
                promoted = _vperm(min2v, jnp.full((16,), lane, jnp.int32))
                sec = promoted[0]
                min1v = jnp.where(iota == lane, promoted, min1v)
                min2v = jnp.where(iota == lane, _HUGE, min2v)

                def _repair(mm, lane=lane, pm=pm):
                    m1, m2 = mm
                    a = huge_i
                    b = huge_i
                    for k in range(7):
                        g = plsc.load_gather(pN, [i16 + (lane + 256 * k)])
                        g = jnp.where(g > pm, g, _HUGE)
                        na = jnp.minimum(a, g)
                        tt = jnp.maximum(a, g)
                        b = jnp.minimum(b, tt)
                        a = na
                    s1 = lax.sort(a)[0]
                    a2 = jnp.where(a == s1, b, a)
                    s2 = lax.sort(a2)[0]
                    m1 = jnp.where(iota == lane, s1, m1)
                    m2 = jnp.where(iota == lane, s2, m2)
                    return m1, m2

                min1v, min2v = lax.cond(sec == _HUGE, _repair,
                                        lambda mm: mm, (min1v, min2v))

            edges[pl.ds((i >> 1) * 16, 16)] = edgevec
            return edgevec

        lax.fori_loop(0, _A, row_body, jnp.zeros((16,), jnp.int32))

        def g_body(g, _):
            ev = edges[pl.ds(g * 16, 16)]
            j = ev & 63
            ivec = 2 * g + (iota >> 3)
            uj = [plsc.load_gather(ub, [j + comp * 64]) for comp in range(3)]
            ui = [plsc.load_gather(ub, [ivec + comp * 64]) for comp in range(3)]
            dx = uj[0] - ui[0]
            dy = uj[1] - ui[1]
            dz = uj[2] - ui[2]
            for l in range(3):
                wbuf[pl.ds(l * 512 + g * 16, 16)] = (
                    dx * c[0][l] + dy * c[1][l] + dz * c[2][l])
            minacc[pl.ds(g * 16, 16)] = jnp.full((16,), 1e30, jnp.float32)
            return 0

        lax.fori_loop(0, 32, g_body, 0)

        def r_body(r, _):
            scr = [scb[pl.ds(l * 32 + r, 16)][0] for l in range(3)]

            def g2_body(g, _):
                sl16 = pl.ds(g * 16, 16)
                ax = wbuf[pl.ds(0 * 512 + g * 16, 16)] + scr[0]
                ay = wbuf[pl.ds(1 * 512 + g * 16, 16)] + scr[1]
                az = wbuf[pl.ds(2 * 512 + g * 16, 16)] + scr[2]
                n = ax * ax + ay * ay + az * az
                minacc[sl16] = jnp.minimum(minacc[sl16], n)
                return 0

            lax.fori_loop(0, 32, g2_body, 0)
            return 0

        lax.fori_loop(0, _NT, r_body, 0)

        def s_body(g, acc):
            n = minacc[pl.ds(g * 16, 16)] + 1e-12
            ni = lax.bitcast_convert_type(n, jnp.int32)
            y = lax.bitcast_convert_type(0x5F3759DF - (ni >> 1), jnp.float32)
            hn = 0.5 * n
            for _it in range(3):
                y = y * (1.5 - hn * y * y)
            return acc + n * y

        acc = lax.fori_loop(0, 32, s_body, jnp.zeros((16,), jnp.float32))
        totv = _allsum(acc) * jnp.float32(1.0 / 512.0)
        return jnp.where(iota == sl, totv, outv)

    outv = lax.fori_loop(0, 4, structure_body, jnp.zeros((16,), jnp.float32))
    outst[...] = outv
    pltpu.sync_copy(outst, out_hbm.at[wid])


_sc_call = functools.partial(
    pl.kernel,
    out_type=jax.ShapeDtypeStruct((32, 16), jnp.float32),
    mesh=plsc.VectorSubcoreMesh(core_axis_name="c", subcore_axis_name="s"),
    compiler_params=pltpu.CompilerParams(needs_layout_passes=False),
    scratch_types=[
        pltpu.VMEM((16,), jnp.float32),
        pltpu.VMEM((192,), jnp.float32),
        pltpu.VMEM((192,), jnp.float32),
        pltpu.VMEM((224,), jnp.float32),
        pltpu.VMEM((192,), jnp.float32),
        pltpu.VMEM((128,), jnp.float32),
        pltpu.VMEM((64,), jnp.float32),
        pltpu.VMEM((16 * _NCH,), jnp.int32),
        pltpu.VMEM((512,), jnp.int32),
        pltpu.VMEM((1536,), jnp.float32),
        pltpu.VMEM((512,), jnp.float32),
        pltpu.VMEM((16,), jnp.float32),
    ],
)(_sc_body)


def kernel(cell, x, x_tilde, num_atoms):
    del num_atoms
    cell_p = jnp.concatenate(
        [cell.reshape(_B, 9), jnp.zeros((_B, 7), jnp.float32)], axis=1)
    xp = x.reshape(_B, _A, 3).transpose(0, 2, 1).reshape(_B, 192)
    xtp = x_tilde.reshape(_B, _A, 3).transpose(0, 2, 1).reshape(_B, 192)
    out = _sc_call(cell_p, xp, xtp)
    return out[:, :4].reshape(_B)

# --- scband reference (transcript-rebuilt; emitter-appended) ---
"""Pipeline reference for scband-periodic-relative-loss-41094247088553 (READ-ONLY COPY).

The authoritative reference and input builder live on the scoring server;
editing this copy changes nothing except your own understanding.
"""

import jax, jax.numpy as jnp
import numpy as np

KNN = 8
B = 128
A = 64

def _shifts():
    r = jnp.arange(-1.0, 2.0, dtype=jnp.float32)
    return jnp.stack(jnp.meshgrid(r, r, r, indexing='ij'), axis=-1).reshape(27, 3)

def setup_inputs(seed: int = 0):
    key = jax.random.key(seed)
    k1, k2, k3 = jax.random.split(key, 3)
    cell = jnp.eye(3, dtype=jnp.float32)[None] * 8.0 + 0.3 * jax.random.normal(k1, (B, 3, 3), dtype=jnp.float32)
    x = jax.random.uniform(k2, (B * A, 3), dtype=jnp.float32)
    x_tilde = jnp.mod(x + 0.05 * jax.random.normal(k3, (B * A, 3), dtype=jnp.float32), 1.0)
    num_atoms = jnp.full((B,), A, dtype=jnp.int32)
    return {"cell": cell, "x": x, "x_tilde": x_tilde, "num_atoms": num_atoms}

def _forward(cell, x, x_tilde):
    S = _shifts()
    xb = x.reshape(B, A, 3)
    xtb = x_tilde.reshape(B, A, 3)
    # crystallographic_graph.make_graph: kNN under periodic boundary conditions.
    # d[b,i,j] = frac(x_j) - frac(x_i); consider 27 periodic images per pair.
    d = xb[:, None, :, :] - xb[:, :, None, :]
    dist2 = []
    for t in range(27):
        cart = jnp.einsum('bijc,bcl->bijl', d + S[t], cell)
        dist2.append(jnp.sum(cart * cart, axis=-1))
    dist2 = jnp.stack(dist2, axis=-1)  # [B, A, A, 27]
    # mask self-edge (j == i with zero shift; zero shift is index 13)
    self_mask = jnp.eye(A, dtype=bool)[None, :, :, None] & (jnp.arange(27) == 13)[None, None, None, :]
    dist2 = jnp.where(self_mask, jnp.inf, dist2)
    flat = dist2.reshape(B, A, A * 27)
    _, idx = jax.lax.top_k(-flat, KNN)  # k nearest over (neighbor, image) pairs
    jn = idx // 27   # dst atom index within structure
    tn = idx % 27    # periodic image index -> edges.cell shift
    shift = S[tn]    # [B, A, KNN, 3] fractional shift
    jf = jn.reshape(B, A * KNN)
    dst = jnp.take_along_axis(xb, jf[:, :, None], axis=1).reshape(B, A, KNN, 3)
    dst_t = jnp.take_along_axis(xtb, jf[:, :, None], axis=1).reshape(B, A, KNN, 3)
    # e_ij = x[dst] + edges.cell - x[src]
    e_ij = dst + shift - xb[:, :, None, :]
    e_tilde_ij = dst_t + shift - xtb[:, :, None, :]
    # MinDistanceLoss: minimal-image cartesian distance between predicted and
    # true edge vectors, averaged per structure (num_edges per structure is A*KNN).
    diff = e_tilde_ij - e_ij
    min_d = None
    for t in range(27):
        cart = jnp.einsum('bikc,bcl->bikl', diff + S[t], cell)
        dn = jnp.sqrt(jnp.sum(cart * cart, axis=-1) + 1e-12)
        min_d = dn if min_d is None else jnp.minimum(min_d, dn)
    return jnp.mean(min_d.reshape(B, A * KNN), axis=1)

def reference(cell, x, x_tilde, num_atoms):
    # num_atoms is constant (A atoms per structure); batch segmentation is implicit
    # in the [B, A] reshape, matching repeat_interleave + unique_consecutive.
    return _forward(cell, x, x_tilde)

if __name__ == "__main__":
    import jax
    _d = setup_inputs()
    print(jax.jit(kernel)(*tuple(_d.values())))

</pallas_src>

<mosaic_0001>
#map = affine_map<(d0, d1) -> (0, 0)>
module attributes {stable_mosaic.version = 14 : i64} {
  func.func @_sc_body(%arg0: i32, %arg1: i32, %arg2: memref<128x16xf32, #tpu.memory_space<hbm>>, %arg3: memref<128x192xf32, #tpu.memory_space<hbm>>, %arg4: memref<128x192xf32, #tpu.memory_space<hbm>>, %arg5: memref<32x16xf32, #tpu.memory_space<hbm>>, %arg6: memref<16xf32, #tpu.memory_space<vmem>>, %arg7: memref<192xf32, #tpu.memory_space<vmem>>, %arg8: memref<192xf32, #tpu.memory_space<vmem>>, %arg9: memref<224xf32, #tpu.memory_space<vmem>>, %arg10: memref<192xf32, #tpu.memory_space<vmem>>, %arg11: memref<128xf32, #tpu.memory_space<vmem>>, %arg12: memref<64xf32, #tpu.memory_space<vmem>>, %arg13: memref<1792xi32, #tpu.memory_space<vmem>>, %arg14: memref<512xi32, #tpu.memory_space<vmem>>, %arg15: memref<1536xf32, #tpu.memory_space<vmem>>, %arg16: memref<512xf32, #tpu.memory_space<vmem>>, %arg17: memref<16xf32, #tpu.memory_space<vmem>>) attributes {dimension_semantics = [#tpu.dimension_semantics<core_parallel>, #tpu.dimension_semantics<subcore_parallel>], iteration_bounds = array<i64: 2, 16>, scalar_prefetch = 0 : i64, scratch_operands = 12 : i64, tpu.core_type = #tpu.core_type<sc_vector_subcore>, window_params = [{transform_indices = #map}, {transform_indices = #map}, {transform_indices = #map}, {transform_indices = #map}]} {
    %mul3A = arith.constant 2 : i32
    %mul3A_0 = arith.muli %arg1, %mul3A : i32
    %add3A = arith.addi %mul3A_0, %arg0 : i32
    %iota3A = tpu.iota {dimensions = array<i32: 0>} : vector<16xi32>
    %mul3A_1 = arith.constant 16 : i32
    %mul3A_2 = vector.broadcast %mul3A_1 : i32 to vector<16xi32>
    %mul3A_3 = arith.muli %iota3A, %mul3A_2 : vector<16xi32>
    %broadcast_in_dim3A = arith.constant 2139095040 : i32
    %broadcast_in_dim3A_4 = vector.broadcast %broadcast_in_dim3A : i32 to vector<16xi32>
    %swap3A = arith.constant 1728 : index
    %swap3A_5 = tpu.vector_load %arg13[%swap3A] {strides = array<i32>} : memref<1792xi32, #tpu.memory_space<vmem>>, vector<16xi32>,
    tpu.vector_store %arg13[%swap3A], %broadcast_in_dim3A_4 {strides = array<i32>} : memref<1792xi32, #tpu.memory_space<vmem>>, vector<16xi32>,
    %swap3A_6 = arith.constant 1744 : index
    %swap3A_7 = tpu.vector_load %arg13[%swap3A_6] {strides = array<i32>} : memref<1792xi32, #tpu.memory_space<vmem>>, vector<16xi32>,
    tpu.vector_store %arg13[%swap3A_6], %broadcast_in_dim3A_4 {strides = array<i32>} : memref<1792xi32, #tpu.memory_space<vmem>>, vector<16xi32>,
    %swap3A_8 = arith.constant 1760 : index
    %swap3A_9 = tpu.vector_load %arg13[%swap3A_8] {strides = array<i32>} : memref<1792xi32, #tpu.memory_space<vmem>>, vector<16xi32>,
    tpu.vector_store %arg13[%swap3A_8], %broadcast_in_dim3A_4 {strides = array<i32>} : memref<1792xi32, #tpu.memory_space<vmem>>, vector<16xi32>,
    %swap3A_10 = arith.constant 1776 : index
    %swap3A_11 = tpu.vector_load %arg13[%swap3A_10] {strides = array<i32>} : memref<1792xi32, #tpu.memory_space<vmem>>, vector<16xi32>,
    tpu.vector_store %arg13[%swap3A_10], %broadcast_in_dim3A_4 {strides = array<i32>} : memref<1792xi32, #tpu.memory_space<vmem>>, vector<16xi32>,
    %broadcast_in_dim3A_12 = arith.constant 0.000000e+00 : f32
    %broadcast_in_dim3A_13 = vector.broadcast %broadcast_in_dim3A_12 : f32 to vector<16xf32>
    %scan3A = arith.constant 0 : i32
    %scan3A_14 = arith.constant 4 : i32
    %scan3A_15 = arith.addi %scan3A, %scan3A_14 : i32
    %scan3A_16 = arith.constant 1 : i32
    %scan3A_17 = scf.for %scan3A_21 = %scan3A to %scan3A_15 step %scan3A_16 iter_args(%scan3A_22 = %broadcast_in_dim3A_13) -> (vector<16xf32>)  : i32 {
      %mul3A_23 = arith.constant 4 : i32
      %mul3A_24 = arith.muli %add3A, %mul3A_23 : i32
      %add3A_25 = arith.addi %mul3A_24, %scan3A_21 : i32
      "tpu.region"() ({
        %run_scoped3A = tpu.sem_alloc : memref<!tpu.dma_semaphore, #tpu.memory_space<semaphore_mem>>
        %dma_start3A = arith.constant 0 : i32
        %dma_start3A_529 = tpu.memref_slice %arg2[%add3A_25, %dma_start3A] : memref<128x16xf32, #tpu.memory_space<hbm>> -> memref<1x16xf32, #tpu.memory_space<hbm>>
        %dma_start3A_530 = tpu.memref_squeeze %dma_start3A_529 : memref<1x16xf32, #tpu.memory_space<hbm>> -> memref<16xf32, #tpu.memory_space<hbm>>
        %dma_start3A_531 = arith.constant 0 : i32
        %dma_start3A_532 = tpu.memref_slice %arg2[%add3A_25, %dma_start3A_531] : memref<128x16xf32, #tpu.memory_space<hbm>> -> memref<1x16xf32, #tpu.memory_space<hbm>>
        %dma_start3A_533 = tpu.memref_squeeze %dma_start3A_532 : memref<1x16xf32, #tpu.memory_space<hbm>> -> memref<16xf32, #tpu.memory_space<hbm>>
        tpu.enqueue_dma source(%dma_start3A_533 : memref<16xf32, #tpu.memory_space<hbm>>) target(%arg6 : memref<16xf32, #tpu.memory_space<vmem>>) target_semaphore(%run_scoped3A : memref<!tpu.dma_semaphore, #tpu.memory_space<semaphore_mem>>)
        %dma_wait3A = arith.constant 0 : i32
        %dma_wait3A_534 = tpu.memref_slice %arg2[%add3A_25, %dma_wait3A] : memref<128x16xf32, #tpu.memory_space<hbm>> -> memref<1x16xf32, #tpu.memory_space<hbm>>
        %dma_wait3A_535 = tpu.memref_squeeze %dma_wait3A_534 : memref<1x16xf32, #tpu.memory_space<hbm>> -> memref<16xf32, #tpu.memory_space<hbm>>
        %dma_wait3A_536 = arith.constant 0 : i32
        %dma_wait3A_537 = tpu.memref_slice %arg2[%add3A_25, %dma_wait3A_536] : memref<128x16xf32, #tpu.memory_space<hbm>> -> memref<1x16xf32, #tpu.memory_space<hbm>>
        %dma_wait3A_538 = tpu.memref_squeeze %dma_wait3A_537 : memref<1x16xf32, #tpu.memory_space<hbm>> -> memref<16xf32, #tpu.memory_space<hbm>>
        tpu.wait_dma2 semaphore(%run_scoped3A : memref<!tpu.dma_semaphore, #tpu.memory_space<semaphore_mem>>) src(%dma_wait3A_538 : memref<16xf32, #tpu.memory_space<hbm>>) dst(%arg6 : memref<16xf32, #tpu.memory_space<vmem>>)
        tpu.yield
      }) : () -> ()
      "tpu.region"() ({
        %run_scoped3A = tpu.sem_alloc : memref<!tpu.dma_semaphore, #tpu.memory_space<semaphore_mem>>
        %dma_start3A = arith.constant 0 : i32
        %dma_start3A_529 = tpu.memref_slice %arg3[%add3A_25, %dma_start3A] : memref<128x192xf32, #tpu.memory_space<hbm>> -> memref<1x192xf32, #tpu.memory_space<hbm>>
        %dma_start3A_530 = tpu.memref_squeeze %dma_start3A_529 : memref<1x192xf32, #tpu.memory_space<hbm>> -> memref<192xf32, #tpu.memory_space<hbm>>
        %dma_start3A_531 = arith.constant 0 : i32
        %dma_start3A_532 = tpu.memref_slice %arg3[%add3A_25, %dma_start3A_531] : memref<128x192xf32, #tpu.memory_space<hbm>> -> memref<1x192xf32, #tpu.memory_space<hbm>>
        %dma_start3A_533 = tpu.memref_squeeze %dma_start3A_532 : memref<1x192xf32, #tpu.memory_space<hbm>> -> memref<192xf32, #tpu.memory_space<hbm>>
        tpu.enqueue_dma source(%dma_start3A_533 : memref<192xf32, #tpu.memory_space<hbm>>) target(%arg7 : memref<192xf32, #tpu.memory_space<vmem>>) target_semaphore(%run_scoped3A : memref<!tpu.dma_semaphore, #tpu.memory_space<semaphore_mem>>)
        %dma_wait3A = arith.constant 0 : i32
        %dma_wait3A_534 = tpu.memref_slice %arg3[%add3A_25, %dma_wait3A] : memref<128x192xf32, #tpu.memory_space<hbm>> -> memref<1x192xf32, #tpu.memory_space<hbm>>
        %dma_wait3A_535 = tpu.memref_squeeze %dma_wait3A_534 : memref<1x192xf32, #tpu.memory_space<hbm>> -> memref<192xf32, #tpu.memory_space<hbm>>
        %dma_wait3A_536 = arith.constant 0 : i32
        %dma_wait3A_537 = tpu.memref_slice %arg3[%add3A_25, %dma_wait3A_536] : memref<128x192xf32, #tpu.memory_space<hbm>> -> memref<1x192xf32, #tpu.memory_space<hbm>>
        %dma_wait3A_538 = tpu.memref_squeeze %dma_wait3A_537 : memref<1x192xf32, #tpu.memory_space<hbm>> -> memref<192xf32, #tpu.memory_space<hbm>>
        tpu.wait_dma2 semaphore(%run_scoped3A : memref<!tpu.dma_semaphore, #tpu.memory_space<semaphore_mem>>) src(%dma_wait3A_538 : memref<192xf32, #tpu.memory_space<hbm>>) dst(%arg7 : memref<192xf32, #tpu.memory_space<vmem>>)
        tpu.yield
      }) : () -> ()
      "tpu.region"() ({
        %run_scoped3A = tpu.sem_alloc : memref<!tpu.dma_semaphore, #tpu.memory_space<semaphore_mem>>
        %dma_start3A = arith.constant 0 : i32
        %dma_start3A_529 = tpu.memref_slice %arg4[%add3A_25, %dma_start3A] : memref<128x192xf32, #tpu.memory_space<hbm>> -> memref<1x192xf32, #tpu.memory_space<hbm>>
        %dma_start3A_530 = tpu.memref_squeeze %dma_start3A_529 : memref<1x192xf32, #tpu.memory_space<hbm>> -> memref<192xf32, #tpu.memory_space<hbm>>
        %dma_start3A_531 = arith.constant 0 : i32
        %dma_start3A_532 = tpu.memref_slice %arg4[%add3A_25, %dma_start3A_531] : memref<128x192xf32, #tpu.memory_space<hbm>> -> memref<1x192xf32, #tpu.memory_space<hbm>>
        %dma_start3A_533 = tpu.memref_squeeze %dma_start3A_532 : memref<1x192xf32, #tpu.memory_space<hbm>> -> memref<192xf32, #tpu.memory_space<hbm>>
        tpu.enqueue_dma source(%dma_start3A_533 : memref<192xf32, #tpu.memory_space<hbm>>) target(%arg8 : memref<192xf32, #tpu.memory_space<vmem>>) target_semaphore(%run_scoped3A : memref<!tpu.dma_semaphore, #tpu.memory_space<semaphore_mem>>)
        %dma_wait3A = arith.constant 0 : i32
        %dma_wait3A_534 = tpu.memref_slice %arg4[%add3A_25, %dma_wait3A] : memref<128x192xf32, #tpu.memory_space<hbm>> -> memref<1x192xf32, #tpu.memory_space<hbm>>
        %dma_wait3A_535 = tpu.memref_squeeze %dma_wait3A_534 : memref<1x192xf32, #tpu.memory_space<hbm>> -> memref<192xf32, #tpu.memory_space<hbm>>
        %dma_wait3A_536 = arith.constant 0 : i32
        %dma_wait3A_537 = tpu.memref_slice %arg4[%add3A_25, %dma_wait3A_536] : memref<128x192xf32, #tpu.memory_space<hbm>> -> memref<1x192xf32, #tpu.memory_space<hbm>>
        %dma_wait3A_538 = tpu.memref_squeeze %dma_wait3A_537 : memref<1x192xf32, #tpu.memory_space<hbm>> -> memref<192xf32, #tpu.memory_space<hbm>>
        tpu.wait_dma2 semaphore(%run_scoped3A : memref<!tpu.dma_semaphore, #tpu.memory_space<semaphore_mem>>) src(%dma_wait3A_538 : memref<192xf32, #tpu.memory_space<hbm>>) dst(%arg8 : memref<192xf32, #tpu.memory_space<vmem>>)
        tpu.yield
      }) : () -> ()
      %get3A = arith.constant 0 : index
      %get3A_26 = tpu.vector_load %arg6[%get3A] {strides = array<i32>} : memref<16xf32, #tpu.memory_space<vmem>>, vector<16xf32>,
      %slice3A = vector.extract_strided_slice %get3A_26 {offsets = [0], sizes = [1], strides = [1]} : vector<16xf32> to vector<1xf32>
      %squeeze3A = vector.extract %slice3A[0] : f32 from vector<1xf32>
      %slice3A_27 = vector.extract_strided_slice %get3A_26 {offsets = [1], sizes = [1], strides = [1]} : vector<16xf32> to vector<1xf32>
      %squeeze3A_28 = vector.extract %slice3A_27[0] : f32 from vector<1xf32>
      %slice3A_29 = vector.extract_strided_slice %get3A_26 {offsets = [2], sizes = [1], strides = [1]} : vector<16xf32> to vector<1xf32>
      %squeeze3A_30 = vector.extract %slice3A_29[0] : f32 from vector<1xf32>
      %slice3A_31 = vector.extract_strided_slice %get3A_26 {offsets = [3], sizes = [1], strides = [1]} : vector<16xf32> to vector<1xf32>
      %squeeze3A_32 = vector.extract %slice3A_31[0] : f32 from vector<1xf32>
      %slice3A_33 = vector.extract_strided_slice %get3A_26 {offsets = [4], sizes = [1], strides = [1]} : vector<16xf32> to vector<1xf32>
      %squeeze3A_34 = vector.extract %slice3A_33[0] : f32 from vector<1xf32>
      %slice3A_35 = vector.extract_strided_slice %get3A_26 {offsets = [5], sizes = [1], strides = [1]} : vector<16xf32> to vector<1xf32>
      %squeeze3A_36 = vector.extract %slice3A_35[0] : f32 from vector<1xf32>
      %slice3A_37 = vector.extract_strided_slice %get3A_26 {offsets = [6], sizes = [1], strides = [1]} : vector<16xf32> to vector<1xf32>
      %squeeze3A_38 = vector.extract %slice3A_37[0] : f32 from vector<1xf32>
      %slice3A_39 = vector.extract_strided_slice %get3A_26 {offsets = [7], sizes = [1], strides = [1]} : vector<16xf32> to vector<1xf32>
      %squeeze3A_40 = vector.extract %slice3A_39[0] : f32 from vector<1xf32>
      %slice3A_41 = vector.extract_strided_slice %get3A_26 {offsets = [8], sizes = [1], strides = [1]} : vector<16xf32> to vector<1xf32>
      %squeeze3A_42 = vector.extract %slice3A_41[0] : f32 from vector<1xf32>
      %get3A_43 = arith.constant 0 : index
      %get3A_44 = tpu.vector_load %arg7[%get3A_43] {strides = array<i32>} : memref<192xf32, #tpu.memory_space<vmem>>, vector<16xf32>,
      %get3A_45 = arith.constant 64 : index
      %get3A_46 = tpu.vector_load %arg7[%get3A_45] {strides = array<i32>} : memref<192xf32, #tpu.memory_space<vmem>>, vector<16xf32>,
      %get3A_47 = arith.constant 128 : index
      %get3A_48 = tpu.vector_load %arg7[%get3A_47] {strides = array<i32>} : memref<192xf32, #tpu.memory_space<vmem>>, vector<16xf32>,
      %mul3A_49 = vector.broadcast %squeeze3A : f32 to vector<16xf32>
      %mul3A_50 = arith.mulf %get3A_44, %mul3A_49 : vector<16xf32>
      %mul3A_51 = vector.broadcast %squeeze3A_32 : f32 to vector<16xf32>
      %mul3A_52 = arith.mulf %get3A_46, %mul3A_51 : vector<16xf32>
      %add3A_53 = arith.addf %mul3A_50, %mul3A_52 : vector<16xf32>
      %mul3A_54 = vector.broadcast %squeeze3A_38 : f32 to vector<16xf32>
      %mul3A_55 = arith.mulf %get3A_48, %mul3A_54 : vector<16xf32>
      %add3A_56 = arith.addf %add3A_53, %mul3A_55 : vector<16xf32>
      %mul3A_57 = vector.broadcast %squeeze3A_28 : f32 to vector<16xf32>
      %mul3A_58 = arith.mulf %get3A_44, %mul3A_57 : vector<16xf32>
      %mul3A_59 = vector.broadcast %squeeze3A_34 : f32 to vector<16xf32>
      %mul3A_60 = arith.mulf %get3A_46, %mul3A_59 : vector<16xf32>
      %add3A_61 = arith.addf %mul3A_58, %mul3A_60 : vector<16xf32>
      %mul3A_62 = vector.broadcast %squeeze3A_40 : f32 to vector<16xf32>
      %mul3A_63 = arith.mulf %get3A_48, %mul3A_62 : vector<16xf32>
      %add3A_64 = arith.addf %add3A_61, %mul3A_63 : vector<16xf32>
      %mul3A_65 = vector.broadcast %squeeze3A_30 : f32 to vector<16xf32>
      %mul3A_66 = arith.mulf %get3A_44, %mul3A_65 : vector<16xf32>
      %mul3A_67 = vector.broadcast %squeeze3A_36 : f32 to vector<16xf32>
      %mul3A_68 = arith.mulf %get3A_46, %mul3A_67 : vector<16xf32>
      %add3A_69 = arith.addf %mul3A_66, %mul3A_68 : vector<16xf32>
      %mul3A_70 = vector.broadcast %squeeze3A_42 : f32 to vector<16xf32>
      %mul3A_71 = arith.mulf %get3A_48, %mul3A_70 : vector<16xf32>
      %add3A_72 = arith.addf %add3A_69, %mul3A_71 : vector<16xf32>
      %swap3A_73 = arith.constant 0 : index
      %swap3A_74 = tpu.vector_load %arg9[%swap3A_73] {strides = array<i32>} : memref<224xf32, #tpu.memory_space<vmem>>, vector<16xf32>,
      tpu.vector_store %arg9[%swap3A_73], %add3A_56 {strides = array<i32>} : memref<224xf32, #tpu.memory_space<vmem>>, vector<16xf32>,
      %swap3A_75 = arith.constant 64 : index
      %swap3A_76 = tpu.vector_load %arg9[%swap3A_75] {strides = array<i32>} : memref<224xf32, #tpu.memory_space<vmem>>, vector<16xf32>,
      tpu.vector_store %arg9[%swap3A_75], %add3A_64 {strides = array<i32>} : memref<224xf32, #tpu.memory_space<vmem>>, vector<16xf32>,
      %swap3A_77 = arith.constant 128 : index
      %swap3A_78 = tpu.vector_load %arg9[%swap3A_77] {strides = array<i32>} : memref<224xf32, #tpu.memory_space<vmem>>, vector<16xf32>,
      tpu.vector_store %arg9[%swap3A_77], %add3A_72 {strides = array<i32>} : memref<224xf32, #tpu.memory_space<vmem>>, vector<16xf32>,
      %mul3A_79 = arith.mulf %add3A_56, %add3A_56 : vector<16xf32>
      %mul3A_80 = arith.mulf %add3A_64, %add3A_64 : vector<16xf32>
      %add3A_81 = arith.addf %mul3A_79, %mul3A_80 : vector<16xf32>
      %mul3A_82 = arith.mulf %add3A_72, %add3A_72 : vector<16xf32>
      %add3A_83 = arith.addf %add3A_81, %mul3A_82 : vector<16xf32>
      %swap3A_84 = arith.constant 0 : index
      %swap3A_85 = tpu.vector_load %arg12[%swap3A_84] {strides = array<i32>} : memref<64xf32, #tpu.memory_space<vmem>>, vector<16xf32>,
      tpu.vector_store %arg12[%swap3A_84], %add3A_83 {strides = array<i32>} : memref<64xf32, #tpu.memory_space<vmem>>, vector<16xf32>,
      %get3A_86 = arith.constant 0 : index
      %get3A_87 = tpu.vector_load %arg8[%get3A_86] {strides = array<i32>} : memref<192xf32, #tpu.memory_space<vmem>>, vector<16xf32>,
      %sub3A = arith.subf %get3A_87, %get3A_44 : vector<16xf32>
      %swap3A_88 = arith.constant 0 : index
      %swap3A_89 = tpu.vector_load %arg10[%swap3A_88] {strides = array<i32>} : memref<192xf32, #tpu.memory_space<vmem>>, vector<16xf32>,
      tpu.vector_store %arg10[%swap3A_88], %sub3A {strides = array<i32>} : memref<192xf32, #tpu.memory_space<vmem>>, vector<16xf32>,
      %get3A_90 = arith.constant 64 : index
      %get3A_91 = tpu.vector_load %arg8[%get3A_90] {strides = array<i32>} : memref<192xf32, #tpu.memory_space<vmem>>, vector<16xf32>,
      %sub3A_92 = arith.subf %get3A_91, %get3A_46 : vector<16xf32>
      %swap3A_93 = arith.constant 64 : index
      %swap3A_94 = tpu.vector_load %arg10[%swap3A_93] {strides = array<i32>} : memref<192xf32, #tpu.memory_space<vmem>>, vector<16xf32>,
      tpu.vector_store %arg10[%swap3A_93], %sub3A_92 {strides = array<i32>} : memref<192xf32, #tpu.memory_space<vmem>>, vector<16xf32>,
      %get3A_95 = arith.constant 128 : index
      %get3A_96 = tpu.vector_load %arg8[%get3A_95] {strides = array<i32>} : memref<192xf32, #tpu.memory_space<vmem>>, vector<16xf32>,
      %sub3A_97 = arith.subf %get3A_96, %get3A_48 : vector<16xf32>
      %swap3A_98 = arith.constant 128 : index
      %swap3A_99 = tpu.vector_load %arg10[%swap3A_98] {strides = array<i32>} : memref<192xf32, #tpu.memory_space<vmem>>, vector<16xf32>,
      tpu.vector_store %arg10[%swap3A_98], %sub3A_97 {strides = array<i32>} : memref<192xf32, #tpu.memory_space<vmem>>, vector<16xf32>,
      %get3A_100 = arith.constant 16 : index
      %get3A_101 = tpu.vector_load %arg7[%get3A_100] {strides = array<i32>} : memref<192xf32, #tpu.memory_space<vmem>>, vector<16xf32>,
      %get3A_102 = arith.constant 80 : index
      %get3A_103 = tpu.vector_load %arg7[%get3A_102] {strides = array<i32>} : memref<192xf32, #tpu.memory_space<vmem>>, vector<16xf32>,
      %get3A_104 = arith.constant 144 : index
      %get3A_105 = tpu.vector_load %arg7[%get3A_104] {strides = array<i32>} : memref<192xf32, #tpu.memory_space<vmem>>, vector<16xf32>,
      %mul3A_106 = vector.broadcast %squeeze3A : f32 to vector<16xf32>
      %mul3A_107 = arith.mulf %get3A_101, %mul3A_106 : vector<16xf32>
      %mul3A_108 = vector.broadcast %squeeze3A_32 : f32 to vector<16xf32>
      %mul3A_109 = arith.mulf %get3A_103, %mul3A_108 : vector<16xf32>
      %add3A_110 = arith.addf %mul3A_107, %mul3A_109 : vector<16xf32>
      %mul3A_111 = vector.broadcast %squeeze3A_38 : f32 to vector<16xf32>
      %mul3A_112 = arith.mulf %get3A_105, %mul3A_111 : vector<16xf32>
      %add3A_113 = arith.addf %add3A_110, %mul3A_112 : vector<16xf32>
      %mul3A_114 = vector.broadcast %squeeze3A_28 : f32 to vector<16xf32>
      %mul3A_115 = arith.mulf %get3A_101, %mul3A_114 : vector<16xf32>
      %mul3A_116 = vector.broadcast %squeeze3A_34 : f32 to vector<16xf32>
      %mul3A_117 = arith.mulf %get3A_103, %mul3A_116 : vector<16xf32>
      %add3A_118 = arith.addf %mul3A_115, %mul3A_117 : vector<16xf32>
      %mul3A_119 = vector.broadcast %squeeze3A_40 : f32 to vector<16xf32>
      %mul3A_120 = arith.mulf %get3A_105, %mul3A_119 : vector<16xf32>
      %add3A_121 = arith.addf %add3A_118, %mul3A_120 : vector<16xf32>
      %mul3A_122 = vector.broadcast %squeeze3A_30 : f32 to vector<16xf32>
      %mul3A_123 = arith.mulf %get3A_101, %mul3A_122 : vector<16xf32>
      %mul3A_124 = vector.broadcast %squeeze3A_36 : f32 to vector<16xf32>
      %mul3A_125 = arith.mulf %get3A_103, %mul3A_124 : vector<16xf32>
      %add3A_126 = arith.addf %mul3A_123, %mul3A_125 : vector<16xf32>
      %mul3A_127 = vector.broadcast %squeeze3A_42 : f32 to vector<16xf32>
      %mul3A_128 = arith.mulf %get3A_105, %mul3A_127 : vector<16xf32>
      %add3A_129 = arith.addf %add3A_126, %mul3A_128 : vector<16xf32>
      %swap3A_130 = arith.constant 16 : index
      %swap3A_131 = tpu.vector_load %arg9[%swap3A_130] {strides = array<i32>} : memref<224xf32, #tpu.memory_space<vmem>>, vector<16xf32>,
      tpu.vector_store %arg9[%swap3A_130], %add3A_113 {strides = array<i32>} : memref<224xf32, #tpu.memory_space<vmem>>, vector<16xf32>,
      %swap3A_132 = arith.constant 80 : index
      %swap3A_133 = tpu.vector_load %arg9[%swap3A_132] {strides = array<i32>} : memref<224xf32, #tpu.memory_space<vmem>>, vector<16xf32>,
      tpu.vector_store %arg9[%swap3A_132], %add3A_121 {strides = array<i32>} : memref<224xf32, #tpu.memory_space<vmem>>, vector<16xf32>,
      %swap3A_134 = arith.constant 144 : index
      %swap3A_135 = tpu.vector_load %arg9[%swap3A_134] {strides = array<i32>} : memref<224xf32, #tpu.memory_space<vmem>>, vector<16xf32>,
      tpu.vector_store %arg9[%swap3A_134], %add3A_129 {strides = array<i32>} : memref<224xf32, #tpu.memory_space<vmem>>, vector<16xf32>,
      %mul3A_136 = arith.mulf %add3A_113, %add3A_113 : vector<16xf32>
      %mul3A_137 = arith.mulf %add3A_121, %add3A_121 : vector<16xf32>
      %add3A_138 = arith.addf %mul3A_136, %mul3A_137 : vector<16xf32>
      %mul3A_139 = arith.mulf %add3A_129, %add3A_129 : vector<16xf32>
      %add3A_140 = arith.addf %add3A_138, %mul3A_139 : vector<16xf32>
      %swap3A_141 = arith.constant 16 : index
      %swap3A_142 = tpu.vector_load %arg12[%swap3A_141] {strides = array<i32>} : memref<64xf32, #tpu.memory_space<vmem>>, vector<16xf32>,
      tpu.vector_store %arg12[%swap3A_141], %add3A_140 {strides = array<i32>} : memref<64xf32, #tpu.memory_space<vmem>>, vector<16xf32>,
      %get3A_143 = arith.constant 16 : index
      %get3A_144 = tpu.vector_load %arg8[%get3A_143] {strides = array<i32>} : memref<192xf32, #tpu.memory_space<vmem>>, vector<16xf32>,
      %sub3A_145 = arith.subf %get3A_144, %get3A_101 : vector<16xf32>
      %swap3A_146 = arith.constant 16 : index
      %swap3A_147 = tpu.vector_load %arg10[%swap3A_146] {strides = array<i32>} : memref<192xf32, #tpu.memory_space<vmem>>, vector<16xf32>,
      tpu.vector_store %arg10[%swap3A_146], %sub3A_145 {strides = array<i32>} : memref<192xf32, #tpu.memory_space<vmem>>, vector<16xf32>,
      %get3A_148 = arith.constant 80 : index
      %get3A_149 = tpu.vector_load %arg8[%get3A_148] {strides = array<i32>} : memref<192xf32, #tpu.memory_space<vmem>>, vector<16xf32>,
      %sub3A_150 = arith.subf %get3A_149, %get3A_103 : vector<16xf32>
      %swap3A_151 = arith.constant 80 : index
      %swap3A_152 = tpu.vector_load %arg10[%swap3A_151] {strides = array<i32>} : memref<192xf32, #tpu.memory_space<vmem>>, vector<16xf32>,
      tpu.vector_store %arg10[%swap3A_151], %sub3A_150 {strides = array<i32>} : memref<192xf32, #tpu.memory_space<vmem>>, vector<16xf32>,
      %get3A_153 = arith.constant 144 : index
      %get3A_154 = tpu.vector_load %arg8[%get3A_153] {strides = array<i32>} : memref<192xf32, #tpu.memory_space<vmem>>, vector<16xf32>,
      %sub3A_155 = arith.subf %get3A_154, %get3A_105 : vector<16xf32>
      %swap3A_156 = arith.constant 144 : index
      %swap3A_157 = tpu.vector_load %arg10[%swap3A_156] {strides = array<i32>} : memref<192xf32, #tpu.memory_space<vmem>>, vector<16xf32>,
      tpu.vector_store %arg10[%swap3A_156], %sub3A_155 {strides = array<i32>} : memref<192xf32, #tpu.memory_space<vmem>>, vector<16xf32>,
      %get3A_158 = arith.constant 32 : index
      %get3A_159 = tpu.vector_load %arg7[%get3A_158] {strides = array<i32>} : memref<192xf32, #tpu.memory_space<vmem>>, vector<16xf32>,
      %get3A_160 = arith.constant 96 : index
      %get3A_161 = tpu.vector_load %arg7[%get3A_160] {strides = array<i32>} : memref<192xf32, #tpu.memory_space<vmem>>, vector<16xf32>,
      %get3A_162 = arith.constant 160 : index
      %get3A_163 = tpu.vector_load %arg7[%get3A_162] {strides = array<i32>} : memref<192xf32, #tpu.memory_space<vmem>>, vector<16xf32>,
      %mul3A_164 = vector.broadcast %squeeze3A : f32 to vector<16xf32>
      %mul3A_165 = arith.mulf %get3A_159, %mul3A_164 : vector<16xf32>
      %mul3A_166 = vector.broadcast %squeeze3A_32 : f32 to vector<16xf32>
      %mul3A_167 = arith.mulf %get3A_161, %mul3A_166 : vector<16xf32>
      %add3A_168 = arith.addf %mul3A_165, %mul3A_167 : vector<16xf32>
      %mul3A_169 = vector.broadcast %squeeze3A_38 : f32 to vector<16xf32>
      %mul3A_170 = arith.mulf %get3A_163, %mul3A_169 : vector<16xf32>
      %add3A_171 = arith.addf %add3A_168, %mul3A_170 : vector<16xf32>
      %mul3A_172 = vector.broadcast %squeeze3A_28 : f32 to vector<16xf32>
      %mul3A_173 = arith.mulf %get3A_159, %mul3A_172 : vector<16xf32>
      %mul3A_174 = vector.broadcast %squeeze3A_34 : f32 to vector<16xf32>
      %mul3A_175 = arith.mulf %get3A_161, %mul3A_174 : vector<16xf32>
      %add3A_176 = arith.addf %mul3A_173, %mul3A_175 : vector<16xf32>
      %mul3A_177 = vector.broadcast %squeeze3A_40 : f32 to vector<16xf32>
      %mul3A_178 = arith.mulf %get3A_163, %mul3A_177 : vector<16xf32>
      %add3A_179 = arith.addf %add3A_176, %mul3A_178 : vector<16xf32>
      %mul3A_180 = vector.broadcast %squeeze3A_30 : f32 to vector<16xf32>
      %mul3A_181 = arith.mulf %get3A_159, %mul3A_180 : vector<16xf32>
      %mul3A_182 = vector.broadcast %squeeze3A_36 : f32 to vector<16xf32>
      %mul3A_183 = arith.mulf %get3A_161, %mul3A_182 : vector<16xf32>
      %add3A_184 = arith.addf %mul3A_181, %mul3A_183 : vector<16xf32>
      %mul3A_185 = vector.broadcast %squeeze3A_42 : f32 to vector<16xf32>
      %mul3A_186 = arith.mulf %get3A_163, %mul3A_185 : vector<16xf32>
      %add3A_187 = arith.addf %add3A_184, %mul3A_186 : vector<16xf32>
      %swap3A_188 = arith.constant 32 : index
      %swap3A_189 = tpu.vector_load %arg9[%swap3A_188] {strides = array<i32>} : memref<224xf32, #tpu.memory_space<vmem>>, vector<16xf32>,
      tpu.vector_store %arg9[%swap3A_188], %add3A_171 {strides = array<i32>} : memref<224xf32, #tpu.memory_space<vmem>>, vector<16xf32>,
      %swap3A_190 = arith.constant 96 : index
      %swap3A_191 = tpu.vector_load %arg9[%swap3A_190] {strides = array<i32>} : memref<224xf32, #tpu.memory_space<vmem>>, vector<16xf32>,
      tpu.vector_store %arg9[%swap3A_190], %add3A_179 {strides = array<i32>} : memref<224xf32, #tpu.memory_space<vmem>>, vector<16xf32>,
      %swap3A_192 = arith.constant 160 : index
      %swap3A_193 = tpu.vector_load %arg9[%swap3A_192] {strides = array<i32>} : memref<224xf32, #tpu.memory_space<vmem>>, vector<16xf32>,
      tpu.vector_store %arg9[%swap3A_192], %add3A_187 {strides = array<i32>} : memref<224xf32, #tpu.memory_space<vmem>>, vector<16xf32>,
      %mul3A_194 = arith.mulf %add3A_171, %add3A_171 : vector<16xf32>
      %mul3A_195 = arith.mulf %add3A_179, %add3A_179 : vector<16xf32>
      %add3A_196 = arith.addf %mul3A_194, %mul3A_195 : vector<16xf32>
      %mul3A_197 = arith.mulf %add3A_187, %add3A_187 : vector<16xf32>
      %add3A_198 = arith.addf %add3A_196, %mul3A_197 : vector<16xf32>
      %swap3A_199 = arith.constant 32 : index
      %swap3A_200 = tpu.vector_load %arg12[%swap3A_199] {strides = array<i32>} : memref<64xf32, #tpu.memory_space<vmem>>, vector<16xf32>,
      tpu.vector_store %arg12[%swap3A_199], %add3A_198 {strides = array<i32>} : memref<64xf32, #tpu.memory_space<vmem>>, vector<16xf32>,
      %get3A_201 = arith.constant 32 : index
      %get3A_202 = tpu.vector_load %arg8[%get3A_201] {strides = array<i32>} : memref<192xf32, #tpu.memory_space<vmem>>, vector<16xf32>,
      %sub3A_203 = arith.subf %get3A_202, %get3A_159 : vector<16xf32>
      %swap3A_204 = arith.constant 32 : index
      %swap3A_205 = tpu.vector_load %arg10[%swap3A_204] {strides = array<i32>} : memref<192xf32, #tpu.memory_space<vmem>>, vector<16xf32>,
      tpu.vector_store %arg10[%swap3A_204], %sub3A_203 {strides = array<i32>} : memref<192xf32, #tpu.memory_space<vmem>>, vector<16xf32>,
      %get3A_206 = arith.constant 96 : index
      %get3A_207 = tpu.vector_load %arg8[%get3A_206] {strides = array<i32>} : memref<192xf32, #tpu.memory_space<vmem>>, vector<16xf32>,
      %sub3A_208 = arith.subf %get3A_207, %get3A_161 : vector<16xf32>
      %swap3A_209 = arith.constant 96 : index
      %swap3A_210 = tpu.vector_load %arg10[%swap3A_209] {strides = array<i32>} : memref<192xf32, #tpu.memory_space<vmem>>, vector<16xf32>,
      tpu.vector_store %arg10[%swap3A_209], %sub3A_208 {strides = array<i32>} : memref<192xf32, #tpu.memory_space<vmem>>, vector<16xf32>,
      %get3A_211 = arith.constant 160 : index
      %get3A_212 = tpu.vector_load %arg8[%get3A_211] {strides = array<i32>} : memref<192xf32, #tpu.memory_space<vmem>>, vector<16xf32>,
      %sub3A_213 = arith.subf %get3A_212, %get3A_163 : vector<16xf32>
      %swap3A_214 = arith.constant 160 : index
      %swap3A_215 = tpu.vector_load %arg10[%swap3A_214] {strides = array<i32>} : memref<192xf32, #tpu.memory_space<vmem>>, vector<16xf32>,
      tpu.vector_store %arg10[%swap3A_214], %sub3A_213 {strides = array<i32>} : memref<192xf32, #tpu.memory_space<vmem>>, vector<16xf32>,
      %get3A_216 = arith.constant 48 : index
      %get3A_217 = tpu.vector_load %arg7[%get3A_216] {strides = array<i32>} : memref<192xf32, #tpu.memory_space<vmem>>, vector<16xf32>,
      %get3A_218 = arith.constant 112 : index
      %get3A_219 = tpu.vector_load %arg7[%get3A_218] {strides = array<i32>} : memref<192xf32, #tpu.memory_space<vmem>>, vector<16xf32>,
      %get3A_220 = arith.constant 176 : index
      %get3A_221 = tpu.vector_load %arg7[%get3A_220] {strides = array<i32>} : memref<192xf32, #tpu.memory_space<vmem>>, vector<16xf32>,
      %mul3A_222 = vector.broadcast %squeeze3A : f32 to vector<16xf32>
      %mul3A_223 = arith.mulf %get3A_217, %mul3A_222 : vector<16xf32>
      %mul3A_224 = vector.broadcast %squeeze3A_32 : f32 to vector<16xf32>
      %mul3A_225 = arith.mulf %get3A_219, %mul3A_224 : vector<16xf32>
      %add3A_226 = arith.addf %mul3A_223, %mul3A_225 : vector<16xf32>
      %mul3A_227 = vector.broadcast %squeeze3A_38 : f32 to vector<16xf32>
      %mul3A_228 = arith.mulf %get3A_221, %mul3A_227 : vector<16xf32>
      %add3A_229 = arith.addf %add3A_226, %mul3A_228 : vector<16xf32>
      %mul3A_230 = vector.broadcast %squeeze3A_28 : f32 to vector<16xf32>
      %mul3A_231 = arith.mulf %get3A_217, %mul3A_230 : vector<16xf32>
      %mul3A_232 = vector.broadcast %squeeze3A_34 : f32 to vector<16xf32>
      %mul3A_233 = arith.mulf %get3A_219, %mul3A_232 : vector<16xf32>
      %add3A_234 = arith.addf %mul3A_231, %mul3A_233 : vector<16xf32>
      %mul3A_235 = vector.broadcast %squeeze3A_40 : f32 to vector<16xf32>
      %mul3A_236 = arith.mulf %get3A_221, %mul3A_235 : vector<16xf32>
      %add3A_237 = arith.addf %add3A_234, %mul3A_236 : vector<16xf32>
      %mul3A_238 = vector.broadcast %squeeze3A_30 : f32 to vector<16xf32>
      %mul3A_239 = arith.mulf %get3A_217, %mul3A_238 : vector<16xf32>
      %mul3A_240 = vector.broadcast %squeeze3A_36 : f32 to vector<16xf32>
      %mul3A_241 = arith.mulf %get3A_219, %mul3A_240 : vector<16xf32>
      %add3A_242 = arith.addf %mul3A_239, %mul3A_241 : vector<16xf32>
      %mul3A_243 = vector.broadcast %squeeze3A_42 : f32 to vector<16xf32>
      %mul3A_244 = arith.mulf %get3A_221, %mul3A_243 : vector<16xf32>
      %add3A_245 = arith.addf %add3A_242, %mul3A_244 : vector<16xf32>
      %swap3A_246 = arith.constant 48 : index
      %swap3A_247 = tpu.vector_load %arg9[%swap3A_246] {strides = array<i32>} : memref<224xf32, #tpu.memory_space<vmem>>, vector<16xf32>,
      tpu.vector_store %arg9[%swap3A_246], %add3A_229 {strides = array<i32>} : memref<224xf32, #tpu.memory_space<vmem>>, vector<16xf32>,
      %swap3A_248 = arith.constant 112 : index
      %swap3A_249 = tpu.vector_load %arg9[%swap3A_248] {strides = array<i32>} : memref<224xf32, #tpu.memory_space<vmem>>, vector<16xf32>,
      tpu.vector_store %arg9[%swap3A_248], %add3A_237 {strides = array<i32>} : memref<224xf32, #tpu.memory_space<vmem>>, vector<16xf32>,
      %swap3A_250 = arith.constant 176 : index
      %swap3A_251 = tpu.vector_load %arg9[%swap3A_250] {strides = array<i32>} : memref<224xf32, #tpu.memory_space<vmem>>, vector<16xf32>,
      tpu.vector_store %arg9[%swap3A_250], %add3A_245 {strides = array<i32>} : memref<224xf32, #tpu.memory_space<vmem>>, vector<16xf32>,
      %mul3A_252 = arith.mulf %add3A_229, %add3A_229 : vector<16xf32>
      %mul3A_253 = arith.mulf %add3A_237, %add3A_237 : vector<16xf32>
      %add3A_254 = arith.addf %mul3A_252, %mul3A_253 : vector<16xf32>
      %mul3A_255 = arith.mulf %add3A_245, %add3A_245 : vector<16xf32>
      %add3A_256 = arith.addf %add3A_254, %mul3A_255 : vector<16xf32>
      %swap3A_257 = arith.constant 48 : index
      %swap3A_258 = tpu.vector_load %arg12[%swap3A_257] {strides = array<i32>} : memref<64xf32, #tpu.memory_space<vmem>>, vector<16xf32>,
      tpu.vector_store %arg12[%swap3A_257], %add3A_256 {strides = array<i32>} : memref<64xf32, #tpu.memory_space<vmem>>, vector<16xf32>,
      %get3A_259 = arith.constant 48 : index
      %get3A_260 = tpu.vector_load %arg8[%get3A_259] {strides = array<i32>} : memref<192xf32, #tpu.memory_space<vmem>>, vector<16xf32>,
      %sub3A_261 = arith.subf %get3A_260, %get3A_217 : vector<16xf32>
      %swap3A_262 = arith.constant 48 : index
      %swap3A_263 = tpu.vector_load %arg10[%swap3A_262] {strides = array<i32>} : memref<192xf32, #tpu.memory_space<vmem>>, vector<16xf32>,
      tpu.vector_store %arg10[%swap3A_262], %sub3A_261 {strides = array<i32>} : memref<192xf32, #tpu.memory_space<vmem>>, vector<16xf32>,
      %get3A_264 = arith.constant 112 : index
      %get3A_265 = tpu.vector_load %arg8[%get3A_264] {strides = array<i32>} : memref<192xf32, #tpu.memory_space<vmem>>, vector<16xf32>,
      %sub3A_266 = arith.subf %get3A_265, %get3A_219 : vector<16xf32>
      %swap3A_267 = arith.constant 112 : index
      %swap3A_268 = tpu.vector_load %arg10[%swap3A_267] {strides = array<i32>} : memref<192xf32, #tpu.memory_space<vmem>>, vector<16xf32>,
      tpu.vector_store %arg10[%swap3A_267], %sub3A_266 {strides = array<i32>} : memref<192xf32, #tpu.memory_space<vmem>>, vector<16xf32>,
      %get3A_269 = arith.constant 176 : index
      %get3A_270 = tpu.vector_load %arg8[%get3A_269] {strides = array<i32>} : memref<192xf32, #tpu.memory_space<vmem>>, vector<16xf32>,
      %sub3A_271 = arith.subf %get3A_270, %get3A_221 : vector<16xf32>
      %swap3A_272 = arith.constant 176 : index
      %swap3A_273 = tpu.vector_load %arg10[%swap3A_272] {strides = array<i32>} : memref<192xf32, #tpu.memory_space<vmem>>, vector<16xf32>,
      tpu.vector_store %arg10[%swap3A_272], %sub3A_271 {strides = array<i32>} : memref<192xf32, #tpu.memory_space<vmem>>, vector<16xf32>,
      %add3A_274 = arith.constant 0 : i32
      %add3A_275 = vector.broadcast %add3A_274 : i32 to vector<16xi32>
      %add3A_276 = arith.addi %iota3A, %add3A_275 : vector<16xi32>
      %mul3A_277 = arith.constant 1366 : i32
      %mul3A_278 = vector.broadcast %mul3A_277 : i32 to vector<16xi32>
      %mul3A_279 = arith.muli %add3A_276, %mul3A_278 : vector<16xi32>
      %shift_right_arithmetic3A = arith.constant 12 : i32
      %shift_right_arithmetic3A_280 = vector.broadcast %shift_right_arithmetic3A : i32 to vector<16xi32>
      %shift_right_arithmetic3A_281 = arith.shrsi %mul3A_279, %shift_right_arithmetic3A_280 : vector<16xi32>
      %mul3A_282 = arith.constant 1366 : i32
      %mul3A_283 = vector.broadcast %mul3A_282 : i32 to vector<16xi32>
      %mul3A_284 = arith.muli %shift_right_arithmetic3A_281, %mul3A_283 : vector<16xi32>
      %shift_right_arithmetic3A_285 = arith.constant 12 : i32
      %shift_right_arithmetic3A_286 = vector.broadcast %shift_right_arithmetic3A_285 : i32 to vector<16xi32>
      %shift_right_arithmetic3A_287 = arith.shrsi %mul3A_284, %shift_right_arithmetic3A_286 : vector<16xi32>
      %sub3A_288 = arith.constant 1 : i32
      %sub3A_289 = vector.broadcast %sub3A_288 : i32 to vector<16xi32>
      %sub3A_290 = arith.subi %shift_right_arithmetic3A_287, %sub3A_289 : vector<16xi32>
      %convert_element_type3A = arith.sitofp %sub3A_290 : vector<16xi32> to vector<16xf32>
      %jit3A = arith.constant 3 : i32
      %eq3A = arith.constant 0 : i32
      %eq3A_291 = arith.cmpi eq, %jit3A, %eq3A : i32
      %jit3A_292 = arith.constant 1 : i32
      %select_n3A = arith.select %eq3A_291, %jit3A_292, %jit3A : i32
      %rem3A = vector.broadcast %select_n3A : i32 to vector<16xi32>
      %rem3A_293 = arith.remsi %shift_right_arithmetic3A_281, %rem3A : vector<16xi32>
      %ne3A = arith.constant 0 : i32
      %ne3A_294 = vector.broadcast %ne3A : i32 to vector<16xi32>
      %ne3A_295 = arith.cmpi ne, %rem3A_293, %ne3A_294 : vector<16xi32>
      %lt3A = arith.constant 0 : i32
      %lt3A_296 = vector.broadcast %lt3A : i32 to vector<16xi32>
      %lt3A_297 = arith.cmpi slt, %rem3A_293, %lt3A_296 : vector<16xi32>
      %lt3A_298 = arith.constant 0 : i32
      %lt3A_299 = arith.cmpi slt, %select_n3A, %lt3A_298 : i32
      %ne3A_300 = vector.broadcast %lt3A_299 : i1 to vector<16xi1>
      %ne3A_301 = vector.broadcast %ne3A_300 : vector<16xi1> to vector<16xi1>
      %ne3A_302 = arith.xori %lt3A_297, %ne3A_301 : vector<16xi1>
      %and3A = arith.andi %ne3A_302, %ne3A_295 : vector<16xi1>
      %add3A_303 = vector.broadcast %select_n3A : i32 to vector<16xi32>
      %add3A_304 = arith.addi %rem3A_293, %add3A_303 : vector<16xi32>
      %select_n3A_305 = arith.select %and3A, %add3A_304, %rem3A_293 : vector<16xi1>, vector<16xi32>
      %sub3A_306 = arith.constant 1 : i32
      %sub3A_307 = vector.broadcast %sub3A_306 : i32 to vector<16xi32>
      %sub3A_308 = arith.subi %select_n3A_305, %sub3A_307 : vector<16xi32>
      %convert_element_type3A_309 = arith.sitofp %sub3A_308 : vector<16xi32> to vector<16xf32>
      %jit3A_310 = arith.constant 3 : i32
      %eq3A_311 = arith.constant 0 : i32
      %eq3A_312 = arith.cmpi eq, %jit3A_310, %eq3A_311 : i32
      %jit3A_313 = arith.constant 1 : i32
      %select_n3A_314 = arith.select %eq3A_312, %jit3A_313, %jit3A_310 : i32
      %rem3A_315 = vector.broadcast %select_n3A_314 : i32 to vector<16xi32>
      %rem3A_316 = arith.remsi %add3A_276, %rem3A_315 : vector<16xi32>
      %ne3A_317 = arith.constant 0 : i32
      %ne3A_318 = vector.broadcast %ne3A_317 : i32 to vector<16xi32>
      %ne3A_319 = arith.cmpi ne, %rem3A_316, %ne3A_318 : vector<16xi32>
      %lt3A_320 = arith.constant 0 : i32
      %lt3A_321 = vector.broadcast %lt3A_320 : i32 to vector<16xi32>
      %lt3A_322 = arith.cmpi slt, %rem3A_316, %lt3A_321 : vector<16xi32>
      %lt3A_323 = arith.constant 0 : i32
      %lt3A_324 = arith.cmpi slt, %select_n3A_314, %lt3A_323 : i32
      %ne3A_325 = vector.broadcast %lt3A_324 : i1 to vector<16xi1>
      %ne3A_326 = vector.broadcast %ne3A_325 : vector<16xi1> to vector<16xi1>
      %ne3A_327 = arith.xori %lt3A_322, %ne3A_326 : vector<16xi1>
      %and3A_328 = arith.andi %ne3A_327, %ne3A_319 : vector<16xi1>
      %add3A_329 = vector.broadcast %select_n3A_314 : i32 to vector<16xi32>
      %add3A_330 = arith.addi %rem3A_316, %add3A_329 : vector<16xi32>
      %select_n3A_331 = arith.select %and3A_328, %add3A_330, %rem3A_316 : vector<16xi1>, vector<16xi32>
      %sub3A_332 = arith.constant 1 : i32
      %sub3A_333 = vector.broadcast %sub3A_332 : i32 to vector<16xi32>
      %sub3A_334 = arith.subi %select_n3A_331, %sub3A_333 : vector<16xi32>
      %convert_element_type3A_335 = arith.sitofp %sub3A_334 : vector<16xi32> to vector<16xf32>
      %mul3A_336 = vector.broadcast %squeeze3A : f32 to vector<16xf32>
      %mul3A_337 = arith.mulf %convert_element_type3A, %mul3A_336 : vector<16xf32>
      %mul3A_338 = vector.broadcast %squeeze3A_32 : f32 to vector<16xf32>
      %mul3A_339 = arith.mulf %convert_element_type3A_309, %mul3A_338 : vector<16xf32>
      %add3A_340 = arith.addf %mul3A_337, %mul3A_339 : vector<16xf32>
      %mul3A_341 = vector.broadcast %squeeze3A_38 : f32 to vector<16xf32>
      %mul3A_342 = arith.mulf %convert_element_type3A_335, %mul3A_341 : vector<16xf32>
      %add3A_343 = arith.addf %add3A_340, %mul3A_342 : vector<16xf32>
      %swap3A_344 = arith.constant 0 : index
      %swap3A_345 = tpu.vector_load %arg11[%swap3A_344] {strides = array<i32>} : memref<128xf32, #tpu.memory_space<vmem>>, vector<16xf32>,
      tpu.vector_store %arg11[%swap3A_344], %add3A_343 {strides = array<i32>} : memref<128xf32, #tpu.memory_space<vmem>>, vector<16xf32>,
      %mul3A_346 = vector.broadcast %squeeze3A_28 : f32 to vector<16xf32>
      %mul3A_347 = arith.mulf %convert_element_type3A, %mul3A_346 : vector<16xf32>
      %mul3A_348 = vector.broadcast %squeeze3A_34 : f32 to vector<16xf32>
      %mul3A_349 = arith.mulf %convert_element_type3A_309, %mul3A_348 : vector<16xf32>
      %add3A_350 = arith.addf %mul3A_347, %mul3A_349 : vector<16xf32>
      %mul3A_351 = vector.broadcast %squeeze3A_40 : f32 to vector<16xf32>
      %mul3A_352 = arith.mulf %convert_element_type3A_335, %mul3A_351 : vector<16xf32>
      %add3A_353 = arith.addf %add3A_350, %mul3A_352 : vector<16xf32>
      %swap3A_354 = arith.constant 32 : index
      %swap3A_355 = tpu.vector_load %arg11[%swap3A_354] {strides = array<i32>} : memref<128xf32, #tpu.memory_space<vmem>>, vector<16xf32>,
      tpu.vector_store %arg11[%swap3A_354], %add3A_353 {strides = array<i32>} : memref<128xf32, #tpu.memory_space<vmem>>, vector<16xf32>,
      %mul3A_356 = vector.broadcast %squeeze3A_30 : f32 to vector<16xf32>
      %mul3A_357 = arith.mulf %convert_element_type3A, %mul3A_356 : vector<16xf32>
      %mul3A_358 = vector.broadcast %squeeze3A_36 : f32 to vector<16xf32>
      %mul3A_359 = arith.mulf %convert_element_type3A_309, %mul3A_358 : vector<16xf32>
      %add3A_360 = arith.addf %mul3A_357, %mul3A_359 : vector<16xf32>
      %mul3A_361 = vector.broadcast %squeeze3A_42 : f32 to vector<16xf32>
      %mul3A_362 = arith.mulf %convert_element_type3A_335, %mul3A_361 : vector<16xf32>
      %add3A_363 = arith.addf %add3A_360, %mul3A_362 : vector<16xf32>
      %swap3A_364 = arith.constant 64 : index
      %swap3A_365 = tpu.vector_load %arg11[%swap3A_364] {strides = array<i32>} : memref<128xf32, #tpu.memory_space<vmem>>, vector<16xf32>,
      tpu.vector_store %arg11[%swap3A_364], %add3A_363 {strides = array<i32>} : memref<128xf32, #tpu.memory_space<vmem>>, vector<16xf32>,
      %add3A_366 = arith.constant 16 : i32
      %add3A_367 = vector.broadcast %add3A_366 : i32 to vector<16xi32>
      %add3A_368 = arith.addi %iota3A, %add3A_367 : vector<16xi32>
      %mul3A_369 = arith.constant 1366 : i32
      %mul3A_370 = vector.broadcast %mul3A_369 : i32 to vector<16xi32>
      %mul3A_371 = arith.muli %add3A_368, %mul3A_370 : vector<16xi32>
      %shift_right_arithmetic3A_372 = arith.constant 12 : i32
      %shift_right_arithmetic3A_373 = vector.broadcast %shift_right_arithmetic3A_372 : i32 to vector<16xi32>
      %shift_right_arithmetic3A_374 = arith.shrsi %mul3A_371, %shift_right_arithmetic3A_373 : vector<16xi32>
      %mul3A_375 = arith.constant 1366 : i32
      %mul3A_376 = vector.broadcast %mul3A_375 : i32 to vector<16xi32>
      %mul3A_377 = arith.muli %shift_right_arithmetic3A_374, %mul3A_376 : vector<16xi32>
      %shift_right_arithmetic3A_378 = arith.constant 12 : i32
      %shift_right_arithmetic3A_379 = vector.broadcast %shift_right_arithmetic3A_378 : i32 to vector<16xi32>
      %shift_right_arithmetic3A_380 = arith.shrsi %mul3A_377, %shift_right_arithmetic3A_379 : vector<16xi32>
      %sub3A_381 = arith.constant 1 : i32
      %sub3A_382 = vector.broadcast %sub3A_381 : i32 to vector<16xi32>
      %sub3A_383 = arith.subi %shift_right_arithmetic3A_380, %sub3A_382 : vector<16xi32>
      %convert_element_type3A_384 = arith.sitofp %sub3A_383 : vector<16xi32> to vector<16xf32>
      %jit3A_385 = arith.constant 3 : i32
      %eq3A_386 = arith.constant 0 : i32
      %eq3A_387 = arith.cmpi eq, %jit3A_385, %eq3A_386 : i32
      %jit3A_388 = arith.constant 1 : i32
      %select_n3A_389 = arith.select %eq3A_387, %jit3A_388, %jit3A_385 : i32
      %rem3A_390 = vector.broadcast %select_n3A_389 : i32 to vector<16xi32>
      %rem3A_391 = arith.remsi %shift_right_arithmetic3A_374, %rem3A_390 : vector<16xi32>
      %ne3A_392 = arith.constant 0 : i32
      %ne3A_393 = vector.broadcast %ne3A_392 : i32 to vector<16xi32>
      %ne3A_394 = arith.cmpi ne, %rem3A_391, %ne3A_393 : vector<16xi32>
      %lt3A_395 = arith.constant 0 : i32
      %lt3A_396 = vector.broadcast %lt3A_395 : i32 to vector<16xi32>
      %lt3A_397 = arith.cmpi slt, %rem3A_391, %lt3A_396 : vector<16xi32>
      %lt3A_398 = arith.constant 0 : i32
      %lt3A_399 = arith.cmpi slt, %select_n3A_389, %lt3A_398 : i32
      %ne3A_400 = vector.broadcast %lt3A_399 : i1 to vector<16xi1>
      %ne3A_401 = vector.broadcast %ne3A_400 : vector<16xi1> to vector<16xi1>
      %ne3A_402 = arith.xori %lt3A_397, %ne3A_401 : vector<16xi1>
      %and3A_403 = arith.andi %ne3A_402, %ne3A_394 : vector<16xi1>
      %add3A_404 = vector.broadcast %select_n3A_389 : i32 to vector<16xi32>
      %add3A_405 = arith.addi %rem3A_391, %add3A_404 : vector<16xi32>
      %select_n3A_406 = arith.select %and3A_403, %add3A_405, %rem3A_391 : vector<16xi1>, vector<16xi32>
      %sub3A_407 = arith.constant 1 : i32
      %sub3A_408 = vector.broadcast %sub3A_407 : i32 to vector<16xi32>
      %sub3A_409 = arith.subi %select_n3A_406, %sub3A_408 : vector<16xi32>
      %convert_element_type3A_410 = arith.sitofp %sub3A_409 : vector<16xi32> to vector<16xf32>
      %jit3A_411 = arith.constant 3 : i32
      %eq3A_412 = arith.constant 0 : i32
      %eq3A_413 = arith.cmpi eq, %jit3A_411, %eq3A_412 : i32
      %jit3A_414 = arith.constant 1 : i32
      %select_n3A_415 = arith.select %eq3A_413, %jit3A_414, %jit3A_411 : i32
      %rem3A_416 = vector.broadcast %select_n3A_415 : i32 to vector<16xi32>
      %rem3A_417 = arith.remsi %add3A_368, %rem3A_416 : vector<16xi32>
      %ne3A_418 = arith.constant 0 : i32
      %ne3A_419 = vector.broadcast %ne3A_418 : i32 to vector<16xi32>
      %ne3A_420 = arith.cmpi ne, %rem3A_417, %ne3A_419 : vector<16xi32>
      %lt3A_421 = arith.constant 0 : i32
      %lt3A_422 = vector.broadcast %lt3A_421 : i32 to vector<16xi32>
      %lt3A_423 = arith.cmpi slt, %rem3A_417, %lt3A_422 : vector<16xi32>
      %lt3A_424 = arith.constant 0 : i32
      %lt3A_425 = arith.cmpi slt, %select_n3A_415, %lt3A_424 : i32
      %ne3A_426 = vector.broadcast %lt3A_425 : i1 to vector<16xi1>
      %ne3A_427 = vector.broadcast %ne3A_426 : vector<16xi1> to vector<16xi1>
      %ne3A_428 = arith.xori %lt3A_423, %ne3A_427 : vector<16xi1>
      %and3A_429 = arith.andi %ne3A_428, %ne3A_420 : vector<16xi1>
      %add3A_430 = vector.broadcast %select_n3A_415 : i32 to vector<16xi32>
      %add3A_431 = arith.addi %rem3A_417, %add3A_430 : vector<16xi32>
      %select_n3A_432 = arith.select %and3A_429, %add3A_431, %rem3A_417 : vector<16xi1>, vector<16xi32>
      %sub3A_433 = arith.constant 1 : i32
      %sub3A_434 = vector.broadcast %sub3A_433 : i32 to vector<16xi32>
      %sub3A_435 = arith.subi %select_n3A_432, %sub3A_434 : vector<16xi32>
      %convert_element_type3A_436 = arith.sitofp %sub3A_435 : vector<16xi32> to vector<16xf32>
      %mul3A_437 = vector.broadcast %squeeze3A : f32 to vector<16xf32>
      %mul3A_438 = arith.mulf %convert_element_type3A_384, %mul3A_437 : vector<16xf32>
      %mul3A_439 = vector.broadcast %squeeze3A_32 : f32 to vector<16xf32>
      %mul3A_440 = arith.mulf %convert_element_type3A_410, %mul3A_439 : vector<16xf32>
      %add3A_441 = arith.addf %mul3A_438, %mul3A_440 : vector<16xf32>
      %mul3A_442 = vector.broadcast %squeeze3A_38 : f32 to vector<16xf32>
      %mul3A_443 = arith.mulf %convert_element_type3A_436, %mul3A_442 : vector<16xf32>
      %add3A_444 = arith.addf %add3A_441, %mul3A_443 : vector<16xf32>
      %swap3A_445 = arith.constant 16 : index
      %swap3A_446 = tpu.vector_load %arg11[%swap3A_445] {strides = array<i32>} : memref<128xf32, #tpu.memory_space<vmem>>, vector<16xf32>,
      tpu.vector_store %arg11[%swap3A_445], %add3A_444 {strides = array<i32>} : memref<128xf32, #tpu.memory_space<vmem>>, vector<16xf32>,
      %mul3A_447 = vector.broadcast %squeeze3A_28 : f32 to vector<16xf32>
      %mul3A_448 = arith.mulf %convert_element_type3A_384, %mul3A_447 : vector<16xf32>
      %mul3A_449 = vector.broadcast %squeeze3A_34 : f32 to vector<16xf32>
      %mul3A_450 = arith.mulf %convert_element_type3A_410, %mul3A_449 : vector<16xf32>
      %add3A_451 = arith.addf %mul3A_448, %mul3A_450 : vector<16xf32>
      %mul3A_452 = vector.broadcast %squeeze3A_40 : f32 to vector<16xf32>
      %mul3A_453 = arith.mulf %convert_element_type3A_436, %mul3A_452 : vector<16xf32>
      %add3A_454 = arith.addf %add3A_451, %mul3A_453 : vector<16xf32>
      %swap3A_455 = arith.constant 48 : index
      %swap3A_456 = tpu.vector_load %arg11[%swap3A_455] {strides = array<i32>} : memref<128xf32, #tpu.memory_space<vmem>>, vector<16xf32>,
      tpu.vector_store %arg11[%swap3A_455], %add3A_454 {strides = array<i32>} : memref<128xf32, #tpu.memory_space<vmem>>, vector<16xf32>,
      %mul3A_457 = vector.broadcast %squeeze3A_30 : f32 to vector<16xf32>
      %mul3A_458 = arith.mulf %convert_element_type3A_384, %mul3A_457 : vector<16xf32>
      %mul3A_459 = vector.broadcast %squeeze3A_36 : f32 to vector<16xf32>
      %mul3A_460 = arith.mulf %convert_element_type3A_410, %mul3A_459 : vector<16xf32>
      %add3A_461 = arith.addf %mul3A_458, %mul3A_460 : vector<16xf32>
      %mul3A_462 = vector.broadcast %squeeze3A_42 : f32 to vector<16xf32>
      %mul3A_463 = arith.mulf %convert_element_type3A_436, %mul3A_462 : vector<16xf32>
      %add3A_464 = arith.addf %add3A_461, %mul3A_463 : vector<16xf32>
      %swap3A_465 = arith.constant 80 : index
      %swap3A_466 = tpu.vector_load %arg11[%swap3A_465] {strides = array<i32>} : memref<128xf32, #tpu.memory_space<vmem>>, vector<16xf32>,
      tpu.vector_store %arg11[%swap3A_465], %add3A_464 {strides = array<i32>} : memref<128xf32, #tpu.memory_space<vmem>>, vector<16xf32>,
      %broadcast_in_dim3A_467 = arith.constant 0 : i32
      %broadcast_in_dim3A_468 = vector.broadcast %broadcast_in_dim3A_467 : i32 to vector<16xi32>
      %scan3A_469 = arith.constant 0 : i32
      %scan3A_470 = arith.constant 64 : i32
      %scan3A_471 = arith.addi %scan3A_469, %scan3A_470 : i32
      %scan3A_472 = arith.constant 1 : i32
      %scan3A_473 = scf.for %scan3A_529 = %scan3A_469 to %scan3A_471 step %scan3A_472 iter_args(%scan3A_530 = %broadcast_in_dim3A_468) -> (vector<16xi32>)  : i32 {
        %add3A_531 = arith.constant 0 : i32
        %add3A_532 = arith.addi %add3A_531, %scan3A_529 : i32
        %get3A_533 = arith.index_cast %add3A_532 : i32 to index
        %get3A_534 = tpu.vector_load %arg9[%get3A_533] {strides = array<i32>} : memref<224xf32, #tpu.memory_space<vmem>>, vector<16xf32>,
        %slice3A_535 = vector.extract_strided_slice %get3A_534 {offsets = [0], sizes = [1], strides = [1]} : vector<16xf32> to vector<1xf32>
        %squeeze3A_536 = vector.extract %slice3A_535[0] : f32 from vector<1xf32>
        %add3A_537 = arith.constant 64 : i32
        %add3A_538 = arith.addi %add3A_537, %scan3A_529 : i32
        %get3A_539 = arith.index_cast %add3A_538 : i32 to index
        %get3A_540 = tpu.vector_load %arg9[%get3A_539] {strides = array<i32>} : memref<224xf32, #tpu.memory_space<vmem>>, vector<16xf32>,
        %slice3A_541 = vector.extract_strided_slice %get3A_540 {offsets = [0], sizes = [1], strides = [1]} : vector<16xf32> to vector<1xf32>
        %squeeze3A_542 = vector.extract %slice3A_541[0] : f32 from vector<1xf32>
        %add3A_543 = arith.constant 128 : i32
        %add3A_544 = arith.addi %add3A_543, %scan3A_529 : i32
        %get3A_545 = arith.index_cast %add3A_544 : i32 to index
        %get3A_546 = tpu.vector_load %arg9[%get3A_545] {strides = array<i32>} : memref<224xf32, #tpu.memory_space<vmem>>, vector<16xf32>,
        %slice3A_547 = vector.extract_strided_slice %get3A_546 {offsets = [0], sizes = [1], strides = [1]} : vector<16xf32> to vector<1xf32>
        %squeeze3A_548 = vector.extract %slice3A_547[0] : f32 from vector<1xf32>
        %add3A_549 = arith.constant 832 : i32
        %add3A_550 = arith.addi %add3A_549, %scan3A_529 : i32
        %get3A_551 = arith.constant 0 : index
        %get3A_552 = tpu.vector_load %arg9[%get3A_551] {strides = array<i32>} : memref<224xf32, #tpu.memory_space<vmem>>, vector<16xf32>,
        %get3A_553 = arith.constant 16 : index
        %get3A_554 = tpu.vector_load %arg9[%get3A_553] {strides = array<i32>} : memref<224xf32, #tpu.memory_space<vmem>>, vector<16xf32>,
        %get3A_555 = arith.constant 32 : index
        %get3A_556 = tpu.vector_load %arg9[%get3A_555] {strides = array<i32>} : memref<224xf32, #tpu.memory_space<vmem>>, vector<16xf32>,
        %get3A_557 = arith.constant 48 : index
        %get3A_558 = tpu.vector_load %arg9[%get3A_557] {strides = array<i32>} : memref<224xf32, #tpu.memory_space<vmem>>, vector<16xf32>,
        %get3A_559 = arith.constant 64 : index
        %get3A_560 = tpu.vector_load %arg9[%get3A_559] {strides = array<i32>} : memref<224xf32, #tpu.memory_space<vmem>>, vector<16xf32>,
        %get3A_561 = arith.constant 80 : index
        %get3A_562 = tpu.vector_load %arg9[%get3A_561] {strides = array<i32>} : memref<224xf32, #tpu.memory_space<vmem>>, vector<16xf32>,
        %get3A_563 = arith.constant 96 : index
        %get3A_564 = tpu.vector_load %arg9[%get3A_563] {strides = array<i32>} : memref<224xf32, #tpu.memory_space<vmem>>, vector<16xf32>,
        %get3A_565 = arith.constant 112 : index
        %get3A_566 = tpu.vector_load %arg9[%get3A_565] {strides = array<i32>} : memref<224xf32, #tpu.memory_space<vmem>>, vector<16xf32>,
        %get3A_567 = arith.constant 128 : index
        %get3A_568 = tpu.vector_load %arg9[%get3A_567] {strides = array<i32>} : memref<224xf32, #tpu.memory_space<vmem>>, vector<16xf32>,
        %get3A_569 = arith.constant 144 : index
        %get3A_570 = tpu.vector_load %arg9[%get3A_569] {strides = array<i32>} : memref<224xf32, #tpu.memory_space<vmem>>, vector<16xf32>,
        %get3A_571 = arith.constant 160 : index
        %get3A_572 = tpu.vector_load %arg9[%get3A_571] {strides = array<i32>} : memref<224xf32, #tpu.memory_space<vmem>>, vector<16xf32>,
        %get3A_573 = arith.constant 176 : index
        %get3A_574 = tpu.vector_load %arg9[%get3A_573] {strides = array<i32>} : memref<224xf32, #tpu.memory_space<vmem>>, vector<16xf32>,
        %scan3A_575 = arith.constant 0 : i32
        %scan3A_576 = arith.constant 27 : i32
        %scan3A_577 = arith.addi %scan3A_575, %scan3A_576 : i32
        %scan3A_578 = arith.constant 1 : i32
        %scan3A_579:2 = scf.for %scan3A_877 = %scan3A_575 to %scan3A_577 step %scan3A_578 iter_args(%scan3A_878 = %broadcast_in_dim3A_4, %scan3A_879 = %broadcast_in_dim3A_4) -> (vector<16xi32>, vector<16xi32>)  : i32 {
          %add3A_880 = arith.constant 0 : i32
          %add3A_881 = arith.addi %add3A_880, %scan3A_877 : i32
          %get3A_882 = arith.index_cast %add3A_881 : i32 to index
          %get3A_883 = tpu.vector_load %arg11[%get3A_882] {strides = array<i32>} : memref<128xf32, #tpu.memory_space<vmem>>, vector<16xf32>,
          %slice3A_884 = vector.extract_strided_slice %get3A_883 {offsets = [0], sizes = [1], strides = [1]} : vector<16xf32> to vector<1xf32>
          %squeeze3A_885 = vector.extract %slice3A_884[0] : f32 from vector<1xf32>
          %sub3A_886 = arith.subf %squeeze3A_536, %squeeze3A_885 : f32
          %add3A_887 = arith.constant 32 : i32
          %add3A_888 = arith.addi %add3A_887, %scan3A_877 : i32
          %get3A_889 = arith.index_cast %add3A_888 : i32 to index
          %get3A_890 = tpu.vector_load %arg11[%get3A_889] {strides = array<i32>} : memref<128xf32, #tpu.memory_space<vmem>>, vector<16xf32>,
          %slice3A_891 = vector.extract_strided_slice %get3A_890 {offsets = [0], sizes = [1], strides = [1]} : vector<16xf32> to vector<1xf32>
          %squeeze3A_892 = vector.extract %slice3A_891[0] : f32 from vector<1xf32>
          %sub3A_893 = arith.subf %squeeze3A_542, %squeeze3A_892 : f32
          %add3A_894 = arith.constant 64 : i32
          %add3A_895 = arith.addi %add3A_894, %scan3A_877 : i32
          %get3A_896 = arith.index_cast %add3A_895 : i32 to index
          %get3A_897 = tpu.vector_load %arg11[%get3A_896] {strides = array<i32>} : memref<128xf32, #tpu.memory_space<vmem>>, vector<16xf32>,
          %slice3A_898 = vector.extract_strided_slice %get3A_897 {offsets = [0], sizes = [1], strides = [1]} : vector<16xf32> to vector<1xf32>
          %squeeze3A_899 = vector.extract %slice3A_898[0] : f32 from vector<1xf32>
          %sub3A_900 = arith.subf %squeeze3A_548, %squeeze3A_899 : f32
          %mul3A_901 = arith.constant 64 : i32
          %mul3A_902 = arith.muli %scan3A_877, %mul3A_901 : i32
          %sub3A_903 = vector.broadcast %sub3A_886 : f32 to vector<16xf32>
          %sub3A_904 = arith.subf %get3A_552, %sub3A_903 : vector<16xf32>
          %sub3A_905 = vector.broadcast %sub3A_893 : f32 to vector<16xf32>
          %sub3A_906 = arith.subf %get3A_560, %sub3A_905 : vector<16xf32>
          %sub3A_907 = vector.broadcast %sub3A_900 : f32 to vector<16xf32>
          %sub3A_908 = arith.subf %get3A_568, %sub3A_907 : vector<16xf32>
          %mul3A_909 = arith.mulf %sub3A_904, %sub3A_904 : vector<16xf32>
          %mul3A_910 = arith.mulf %sub3A_906, %sub3A_906 : vector<16xf32>
          %add3A_911 = arith.addf %mul3A_909, %mul3A_910 : vector<16xf32>
          %mul3A_912 = arith.mulf %sub3A_908, %sub3A_908 : vector<16xf32>
          %add3A_913 = arith.addf %add3A_911, %mul3A_912 : vector<16xf32>
          %bitcast_convert_type3A = tpu.bitcast %add3A_913 : vector<16xf32> -> vector<16xi32>
          %add3A_914 = arith.constant 0 : i32
          %add3A_915 = arith.addi %mul3A_902, %add3A_914 : i32
          %add3A_916 = vector.broadcast %add3A_915 : i32 to vector<16xi32>
          %add3A_917 = arith.addi %iota3A, %add3A_916 : vector<16xi32>
          %and3A_918 = arith.constant -2048 : i32
          %and3A_919 = vector.broadcast %and3A_918 : i32 to vector<16xi32>
          %and3A_920 = arith.andi %bitcast_convert_type3A, %and3A_919 : vector<16xi32>
          %or3A = arith.ori %and3A_920, %add3A_917 : vector<16xi32>
          %eq3A_921 = vector.broadcast %add3A_550 : i32 to vector<16xi32>
          %eq3A_922 = arith.cmpi eq, %add3A_917, %eq3A_921 : vector<16xi32>
          %jit3A_923 = arith.constant 2139095040 : i32
          %broadcast_in_dim3A_924 = vector.broadcast %jit3A_923 : i32 to vector<16xi32>
          %select_n3A_925 = arith.select %eq3A_922, %broadcast_in_dim3A_924, %or3A : vector<16xi1>, vector<16xi32>
          %min3A = arith.minsi %scan3A_878, %select_n3A_925 : vector<16xi32>
          %max3A = arith.maxsi %scan3A_878, %select_n3A_925 : vector<16xi32>
          %min3A_926 = arith.minsi %scan3A_879, %max3A : vector<16xi32>
          %add3A_927 = arith.constant 0 : i32
          %add3A_928 = arith.addi %mul3A_902, %add3A_927 : i32
          %swap3A_929 = arith.index_cast %add3A_928 : i32 to index
          %swap3A_930 = tpu.vector_load %arg13[%swap3A_929] {strides = array<i32>} : memref<1792xi32, #tpu.memory_space<vmem>>, vector<16xi32>,
          tpu.vector_store %arg13[%swap3A_929], %select_n3A_925 {strides = array<i32>} : memref<1792xi32, #tpu.memory_space<vmem>>, vector<16xi32>,
          %sub3A_931 = vector.broadcast %sub3A_886 : f32 to vector<16xf32>
          %sub3A_932 = arith.subf %get3A_554, %sub3A_931 : vector<16xf32>
          %sub3A_933 = vector.broadcast %sub3A_893 : f32 to vector<16xf32>
          %sub3A_934 = arith.subf %get3A_562, %sub3A_933 : vector<16xf32>
          %sub3A_935 = vector.broadcast %sub3A_900 : f32 to vector<16xf32>
          %sub3A_936 = arith.subf %get3A_570, %sub3A_935 : vector<16xf32>
          %mul3A_937 = arith.mulf %sub3A_932, %sub3A_932 : vector<16xf32>
          %mul3A_938 = arith.mulf %sub3A_934, %sub3A_934 : vector<16xf32>
          %add3A_939 = arith.addf %mul3A_937, %mul3A_938 : vector<16xf32>
          %mul3A_940 = arith.mulf %sub3A_936, %sub3A_936 : vector<16xf32>
          %add3A_941 = arith.addf %add3A_939, %mul3A_940 : vector<16xf32>
          %bitcast_convert_type3A_942 = tpu.bitcast %add3A_941 : vector<16xf32> -> vector<16xi32>
          %add3A_943 = arith.constant 16 : i32
          %add3A_944 = arith.addi %mul3A_902, %add3A_943 : i32
          %add3A_945 = vector.broadcast %add3A_944 : i32 to vector<16xi32>
          %add3A_946 = arith.addi %iota3A, %add3A_945 : vector<16xi32>
          %and3A_947 = arith.constant -2048 : i32
          %and3A_948 = vector.broadcast %and3A_947 : i32 to vector<16xi32>
          %and3A_949 = arith.andi %bitcast_convert_type3A_942, %and3A_948 : vector<16xi32>
          %or3A_950 = arith.ori %and3A_949, %add3A_946 : vector<16xi32>
          %eq3A_951 = vector.broadcast %add3A_550 : i32 to vector<16xi32>
          %eq3A_952 = arith.cmpi eq, %add3A_946, %eq3A_951 : vector<16xi32>
          %jit3A_953 = arith.constant 2139095040 : i32
          %broadcast_in_dim3A_954 = vector.broadcast %jit3A_953 : i32 to vector<16xi32>
          %select_n3A_955 = arith.select %eq3A_952, %broadcast_in_dim3A_954, %or3A_950 : vector<16xi1>, vector<16xi32>
          %min3A_956 = arith.minsi %min3A, %select_n3A_955 : vector<16xi32>
          %max3A_957 = arith.maxsi %min3A, %select_n3A_955 : vector<16xi32>
          %min3A_958 = arith.minsi %min3A_926, %max3A_957 : vector<16xi32>
          %add3A_959 = arith.constant 16 : i32
          %add3A_960 = arith.addi %mul3A_902, %add3A_959 : i32
          %swap3A_961 = arith.index_cast %add3A_960 : i32 to index
          %swap3A_962 = tpu.vector_load %arg13[%swap3A_961] {strides = array<i32>} : memref<1792xi32, #tpu.memory_space<vmem>>, vector<16xi32>,
          tpu.vector_store %arg13[%swap3A_961], %select_n3A_955 {strides = array<i32>} : memref<1792xi32, #tpu.memory_space<vmem>>, vector<16xi32>,
          %sub3A_963 = vector.broadcast %sub3A_886 : f32 to vector<16xf32>
          %sub3A_964 = arith.subf %get3A_556, %sub3A_963 : vector<16xf32>
          %sub3A_965 = vector.broadcast %sub3A_893 : f32 to vector<16xf32>
          %sub3A_966 = arith.subf %get3A_564, %sub3A_965 : vector<16xf32>
          %sub3A_967 = vector.broadcast %sub3A_900 : f32 to vector<16xf32>
          %sub3A_968 = arith.subf %get3A_572, %sub3A_967 : vector<16xf32>
          %mul3A_969 = arith.mulf %sub3A_964, %sub3A_964 : vector<16xf32>
          %mul3A_970 = arith.mulf %sub3A_966, %sub3A_966 : vector<16xf32>
          %add3A_971 = arith.addf %mul3A_969, %mul3A_970 : vector<16xf32>
          %mul3A_972 = arith.mulf %sub3A_968, %sub3A_968 : vector<16xf32>
          %add3A_973 = arith.addf %add3A_971, %mul3A_972 : vector<16xf32>
          %bitcast_convert_type3A_974 = tpu.bitcast %add3A_973 : vector<16xf32> -> vector<16xi32>
          %add3A_975 = arith.constant 32 : i32
          %add3A_976 = arith.addi %mul3A_902, %add3A_975 : i32
          %add3A_977 = vector.broadcast %add3A_976 : i32 to vector<16xi32>
          %add3A_978 = arith.addi %iota3A, %add3A_977 : vector<16xi32>
          %and3A_979 = arith.constant -2048 : i32
          %and3A_980 = vector.broadcast %and3A_979 : i32 to vector<16xi32>
          %and3A_981 = arith.andi %bitcast_convert_type3A_974, %and3A_980 : vector<16xi32>
          %or3A_982 = arith.ori %and3A_981, %add3A_978 : vector<16xi32>
          %eq3A_983 = vector.broadcast %add3A_550 : i32 to vector<16xi32>
          %eq3A_984 = arith.cmpi eq, %add3A_978, %eq3A_983 : vector<16xi32>
          %jit3A_985 = arith.constant 2139095040 : i32
          %broadcast_in_dim3A_986 = vector.broadcast %jit3A_985 : i32 to vector<16xi32>
          %select_n3A_987 = arith.select %eq3A_984, %broadcast_in_dim3A_986, %or3A_982 : vector<16xi1>, vector<16xi32>
          %min3A_988 = arith.minsi %min3A_956, %select_n3A_987 : vector<16xi32>
          %max3A_989 = arith.maxsi %min3A_956, %select_n3A_987 : vector<16xi32>
          %min3A_990 = arith.minsi %min3A_958, %max3A_989 : vector<16xi32>
          %add3A_991 = arith.constant 32 : i32
          %add3A_992 = arith.addi %mul3A_902, %add3A_991 : i32
          %swap3A_993 = arith.index_cast %add3A_992 : i32 to index
          %swap3A_994 = tpu.vector_load %arg13[%swap3A_993] {strides = array<i32>} : memref<1792xi32, #tpu.memory_space<vmem>>, vector<16xi32>,
          tpu.vector_store %arg13[%swap3A_993], %select_n3A_987 {strides = array<i32>} : memref<1792xi32, #tpu.memory_space<vmem>>, vector<16xi32>,
          %sub3A_995 = vector.broadcast %sub3A_886 : f32 to vector<16xf32>
          %sub3A_996 = arith.subf %get3A_558, %sub3A_995 : vector<16xf32>
          %sub3A_997 = vector.broadcast %sub3A_893 : f32 to vector<16xf32>
          %sub3A_998 = arith.subf %get3A_566, %sub3A_997 : vector<16xf32>
          %sub3A_999 = vector.broadcast %sub3A_900 : f32 to vector<16xf32>
          %sub3A_1000 = arith.subf %get3A_574, %sub3A_999 : vector<16xf32>
          %mul3A_1001 = arith.mulf %sub3A_996, %sub3A_996 : vector<16xf32>
          %mul3A_1002 = arith.mulf %sub3A_998, %sub3A_998 : vector<16xf32>
          %add3A_1003 = arith.addf %mul3A_1001, %mul3A_1002 : vector<16xf32>
          %mul3A_1004 = arith.mulf %sub3A_1000, %sub3A_1000 : vector<16xf32>
          %add3A_1005 = arith.addf %add3A_1003, %mul3A_1004 : vector<16xf32>
          %bitcast_convert_type3A_1006 = tpu.bitcast %add3A_1005 : vector<16xf32> -> vector<16xi32>
          %add3A_1007 = arith.constant 48 : i32
          %add3A_1008 = arith.addi %mul3A_902, %add3A_1007 : i32
          %add3A_1009 = vector.broadcast %add3A_1008 : i32 to vector<16xi32>
          %add3A_1010 = arith.addi %iota3A, %add3A_1009 : vector<16xi32>
          %and3A_1011 = arith.constant -2048 : i32
          %and3A_1012 = vector.broadcast %and3A_1011 : i32 to vector<16xi32>
          %and3A_1013 = arith.andi %bitcast_convert_type3A_1006, %and3A_1012 : vector<16xi32>
          %or3A_1014 = arith.ori %and3A_1013, %add3A_1010 : vector<16xi32>
          %eq3A_1015 = vector.broadcast %add3A_550 : i32 to vector<16xi32>
          %eq3A_1016 = arith.cmpi eq, %add3A_1010, %eq3A_1015 : vector<16xi32>
          %jit3A_1017 = arith.constant 2139095040 : i32
          %broadcast_in_dim3A_1018 = vector.broadcast %jit3A_1017 : i32 to vector<16xi32>
          %select_n3A_1019 = arith.select %eq3A_1016, %broadcast_in_dim3A_1018, %or3A_1014 : vector<16xi1>, vector<16xi32>
          %min3A_1020 = arith.minsi %min3A_988, %select_n3A_1019 : vector<16xi32>
          %max3A_1021 = arith.maxsi %min3A_988, %select_n3A_1019 : vector<16xi32>
          %min3A_1022 = arith.minsi %min3A_990, %max3A_1021 : vector<16xi32>
          %add3A_1023 = arith.constant 48 : i32
          %add3A_1024 = arith.addi %mul3A_902, %add3A_1023 : i32
          %swap3A_1025 = arith.index_cast %add3A_1024 : i32 to index
          %swap3A_1026 = tpu.vector_load %arg13[%swap3A_1025] {strides = array<i32>} : memref<1792xi32, #tpu.memory_space<vmem>>, vector<16xi32>,
          tpu.vector_store %arg13[%swap3A_1025], %select_n3A_1019 {strides = array<i32>} : memref<1792xi32, #tpu.memory_space<vmem>>, vector<16xi32>,
          scf.yield %min3A_1020, %min3A_1022 : vector<16xi32>, vector<16xi32>
        }
        %scan3A_580 = arith.constant 27 : i32
        %and3A_581 = arith.constant 1 : i32
        %and3A_582 = arith.andi %scan3A_529, %and3A_581 : i32
        %mul3A_583 = arith.constant 8 : i32
        %mul3A_584 = arith.muli %mul3A_583, %and3A_582 : i32
        %sort3A = arith.constant dense<true> : vector<16xi1>
        %sort3A_585, %sort3A_586, %sort3A_587 = tpu.sort %scan3A_579#0, %scan3A_579#0 masked %sort3A : (vector<16xi32>, vector<16xi32>, vector<16xi1>) -> (vector<16xi1>, vector<16xi32>, vector<16xi32>)
        %slice3A_588 = vector.extract_strided_slice %sort3A_586 {offsets = [0], sizes = [1], strides = [1]} : vector<16xi32> to vector<1xi32>
        %squeeze3A_589 = vector.extract %slice3A_588[0] : i32 from vector<1xi32>
        %and3A_590 = arith.constant 2047 : i32
        %and3A_591 = arith.andi %squeeze3A_589, %and3A_590 : i32
        %and3A_592 = arith.constant 15 : i32
        %and3A_593 = arith.andi %squeeze3A_589, %and3A_592 : i32
        %add3A_594 = arith.constant 0 : i32
        %add3A_595 = arith.addi %mul3A_584, %add3A_594 : i32
        %eq3A_596 = vector.broadcast %add3A_595 : i32 to vector<16xi32>
        %eq3A_597 = arith.cmpi eq, %iota3A, %eq3A_596 : vector<16xi32>
        %broadcast_in_dim3A_598 = vector.broadcast %and3A_591 : i32 to vector<16xi32>
        %select_n3A_599 = arith.select %eq3A_597, %broadcast_in_dim3A_598, %scan3A_530 : vector<16xi1>, vector<16xi32>
        %broadcast_in_dim3A_600 = vector.broadcast %and3A_593 : i32 to vector<16xi32>
        %broadcast_in_dim3A_601 = vector.shape_cast %broadcast_in_dim3A_600 : vector<16xi32> to vector<16x1xi32>
        %gather3A_602 = vector.shape_cast %broadcast_in_dim3A_601 : vector<16x1xi32> to vector<16xi32>
        %gather3A_603 = tpu.dynamic_gather %scan3A_579#1[%gather3A_602] in [0] : vector<16xi32>, vector<16xi32> -> vector<16xi32>
        %slice3A_604 = vector.extract_strided_slice %gather3A_603 {offsets = [0], sizes = [1], strides = [1]} : vector<16xi32> to vector<1xi32>
        %squeeze3A_605 = vector.extract %slice3A_604[0] : i32 from vector<1xi32>
        %eq3A_606 = vector.broadcast %and3A_593 : i32 to vector<16xi32>
        %eq3A_607 = arith.cmpi eq, %iota3A, %eq3A_606 : vector<16xi32>
        %select_n3A_608 = arith.select %eq3A_607, %gather3A_603, %scan3A_579#0 : vector<16xi1>, vector<16xi32>
        %eq3A_609 = vector.broadcast %and3A_593 : i32 to vector<16xi32>
        %eq3A_610 = arith.cmpi eq, %iota3A, %eq3A_609 : vector<16xi32>
        %jit3A_611 = arith.constant 2139095040 : i32
        %broadcast_in_dim3A_612 = vector.broadcast %jit3A_611 : i32 to vector<16xi32>
        %select_n3A_613 = arith.select %eq3A_610, %broadcast_in_dim3A_612, %scan3A_579#1 : vector<16xi1>, vector<16xi32>
        %eq3A_614 = arith.constant 2139095040 : i32
        %eq3A_615 = arith.cmpi eq, %squeeze3A_605, %eq3A_614 : i32
        %convert_element_type3A_616 = arith.extui %eq3A_615 : i1 to i32
        %cond3A = arith.constant 0 : i32
        %cond3A_617 = arith.cmpi ne, %convert_element_type3A_616, %cond3A : i32
        %cond3A_618:2 = scf.if %cond3A_617 -> (vector<16xi32>, vector<16xi32>) {
          %add3A_877 = arith.constant 0 : i32
          %add3A_878 = arith.addi %and3A_593, %add3A_877 : i32
          %add3A_879 = vector.broadcast %add3A_878 : i32 to vector<16xi32>
          %add3A_880 = arith.addi %mul3A_3, %add3A_879 : vector<16xi32>
          %gather3A_881 = tpu.vector_load_idx %arg13[%add3A_880] : memref<1792xi32, #tpu.memory_space<vmem>>[vector<16xi32>], vector<16xi32>,
          %gt3A = vector.broadcast %squeeze3A_589 : i32 to vector<16xi32>
          %gt3A_882 = arith.cmpi sgt, %gather3A_881, %gt3A : vector<16xi32>
          %jit3A_883 = arith.constant 2139095040 : i32
          %broadcast_in_dim3A_884 = vector.broadcast %jit3A_883 : i32 to vector<16xi32>
          %select_n3A_885 = arith.select %gt3A_882, %gather3A_881, %broadcast_in_dim3A_884 : vector<16xi1>, vector<16xi32>
          %min3A = arith.minsi %broadcast_in_dim3A_4, %select_n3A_885 : vector<16xi32>
          %max3A = arith.maxsi %broadcast_in_dim3A_4, %select_n3A_885 : vector<16xi32>
          %min3A_886 = arith.minsi %broadcast_in_dim3A_4, %max3A : vector<16xi32>
          %add3A_887 = arith.constant 256 : i32
          %add3A_888 = arith.addi %and3A_593, %add3A_887 : i32
          %add3A_889 = vector.broadcast %add3A_888 : i32 to vector<16xi32>
          %add3A_890 = arith.addi %mul3A_3, %add3A_889 : vector<16xi32>
          %gather3A_891 = tpu.vector_load_idx %arg13[%add3A_890] : memref<1792xi32, #tpu.memory_space<vmem>>[vector<16xi32>], vector<16xi32>,
          %gt3A_892 = vector.broadcast %squeeze3A_589 : i32 to vector<16xi32>
          %gt3A_893 = arith.cmpi sgt, %gather3A_891, %gt3A_892 : vector<16xi32>
          %jit3A_894 = arith.constant 2139095040 : i32
          %broadcast_in_dim3A_895 = vector.broadcast %jit3A_894 : i32 to vector<16xi32>
          %select_n3A_896 = arith.select %gt3A_893, %gather3A_891, %broadcast_in_dim3A_895 : vector<16xi1>, vector<16xi32>
          %min3A_897 = arith.minsi %min3A, %select_n3A_896 : vector<16xi32>
          %max3A_898 = arith.maxsi %min3A, %select_n3A_896 : vector<16xi32>
          %min3A_899 = arith.minsi %min3A_886, %max3A_898 : vector<16xi32>
          %add3A_900 = arith.constant 512 : i32
          %add3A_901 = arith.addi %and3A_593, %add3A_900 : i32
          %add3A_902 = vector.broadcast %add3A_901 : i32 to vector<16xi32>
          %add3A_903 = arith.addi %mul3A_3, %add3A_902 : vector<16xi32>
          %gather3A_904 = tpu.vector_load_idx %arg13[%add3A_903] : memref<1792xi32, #tpu.memory_space<vmem>>[vector<16xi32>], vector<16xi32>,
          %gt3A_905 = vector.broadcast %squeeze3A_589 : i32 to vector<16xi32>
          %gt3A_906 = arith.cmpi sgt, %gather3A_904, %gt3A_905 : vector<16xi32>
          %jit3A_907 = arith.constant 2139095040 : i32
          %broadcast_in_dim3A_908 = vector.broadcast %jit3A_907 : i32 to vector<16xi32>
          %select_n3A_909 = arith.select %gt3A_906, %gather3A_904, %broadcast_in_dim3A_908 : vector<16xi1>, vector<16xi32>
          %min3A_910 = arith.minsi %min3A_897, %select_n3A_909 : vector<16xi32>
          %max3A_911 = arith.maxsi %min3A_897, %select_n3A_909 : vector<16xi32>
          %min3A_912 = arith.minsi %min3A_899, %max3A_911 : vector<16xi32>
          %add3A_913 = arith.constant 768 : i32
          %add3A_914 = arith.addi %and3A_593, %add3A_913 : i32
          %add3A_915 = vector.broadcast %add3A_914 : i32 to vector<16xi32>
          %add3A_916 = arith.addi %mul3A_3, %add3A_915 : vector<16xi32>
          %gather3A_917 = tpu.vector_load_idx %arg13[%add3A_916] : memref<1792xi32, #tpu.memory_space<vmem>>[vector<16xi32>], vector<16xi32>,
          %gt3A_918 = vector.broadcast %squeeze3A_589 : i32 to vector<16xi32>
          %gt3A_919 = arith.cmpi sgt, %gather3A_917, %gt3A_918 : vector<16xi32>
          %jit3A_920 = arith.constant 2139095040 : i32
          %broadcast_in_dim3A_921 = vector.broadcast %jit3A_920 : i32 to vector<16xi32>
          %select_n3A_922 = arith.select %gt3A_919, %gather3A_917, %broadcast_in_dim3A_921 : vector<16xi1>, vector<16xi32>
          %min3A_923 = arith.minsi %min3A_910, %select_n3A_922 : vector<16xi32>
          %max3A_924 = arith.maxsi %min3A_910, %select_n3A_922 : vector<16xi32>
          %min3A_925 = arith.minsi %min3A_912, %max3A_924 : vector<16xi32>
          %add3A_926 = arith.constant 1024 : i32
          %add3A_927 = arith.addi %and3A_593, %add3A_926 : i32
          %add3A_928 = vector.broadcast %add3A_927 : i32 to vector<16xi32>
          %add3A_929 = arith.addi %mul3A_3, %add3A_928 : vector<16xi32>
          %gather3A_930 = tpu.vector_load_idx %arg13[%add3A_929] : memref<1792xi32, #tpu.memory_space<vmem>>[vector<16xi32>], vector<16xi32>,
          %gt3A_931 = vector.broadcast %squeeze3A_589 : i32 to vector<16xi32>
          %gt3A_932 = arith.cmpi sgt, %gather3A_930, %gt3A_931 : vector<16xi32>
          %jit3A_933 = arith.constant 2139095040 : i32
          %broadcast_in_dim3A_934 = vector.broadcast %jit3A_933 : i32 to vector<16xi32>
          %select_n3A_935 = arith.select %gt3A_932, %gather3A_930, %broadcast_in_dim3A_934 : vector<16xi1>, vector<16xi32>
          %min3A_936 = arith.minsi %min3A_923, %select_n3A_935 : vector<16xi32>
          %max3A_937 = arith.maxsi %min3A_923, %select_n3A_935 : vector<16xi32>
          %min3A_938 = arith.minsi %min3A_925, %max3A_937 : vector<16xi32>
          %add3A_939 = arith.constant 1280 : i32
          %add3A_940 = arith.addi %and3A_593, %add3A_939 : i32
          %add3A_941 = vector.broadcast %add3A_940 : i32 to vector<16xi32>
          %add3A_942 = arith.addi %mul3A_3, %add3A_941 : vector<16xi32>
          %gather3A_943 = tpu.vector_load_idx %arg13[%add3A_942] : memref<1792xi32, #tpu.memory_space<vmem>>[vector<16xi32>], vector<16xi32>,
          %gt3A_944 = vector.broadcast %squeeze3A_589 : i32 to vector<16xi32>
          %gt3A_945 = arith.cmpi sgt, %gather3A_943, %gt3A_944 : vector<16xi32>
          %jit3A_946 = arith.constant 2139095040 : i32
          %broadcast_in_dim3A_947 = vector.broadcast %jit3A_946 : i32 to vector<16xi32>
          %select_n3A_948 = arith.select %gt3A_945, %gather3A_943, %broadcast_in_dim3A_947 : vector<16xi1>, vector<16xi32>
          %min3A_949 = arith.minsi %min3A_936, %select_n3A_948 : vector<16xi32>
          %max3A_950 = arith.maxsi %min3A_936, %select_n3A_948 : vector<16xi32>
          %min3A_951 = arith.minsi %min3A_938, %max3A_950 : vector<16xi32>
          %add3A_952 = arith.constant 1536 : i32
          %add3A_953 = arith.addi %and3A_593, %add3A_952 : i32
          %add3A_954 = vector.broadcast %add3A_953 : i32 to vector<16xi32>
          %add3A_955 = arith.addi %mul3A_3, %add3A_954 : vector<16xi32>
          %gather3A_956 = tpu.vector_load_idx %arg13[%add3A_955] : memref<1792xi32, #tpu.memory_space<vmem>>[vector<16xi32>], vector<16xi32>,
          %gt3A_957 = vector.broadcast %squeeze3A_589 : i32 to vector<16xi32>
          %gt3A_958 = arith.cmpi sgt, %gather3A_956, %gt3A_957 : vector<16xi32>
          %jit3A_959 = arith.constant 2139095040 : i32
          %broadcast_in_dim3A_960 = vector.broadcast %jit3A_959 : i32 to vector<16xi32>
          %select_n3A_961 = arith.select %gt3A_958, %gather3A_956, %broadcast_in_dim3A_960 : vector<16xi1>, vector<16xi32>
          %min3A_962 = arith.minsi %min3A_949, %select_n3A_961 : vector<16xi32>
          %max3A_963 = arith.maxsi %min3A_949, %select_n3A_961 : vector<16xi32>
          %min3A_964 = arith.minsi %min3A_951, %max3A_963 : vector<16xi32>
          %sort3A_965 = arith.constant dense<true> : vector<16xi1>
          %sort3A_966, %sort3A_967, %sort3A_968 = tpu.sort %min3A_962, %min3A_962 masked %sort3A_965 : (vector<16xi32>, vector<16xi32>, vector<16xi1>) -> (vector<16xi1>, vector<16xi32>, vector<16xi32>)
          %slice3A_969 = vector.extract_strided_slice %sort3A_967 {offsets = [0], sizes = [1], strides = [1]} : vector<16xi32> to vector<1xi32>
          %squeeze3A_970 = vector.extract %slice3A_969[0] : i32 from vector<1xi32>
          %eq3A_971 = vector.broadcast %squeeze3A_970 : i32 to vector<16xi32>
          %eq3A_972 = arith.cmpi eq, %min3A_962, %eq3A_971 : vector<16xi32>
          %select_n3A_973 = arith.select %eq3A_972, %min3A_964, %min3A_962 : vector<16xi1>, vector<16xi32>
          %sort3A_974 = arith.constant dense<true> : vector<16xi1>
          %sort3A_975, %sort3A_976, %sort3A_977 = tpu.sort %select_n3A_973, %select_n3A_973 masked %sort3A_974 : (vector<16xi32>, vector<16xi32>, vector<16xi1>) -> (vector<16xi1>, vector<16xi32>, vector<16xi32>)
          %slice3A_978 = vector.extract_strided_slice %sort3A_976 {offsets = [0], sizes = [1], strides = [1]} : vector<16xi32> to vector<1xi32>
          %squeeze3A_979 = vector.extract %slice3A_978[0] : i32 from vector<1xi32>
          %eq3A_980 = vector.broadcast %and3A_593 : i32 to vector<16xi32>
          %eq3A_981 = arith.cmpi eq, %iota3A, %eq3A_980 : vector<16xi32>
          %broadcast_in_dim3A_982 = vector.broadcast %squeeze3A_970 : i32 to vector<16xi32>
          %select_n3A_983 = arith.select %eq3A_981, %broadcast_in_dim3A_982, %select_n3A_608 : vector<16xi1>, vector<16xi32>
          %eq3A_984 = vector.broadcast %and3A_593 : i32 to vector<16xi32>
          %eq3A_985 = arith.cmpi eq, %iota3A, %eq3A_984 : vector<16xi32>
          %broadcast_in_dim3A_986 = vector.broadcast %squeeze3A_979 : i32 to vector<16xi32>
          %select_n3A_987 = arith.select %eq3A_985, %broadcast_in_dim3A_986, %select_n3A_613 : vector<16xi1>, vector<16xi32>
          scf.yield %select_n3A_983, %select_n3A_987 : vector<16xi32>, vector<16xi32>
        } else {
          scf.yield %select_n3A_608, %select_n3A_613 : vector<16xi32>, vector<16xi32>
        }
        %sort3A_619 = arith.constant dense<true> : vector<16xi1>
        %sort3A_620, %sort3A_621, %sort3A_622 = tpu.sort %cond3A_618#0, %cond3A_618#0 masked %sort3A_619 : (vector<16xi32>, vector<16xi32>, vector<16xi1>) -> (vector<16xi1>, vector<16xi32>, vector<16xi32>)
        %slice3A_623 = vector.extract_strided_slice %sort3A_621 {offsets = [0], sizes = [1], strides = [1]} : vector<16xi32> to vector<1xi32>
        %squeeze3A_624 = vector.extract %slice3A_623[0] : i32 from vector<1xi32>
        %and3A_625 = arith.constant 2047 : i32
        %and3A_626 = arith.andi %squeeze3A_624, %and3A_625 : i32
        %and3A_627 = arith.constant 15 : i32
        %and3A_628 = arith.andi %squeeze3A_624, %and3A_627 : i32
        %add3A_629 = arith.constant 1 : i32
        %add3A_630 = arith.addi %mul3A_584, %add3A_629 : i32
        %eq3A_631 = vector.broadcast %add3A_630 : i32 to vector<16xi32>
        %eq3A_632 = arith.cmpi eq, %iota3A, %eq3A_631 : vector<16xi32>
        %broadcast_in_dim3A_633 = vector.broadcast %and3A_626 : i32 to vector<16xi32>
        %select_n3A_634 = arith.select %eq3A_632, %broadcast_in_dim3A_633, %select_n3A_599 : vector<16xi1>, vector<16xi32>
        %broadcast_in_dim3A_635 = vector.broadcast %and3A_628 : i32 to vector<16xi32>
        %broadcast_in_dim3A_636 = vector.shape_cast %broadcast_in_dim3A_635 : vector<16xi32> to vector<16x1xi32>
        %gather3A_637 = vector.shape_cast %broadcast_in_dim3A_636 : vector<16x1xi32> to vector<16xi32>
        %gather3A_638 = tpu.dynamic_gather %cond3A_618#1[%gather3A_637] in [0] : vector<16xi32>, vector<16xi32> -> vector<16xi32>
        %slice3A_639 = vector.extract_strided_slice %gather3A_638 {offsets = [0], sizes = [1], strides = [1]} : vector<16xi32> to vector<1xi32>
        %squeeze3A_640 = vector.extract %slice3A_639[0] : i32 from vector<1xi32>
        %eq3A_641 = vector.broadcast %and3A_628 : i32 to vector<16xi32>
        %eq3A_642 = arith.cmpi eq, %iota3A, %eq3A_641 : vector<16xi32>
        %select_n3A_643 = arith.select %eq3A_642, %gather3A_638, %cond3A_618#0 : vector<16xi1>, vector<16xi32>
        %eq3A_644 = vector.broadcast %and3A_628 : i32 to vector<16xi32>
        %eq3A_645 = arith.cmpi eq, %iota3A, %eq3A_644 : vector<16xi32>
        %jit3A_646 = arith.constant 2139095040 : i32
        %broadcast_in_dim3A_647 = vector.broadcast %jit3A_646 : i32 to vector<16xi32>
        %select_n3A_648 = arith.select %eq3A_645, %broadcast_in_dim3A_647, %cond3A_618#1 : vector<16xi1>, vector<16xi32>
        %eq3A_649 = arith.constant 2139095040 : i32
        %eq3A_650 = arith.cmpi eq, %squeeze3A_640, %eq3A_649 : i32
        %convert_element_type3A_651 = arith.extui %eq3A_650 : i1 to i32
        %cond3A_652 = arith.constant 0 : i32
        %cond3A_653 = arith.cmpi ne, %convert_element_type3A_651, %cond3A_652 : i32
        %cond3A_654:2 = scf.if %cond3A_653 -> (vector<16xi32>, vector<16xi32>) {
          %add3A_877 = arith.constant 0 : i32
          %add3A_878 = arith.addi %and3A_628, %add3A_877 : i32
          %add3A_879 = vector.broadcast %add3A_878 : i32 to vector<16xi32>
          %add3A_880 = arith.addi %mul3A_3, %add3A_879 : vector<16xi32>
          %gather3A_881 = tpu.vector_load_idx %arg13[%add3A_880] : memref<1792xi32, #tpu.memory_space<vmem>>[vector<16xi32>], vector<16xi32>,
          %gt3A = vector.broadcast %squeeze3A_624 : i32 to vector<16xi32>
          %gt3A_882 = arith.cmpi sgt, %gather3A_881, %gt3A : vector<16xi32>
          %jit3A_883 = arith.constant 2139095040 : i32
          %broadcast_in_dim3A_884 = vector.broadcast %jit3A_883 : i32 to vector<16xi32>
          %select_n3A_885 = arith.select %gt3A_882, %gather3A_881, %broadcast_in_dim3A_884 : vector<16xi1>, vector<16xi32>
          %min3A = arith.minsi %broadcast_in_dim3A_4, %select_n3A_885 : vector<16xi32>
          %max3A = arith.maxsi %broadcast_in_dim3A_4, %select_n3A_885 : vector<16xi32>
          %min3A_886 = arith.minsi %broadcast_in_dim3A_4, %max3A : vector<16xi32>
          %add3A_887 = arith.constant 256 : i32
          %add3A_888 = arith.addi %and3A_628, %add3A_887 : i32
          %add3A_889 = vector.broadcast %add3A_888 : i32 to vector<16xi32>
          %add3A_890 = arith.addi %mul3A_3, %add3A_889 : vector<16xi32>
          %gather3A_891 = tpu.vector_load_idx %arg13[%add3A_890] : memref<1792xi32, #tpu.memory_space<vmem>>[vector<16xi32>], vector<16xi32>,
          %gt3A_892 = vector.broadcast %squeeze3A_624 : i32 to vector<16xi32>
          %gt3A_893 = arith.cmpi sgt, %gather3A_891, %gt3A_892 : vector<16xi32>
          %jit3A_894 = arith.constant 2139095040 : i32
          %broadcast_in_dim3A_895 = vector.broadcast %jit3A_894 : i32 to vector<16xi32>
          %select_n3A_896 = arith.select %gt3A_893, %gather3A_891, %broadcast_in_dim3A_895 : vector<16xi1>, vector<16xi32>
          %min3A_897 = arith.minsi %min3A, %select_n3A_896 : vector<16xi32>
          %max3A_898 = arith.maxsi %min3A, %select_n3A_896 : vector<16xi32>
          %min3A_899 = arith.minsi %min3A_886, %max3A_898 : vector<16xi32>
          %add3A_900 = arith.constant 512 : i32
          %add3A_901 = arith.addi %and3A_628, %add3A_900 : i32
          %add3A_902 = vector.broadcast %add3A_901 : i32 to vector<16xi32>
          %add3A_903 = arith.addi %mul3A_3, %add3A_902 : vector<16xi32>
          %gather3A_904 = tpu.vector_load_idx %arg13[%add3A_903] : memref<1792xi32, #tpu.memory_space<vmem>>[vector<16xi32>], vector<16xi32>,
          %gt3A_905 = vector.broadcast %squeeze3A_624 : i32 to vector<16xi32>
          %gt3A_906 = arith.cmpi sgt, %gather3A_904, %gt3A_905 : vector<16xi32>
          %jit3A_907 = arith.constant 2139095040 : i32
          %broadcast_in_dim3A_908 = vector.broadcast %jit3A_907 : i32 to vector<16xi32>
          %select_n3A_909 = arith.select %gt3A_906, %gather3A_904, %broadcast_in_dim3A_908 : vector<16xi1>, vector<16xi32>
          %min3A_910 = arith.minsi %min3A_897, %select_n3A_909 : vector<16xi32>
          %max3A_911 = arith.maxsi %min3A_897, %select_n3A_909 : vector<16xi32>
          %min3A_912 = arith.minsi %min3A_899, %max3A_911 : vector<16xi32>
          %add3A_913 = arith.constant 768 : i32
          %add3A_914 = arith.addi %and3A_628, %add3A_913 : i32
          %add3A_915 = vector.broadcast %add3A_914 : i32 to vector<16xi32>
          %add3A_916 = arith.addi %mul3A_3, %add3A_915 : vector<16xi32>
          %gather3A_917 = tpu.vector_load_idx %arg13[%add3A_916] : memref<1792xi32, #tpu.memory_space<vmem>>[vector<16xi32>], vector<16xi32>,
          %gt3A_918 = vector.broadcast %squeeze3A_624 : i32 to vector<16xi32>
          %gt3A_919 = arith.cmpi sgt, %gather3A_917, %gt3A_918 : vector<16xi32>
          %jit3A_920 = arith.constant 2139095040 : i32
          %broadcast_in_dim3A_921 = vector.broadcast %jit3A_920 : i32 to vector<16xi32>
          %select_n3A_922 = arith.select %gt3A_919, %gather3A_917, %broadcast_in_dim3A_921 : vector<16xi1>, vector<16xi32>
          %min3A_923 = arith.minsi %min3A_910, %select_n3A_922 : vector<16xi32>
          %max3A_924 = arith.maxsi %min3A_910, %select_n3A_922 : vector<16xi32>
          %min3A_925 = arith.minsi %min3A_912, %max3A_924 : vector<16xi32>
          %add3A_926 = arith.constant 1024 : i32
          %add3A_927 = arith.addi %and3A_628, %add3A_926 : i32
          %add3A_928 = vector.broadcast %add3A_927 : i32 to vector<16xi32>
          %add3A_929 = arith.addi %mul3A_3, %add3A_928 : vector<16xi32>
          %gather3A_930 = tpu.vector_load_idx %arg13[%add3A_929] : memref<1792xi32, #tpu.memory_space<vmem>>[vector<16xi32>], vector<16xi32>,
          %gt3A_931 = vector.broadcast %squeeze3A_624 : i32 to vector<16xi32>
          %gt3A_932 = arith.cmpi sgt, %gather3A_930, %gt3A_931 : vector<16xi32>
          %jit3A_933 = arith.constant 2139095040 : i32
          %broadcast_in_dim3A_934 = vector.broadcast %jit3A_933 : i32 to vector<16xi32>
          %select_n3A_935 = arith.select %gt3A_932, %gather3A_930, %broadcast_in_dim3A_934 : vector<16xi1>, vector<16xi32>
          %min3A_936 = arith.minsi %min3A_923, %select_n3A_935 : vector<16xi32>
          %max3A_937 = arith.maxsi %min3A_923, %select_n3A_935 : vector<16xi32>
          %min3A_938 = arith.minsi %min3A_925, %max3A_937 : vector<16xi32>
          %add3A_939 = arith.constant 1280 : i32
          %add3A_940 = arith.addi %and3A_628, %add3A_939 : i32
          %add3A_941 = vector.broadcast %add3A_940 : i32 to vector<16xi32>
          %add3A_942 = arith.addi %mul3A_3, %add3A_941 : vector<16xi32>
          %gather3A_943 = tpu.vector_load_idx %arg13[%add3A_942] : memref<1792xi32, #tpu.memory_space<vmem>>[vector<16xi32>], vector<16xi32>,
          %gt3A_944 = vector.broadcast %squeeze3A_624 : i32 to vector<16xi32>
          %gt3A_945 = arith.cmpi sgt, %gather3A_943, %gt3A_944 : vector<16xi32>
          %jit3A_946 = arith.constant 2139095040 : i32
          %broadcast_in_dim3A_947 = vector.broadcast %jit3A_946 : i32 to vector<16xi32>
          %select_n3A_948 = arith.select %gt3A_945, %gather3A_943, %broadcast_in_dim3A_947 : vector<16xi1>, vector<16xi32>
          %min3A_949 = arith.minsi %min3A_936, %select_n3A_948 : vector<16xi32>
          %max3A_950 = arith.maxsi %min3A_936, %select_n3A_948 : vector<16xi32>
          %min3A_951 = arith.minsi %min3A_938, %max3A_950 : vector<16xi32>
          %add3A_952 = arith.constant 1536 : i32
          %add3A_953 = arith.addi %and3A_628, %add3A_952 : i32
          %add3A_954 = vector.broadcast %add3A_953 : i32 to vector<16xi32>
          %add3A_955 = arith.addi %mul3A_3, %add3A_954 : vector<16xi32>
          %gather3A_956 = tpu.vector_load_idx %arg13[%add3A_955] : memref<1792xi32, #tpu.memory_space<vmem>>[vector<16xi32>], vector<16xi32>,
          %gt3A_957 = vector.broadcast %squeeze3A_624 : i32 to vector<16xi32>
          %gt3A_958 = arith.cmpi sgt, %gather3A_956, %gt3A_957 : vector<16xi32>
          %jit3A_959 = arith.constant 2139095040 : i32
          %broadcast_in_dim3A_960 = vector.broadcast %jit3A_959 : i32 to vector<16xi32>
          %select_n3A_961 = arith.select %gt3A_958, %gather3A_956, %broadcast_in_dim3A_960 : vector<16xi1>, vector<16xi32>
          %min3A_962 = arith.minsi %min3A_949, %select_n3A_961 : vector<16xi32>
          %max3A_963 = arith.maxsi %min3A_949, %select_n3A_961 : vector<16xi32>
          %min3A_964 = arith.minsi %min3A_951, %max3A_963 : vector<16xi32>
          %sort3A_965 = arith.constant dense<true> : vector<16xi1>
          %sort3A_966, %sort3A_967, %sort3A_968 = tpu.sort %min3A_962, %min3A_962 masked %sort3A_965 : (vector<16xi32>, vector<16xi32>, vector<16xi1>) -> (vector<16xi1>, vector<16xi32>, vector<16xi32>)
          %slice3A_969 = vector.extract_strided_slice %sort3A_967 {offsets = [0], sizes = [1], strides = [1]} : vector<16xi32> to vector<1xi32>
          %squeeze3A_970 = vector.extract %slice3A_969[0] : i32 from vector<1xi32>
          %eq3A_971 = vector.broadcast %squeeze3A_970 : i32 to vector<16xi32>
          %eq3A_972 = arith.cmpi eq, %min3A_962, %eq3A_971 : vector<16xi32>
          %select_n3A_973 = arith.select %eq3A_972, %min3A_964, %min3A_962 : vector<16xi1>, vector<16xi32>
          %sort3A_974 = arith.constant dense<true> : vector<16xi1>
          %sort3A_975, %sort3A_976, %sort3A_977 = tpu.sort %select_n3A_973, %select_n3A_973 masked %sort3A_974 : (vector<16xi32>, vector<16xi32>, vector<16xi1>) -> (vector<16xi1>, vector<16xi32>, vector<16xi32>)
          %slice3A_978 = vector.extract_strided_slice %sort3A_976 {offsets = [0], sizes = [1], strides = [1]} : vector<16xi32> to vector<1xi32>
          %squeeze3A_979 = vector.extract %slice3A_978[0] : i32 from vector<1xi32>
          %eq3A_980 = vector.broadcast %and3A_628 : i32 to vector<16xi32>
          %eq3A_981 = arith.cmpi eq, %iota3A, %eq3A_980 : vector<16xi32>
          %broadcast_in_dim3A_982 = vector.broadcast %squeeze3A_970 : i32 to vector<16xi32>
          %select_n3A_983 = arith.select %eq3A_981, %broadcast_in_dim3A_982, %select_n3A_643 : vector<16xi1>, vector<16xi32>
          %eq3A_984 = vector.broadcast %and3A_628 : i32 to vector<16xi32>
          %eq3A_985 = arith.cmpi eq, %iota3A, %eq3A_984 : vector<16xi32>
          %broadcast_in_dim3A_986 = vector.broadcast %squeeze3A_979 : i32 to vector<16xi32>
          %select_n3A_987 = arith.select %eq3A_985, %broadcast_in_dim3A_986, %select_n3A_648 : vector<16xi1>, vector<16xi32>
          scf.yield %select_n3A_983, %select_n3A_987 : vector<16xi32>, vector<16xi32>
        } else {
          scf.yield %select_n3A_643, %select_n3A_648 : vector<16xi32>, vector<16xi32>
        }
        %sort3A_655 = arith.constant dense<true> : vector<16xi1>
        %sort3A_656, %sort3A_657, %sort3A_658 = tpu.sort %cond3A_654#0, %cond3A_654#0 masked %sort3A_655 : (vector<16xi32>, vector<16xi32>, vector<16xi1>) -> (vector<16xi1>, vector<16xi32>, vector<16xi32>)
        %slice3A_659 = vector.extract_strided_slice %sort3A_657 {offsets = [0], sizes = [1], strides = [1]} : vector<16xi32> to vector<1xi32>
        %squeeze3A_660 = vector.extract %slice3A_659[0] : i32 from vector<1xi32>
        %and3A_661 = arith.constant 2047 : i32
        %and3A_662 = arith.andi %squeeze3A_660, %and3A_661 : i32
        %and3A_663 = arith.constant 15 : i32
        %and3A_664 = arith.andi %squeeze3A_660, %and3A_663 : i32
        %add3A_665 = arith.constant 2 : i32
        %add3A_666 = arith.addi %mul3A_584, %add3A_665 : i32
        %eq3A_667 = vector.broadcast %add3A_666 : i32 to vector<16xi32>
        %eq3A_668 = arith.cmpi eq, %iota3A, %eq3A_667 : vector<16xi32>
        %broadcast_in_dim3A_669 = vector.broadcast %and3A_662 : i32 to vector<16xi32>
        %select_n3A_670 = arith.select %eq3A_668, %broadcast_in_dim3A_669, %select_n3A_634 : vector<16xi1>, vector<16xi32>
        %broadcast_in_dim3A_671 = vector.broadcast %and3A_664 : i32 to vector<16xi32>
        %broadcast_in_dim3A_672 = vector.shape_cast %broadcast_in_dim3A_671 : vector<16xi32> to vector<16x1xi32>
        %gather3A_673 = vector.shape_cast %broadcast_in_dim3A_672 : vector<16x1xi32> to vector<16xi32>
        %gather3A_674 = tpu.dynamic_gather %cond3A_654#1[%gather3A_673] in [0] : vector<16xi32>, vector<16xi32> -> vector<16xi32>
        %slice3A_675 = vector.extract_strided_slice %gather3A_674 {offsets = [0], sizes = [1], strides = [1]} : vector<16xi32> to vector<1xi32>
        %squeeze3A_676 = vector.extract %slice3A_675[0] : i32 from vector<1xi32>
        %eq3A_677 = vector.broadcast %and3A_664 : i32 to vector<16xi32>
        %eq3A_678 = arith.cmpi eq, %iota3A, %eq3A_677 : vector<16xi32>
        %select_n3A_679 = arith.select %eq3A_678, %gather3A_674, %cond3A_654#0 : vector<16xi1>, vector<16xi32>
        %eq3A_680 = vector.broadcast %and3A_664 : i32 to vector<16xi32>
        %eq3A_681 = arith.cmpi eq, %iota3A, %eq3A_680 : vector<16xi32>
        %jit3A_682 = arith.constant 2139095040 : i32
        %broadcast_in_dim3A_683 = vector.broadcast %jit3A_682 : i32 to vector<16xi32>
        %select_n3A_684 = arith.select %eq3A_681, %broadcast_in_dim3A_683, %cond3A_654#1 : vector<16xi1>, vector<16xi32>
        %eq3A_685 = arith.constant 2139095040 : i32
        %eq3A_686 = arith.cmpi eq, %squeeze3A_676, %eq3A_685 : i32
        %convert_element_type3A_687 = arith.extui %eq3A_686 : i1 to i32
        %cond3A_688 = arith.constant 0 : i32
        %cond3A_689 = arith.cmpi ne, %convert_element_type3A_687, %cond3A_688 : i32
        %cond3A_690:2 = scf.if %cond3A_689 -> (vector<16xi32>, vector<16xi32>) {
          %add3A_877 = arith.constant 0 : i32
          %add3A_878 = arith.addi %and3A_664, %add3A_877 : i32
          %add3A_879 = vector.broadcast %add3A_878 : i32 to vector<16xi32>
          %add3A_880 = arith.addi %mul3A_3, %add3A_879 : vector<16xi32>
          %gather3A_881 = tpu.vector_load_idx %arg13[%add3A_880] : memref<1792xi32, #tpu.memory_space<vmem>>[vector<16xi32>], vector<16xi32>,
          %gt3A = vector.broadcast %squeeze3A_660 : i32 to vector<16xi32>
          %gt3A_882 = arith.cmpi sgt, %gather3A_881, %gt3A : vector<16xi32>
          %jit3A_883 = arith.constant 2139095040 : i32
          %broadcast_in_dim3A_884 = vector.broadcast %jit3A_883 : i32 to vector<16xi32>
          %select_n3A_885 = arith.select %gt3A_882, %gather3A_881, %broadcast_in_dim3A_884 : vector<16xi1>, vector<16xi32>
          %min3A = arith.minsi %broadcast_in_dim3A_4, %select_n3A_885 : vector<16xi32>
          %max3A = arith.maxsi %broadcast_in_dim3A_4, %select_n3A_885 : vector<16xi32>
          %min3A_886 = arith.minsi %broadcast_in_dim3A_4, %max3A : vector<16xi32>
          %add3A_887 = arith.constant 256 : i32
          %add3A_888 = arith.addi %and3A_664, %add3A_887 : i32
          %add3A_889 = vector.broadcast %add3A_888 : i32 to vector<16xi32>
          %add3A_890 = arith.addi %mul3A_3, %add3A_889 : vector<16xi32>
          %gather3A_891 = tpu.vector_load_idx %arg13[%add3A_890] : memref<1792xi32, #tpu.memory_space<vmem>>[vector<16xi32>], vector<16xi32>,
          %gt3A_892 = vector.broadcast %squeeze3A_660 : i32 to vector<16xi32>
          %gt3A_893 = arith.cmpi sgt, %gather3A_891, %gt3A_892 : vector<16xi32>
          %jit3A_894 = arith.constant 2139095040 : i32
          %broadcast_in_dim3A_895 = vector.broadcast %jit3A_894 : i32 to vector<16xi32>
          %select_n3A_896 = arith.select %gt3A_893, %gather3A_891, %broadcast_in_dim3A_895 : vector<16xi1>, vector<16xi32>
          %min3A_897 = arith.minsi %min3A, %select_n3A_896 : vector<16xi32>
          %max3A_898 = arith.maxsi %min3A, %select_n3A_896 : vector<16xi32>
          %min3A_899 = arith.minsi %min3A_886, %max3A_898 : vector<16xi32>
          %add3A_900 = arith.constant 512 : i32
          %add3A_901 = arith.addi %and3A_664, %add3A_900 : i32
          %add3A_902 = vector.broadcast %add3A_901 : i32 to vector<16xi32>
          %add3A_903 = arith.addi %mul3A_3, %add3A_902 : vector<16xi32>
          %gather3A_904 = tpu.vector_load_idx %arg13[%add3A_903] : memref<1792xi32, #tpu.memory_space<vmem>>[vector<16xi32>], vector<16xi32>,
          %gt3A_905 = vector.broadcast %squeeze3A_660 : i32 to vector<16xi32>
          %gt3A_906 = arith.cmpi sgt, %gather3A_904, %gt3A_905 : vector<16xi32>
          %jit3A_907 = arith.constant 2139095040 : i32
          %broadcast_in_dim3A_908 = vector.broadcast %jit3A_907 : i32 to vector<16xi32>
          %select_n3A_909 = arith.select %gt3A_906, %gather3A_904, %broadcast_in_dim3A_908 : vector<16xi1>, vector<16xi32>
          %min3A_910 = arith.minsi %min3A_897, %select_n3A_909 : vector<16xi32>
          %max3A_911 = arith.maxsi %min3A_897, %select_n3A_909 : vector<16xi32>
          %min3A_912 = arith.minsi %min3A_899, %max3A_911 : vector<16xi32>
          %add3A_913 = arith.constant 768 : i32
          %add3A_914 = arith.addi %and3A_664, %add3A_913 : i32
          %add3A_915 = vector.broadcast %add3A_914 : i32 to vector<16xi32>
          %add3A_916 = arith.addi %mul3A_3, %add3A_915 : vector<16xi32>
          %gather3A_917 = tpu.vector_load_idx %arg13[%add3A_916] : memref<1792xi32, #tpu.memory_space<vmem>>[vector<16xi32>], vector<16xi32>,
          %gt3A_918 = vector.broadcast %squeeze3A_660 : i32 to vector<16xi32>
          %gt3A_919 = arith.cmpi sgt, %gather3A_917, %gt3A_918 : vector<16xi32>
          %jit3A_920 = arith.constant 2139095040 : i32
          %broadcast_in_dim3A_921 = vector.broadcast %jit3A_920 : i32 to vector<16xi32>
          %select_n3A_922 = arith.select %gt3A_919, %gather3A_917, %broadcast_in_dim3A_921 : vector<16xi1>, vector<16xi32>
          %min3A_923 = arith.minsi %min3A_910, %select_n3A_922 : vector<16xi32>
          %max3A_924 = arith.maxsi %min3A_910, %select_n3A_922 : vector<16xi32>
          %min3A_925 = arith.minsi %min3A_912, %max3A_924 : vector<16xi32>
          %add3A_926 = arith.constant 1024 : i32
          %add3A_927 = arith.addi %and3A_664, %add3A_926 : i32
          %add3A_928 = vector.broadcast %add3A_927 : i32 to vector<16xi32>
          %add3A_929 = arith.addi %mul3A_3, %add3A_928 : vector<16xi32>
          %gather3A_930 = tpu.vector_load_idx %arg13[%add3A_929] : memref<1792xi32, #tpu.memory_space<vmem>>[vector<16xi32>], vector<16xi32>,
          %gt3A_931 = vector.broadcast %squeeze3A_660 : i32 to vector<16xi32>
          %gt3A_932 = arith.cmpi sgt, %gather3A_930, %gt3A_931 : vector<16xi32>
          %jit3A_933 = arith.constant 2139095040 : i32
          %broadcast_in_dim3A_934 = vector.broadcast %jit3A_933 : i32 to vector<16xi32>
          %select_n3A_935 = arith.select %gt3A_932, %gather3A_930, %broadcast_in_dim3A_934 : vector<16xi1>, vector<16xi32>
          %min3A_936 = arith.minsi %min3A_923, %select_n3A_935 : vector<16xi32>
          %max3A_937 = arith.maxsi %min3A_923, %select_n3A_935 : vector<16xi32>
          %min3A_938 = arith.minsi %min3A_925, %max3A_937 : vector<16xi32>
          %add3A_939 = arith.constant 1280 : i32
          %add3A_940 = arith.addi %and3A_664, %add3A_939 : i32
          %add3A_941 = vector.broadcast %add3A_940 : i32 to vector<16xi32>
          %add3A_942 = arith.addi %mul3A_3, %add3A_941 : vector<16xi32>
          %gather3A_943 = tpu.vector_load_idx %arg13[%add3A_942] : memref<1792xi32, #tpu.memory_space<vmem>>[vector<16xi32>], vector<16xi32>,
          %gt3A_944 = vector.broadcast %squeeze3A_660 : i32 to vector<16xi32>
          %gt3A_945 = arith.cmpi sgt, %gather3A_943, %gt3A_944 : vector<16xi32>
          %jit3A_946 = arith.constant 2139095040 : i32
          %broadcast_in_dim3A_947 = vector.broadcast %jit3A_946 : i32 to vector<16xi32>
          %select_n3A_948 = arith.select %gt3A_945, %gather3A_943, %broadcast_in_dim3A_947 : vector<16xi1>, vector<16xi32>
          %min3A_949 = arith.minsi %min3A_936, %select_n3A_948 : vector<16xi32>
          %max3A_950 = arith.maxsi %min3A_936, %select_n3A_948 : vector<16xi32>
          %min3A_951 = arith.minsi %min3A_938, %max3A_950 : vector<16xi32>
          %add3A_952 = arith.constant 1536 : i32
          %add3A_953 = arith.addi %and3A_664, %add3A_952 : i32
          %add3A_954 = vector.broadcast %add3A_953 : i32 to vector<16xi32>
          %add3A_955 = arith.addi %mul3A_3, %add3A_954 : vector<16xi32>
          %gather3A_956 = tpu.vector_load_idx %arg13[%add3A_955] : memref<1792xi32, #tpu.memory_space<vmem>>[vector<16xi32>], vector<16xi32>,
          %gt3A_957 = vector.broadcast %squeeze3A_660 : i32 to vector<16xi32>
          %gt3A_958 = arith.cmpi sgt, %gather3A_956, %gt3A_957 : vector<16xi32>
          %jit3A_959 = arith.constant 2139095040 : i32
          %broadcast_in_dim3A_960 = vector.broadcast %jit3A_959 : i32 to vector<16xi32>
          %select_n3A_961 = arith.select %gt3A_958, %gather3A_956, %broadcast_in_dim3A_960 : vector<16xi1>, vector<16xi32>
          %min3A_962 = arith.minsi %min3A_949, %select_n3A_961 : vector<16xi32>
          %max3A_963 = arith.maxsi %min3A_949, %select_n3A_961 : vector<16xi32>
          %min3A_964 = arith.minsi %min3A_951, %max3A_963 : vector<16xi32>
          %sort3A_965 = arith.constant dense<true> : vector<16xi1>
          %sort3A_966, %sort3A_967, %sort3A_968 = tpu.sort %min3A_962, %min3A_962 masked %sort3A_965 : (vector<16xi32>, vector<16xi32>, vector<16xi1>) -> (vector<16xi1>, vector<16xi32>, vector<16xi32>)
          %slice3A_969 = vector.extract_strided_slice %sort3A_967 {offsets = [0], sizes = [1], strides = [1]} : vector<16xi32> to vector<1xi32>
          %squeeze3A_970 = vector.extract %slice3A_969[0] : i32 from vector<1xi32>
          %eq3A_971 = vector.broadcast %squeeze3A_970 : i32 to vector<16xi32>
          %eq3A_972 = arith.cmpi eq, %min3A_962, %eq3A_971 : vector<16xi32>
          %select_n3A_973 = arith.select %eq3A_972, %min3A_964, %min3A_962 : vector<16xi1>, vector<16xi32>
          %sort3A_974 = arith.constant dense<true> : vector<16xi1>
          %sort3A_975, %sort3A_976, %sort3A_977 = tpu.sort %select_n3A_973, %select_n3A_973 masked %sort3A_974 : (vector<16xi32>, vector<16xi32>, vector<16xi1>) -> (vector<16xi1>, vector<16xi32>, vector<16xi32>)
          %slice3A_978 = vector.extract_strided_slice %sort3A_976 {offsets = [0], sizes = [1], strides = [1]} : vector<16xi32> to vector<1xi32>
          %squeeze3A_979 = vector.extract %slice3A_978[0] : i32 from vector<1xi32>
          %eq3A_980 = vector.broadcast %and3A_664 : i32 to vector<16xi32>
          %eq3A_981 = arith.cmpi eq, %iota3A, %eq3A_980 : vector<16xi32>
          %broadcast_in_dim3A_982 = vector.broadcast %squeeze3A_970 : i32 to vector<16xi32>
          %select_n3A_983 = arith.select %eq3A_981, %broadcast_in_dim3A_982, %select_n3A_679 : vector<16xi1>, vector<16xi32>
          %eq3A_984 = vector.broadcast %and3A_664 : i32 to vector<16xi32>
          %eq3A_985 = arith.cmpi eq, %iota3A, %eq3A_984 : vector<16xi32>
          %broadcast_in_dim3A_986 = vector.broadcast %squeeze3A_979 : i32 to vector<16xi32>
          %select_n3A_987 = arith.select %eq3A_985, %broadcast_in_dim3A_986, %select_n3A_684 : vector<16xi1>, vector<16xi32>
          scf.yield %select_n3A_983, %select_n3A_987 : vector<16xi32>, vector<16xi32>
        } else {
          scf.yield %select_n3A_679, %select_n3A_684 : vector<16xi32>, vector<16xi32>
        }
        %sort3A_691 = arith.constant dense<true> : vector<16xi1>
        %sort3A_692, %sort3A_693, %sort3A_694 = tpu.sort %cond3A_690#0, %cond3A_690#0 masked %sort3A_691 : (vector<16xi32>, vector<16xi32>, vector<16xi1>) -> (vector<16xi1>, vector<16xi32>, vector<16xi32>)
        %slice3A_695 = vector.extract_strided_slice %sort3A_693 {offsets = [0], sizes = [1], strides = [1]} : vector<16xi32> to vector<1xi32>
        %squeeze3A_696 = vector.extract %slice3A_695[0] : i32 from vector<1xi32>
        %and3A_697 = arith.constant 2047 : i32
        %and3A_698 = arith.andi %squeeze3A_696, %and3A_697 : i32
        %and3A_699 = arith.constant 15 : i32
        %and3A_700 = arith.andi %squeeze3A_696, %and3A_699 : i32
        %add3A_701 = arith.constant 3 : i32
        %add3A_702 = arith.addi %mul3A_584, %add3A_701 : i32
        %eq3A_703 = vector.broadcast %add3A_702 : i32 to vector<16xi32>
        %eq3A_704 = arith.cmpi eq, %iota3A, %eq3A_703 : vector<16xi32>
        %broadcast_in_dim3A_705 = vector.broadcast %and3A_698 : i32 to vector<16xi32>
        %select_n3A_706 = arith.select %eq3A_704, %broadcast_in_dim3A_705, %select_n3A_670 : vector<16xi1>, vector<16xi32>
        %broadcast_in_dim3A_707 = vector.broadcast %and3A_700 : i32 to vector<16xi32>
        %broadcast_in_dim3A_708 = vector.shape_cast %broadcast_in_dim3A_707 : vector<16xi32> to vector<16x1xi32>
        %gather3A_709 = vector.shape_cast %broadcast_in_dim3A_708 : vector<16x1xi32> to vector<16xi32>
        %gather3A_710 = tpu.dynamic_gather %cond3A_690#1[%gather3A_709] in [0] : vector<16xi32>, vector<16xi32> -> vector<16xi32>
        %slice3A_711 = vector.extract_strided_slice %gather3A_710 {offsets = [0], sizes = [1], strides = [1]} : vector<16xi32> to vector<1xi32>
        %squeeze3A_712 = vector.extract %slice3A_711[0] : i32 from vector<1xi32>
        %eq3A_713 = vector.broadcast %and3A_700 : i32 to vector<16xi32>
        %eq3A_714 = arith.cmpi eq, %iota3A, %eq3A_713 : vector<16xi32>
        %select_n3A_715 = arith.select %eq3A_714, %gather3A_710, %cond3A_690#0 : vector<16xi1>, vector<16xi32>
        %eq3A_716 = vector.broadcast %and3A_700 : i32 to vector<16xi32>
        %eq3A_717 = arith.cmpi eq, %iota3A, %eq3A_716 : vector<16xi32>
        %jit3A_718 = arith.constant 2139095040 : i32
        %broadcast_in_dim3A_719 = vector.broadcast %jit3A_718 : i32 to vector<16xi32>
        %select_n3A_720 = arith.select %eq3A_717, %broadcast_in_dim3A_719, %cond3A_690#1 : vector<16xi1>, vector<16xi32>
        %eq3A_721 = arith.constant 2139095040 : i32
        %eq3A_722 = arith.cmpi eq, %squeeze3A_712, %eq3A_721 : i32
        %convert_element_type3A_723 = arith.extui %eq3A_722 : i1 to i32
        %cond3A_724 = arith.constant 0 : i32
        %cond3A_725 = arith.cmpi ne, %convert_element_type3A_723, %cond3A_724 : i32
        %cond3A_726:2 = scf.if %cond3A_725 -> (vector<16xi32>, vector<16xi32>) {
          %add3A_877 = arith.constant 0 : i32
          %add3A_878 = arith.addi %and3A_700, %add3A_877 : i32
          %add3A_879 = vector.broadcast %add3A_878 : i32 to vector<16xi32>
          %add3A_880 = arith.addi %mul3A_3, %add3A_879 : vector<16xi32>
          %gather3A_881 = tpu.vector_load_idx %arg13[%add3A_880] : memref<1792xi32, #tpu.memory_space<vmem>>[vector<16xi32>], vector<16xi32>,
          %gt3A = vector.broadcast %squeeze3A_696 : i32 to vector<16xi32>
          %gt3A_882 = arith.cmpi sgt, %gather3A_881, %gt3A : vector<16xi32>
          %jit3A_883 = arith.constant 2139095040 : i32
          %broadcast_in_dim3A_884 = vector.broadcast %jit3A_883 : i32 to vector<16xi32>
          %select_n3A_885 = arith.select %gt3A_882, %gather3A_881, %broadcast_in_dim3A_884 : vector<16xi1>, vector<16xi32>
          %min3A = arith.minsi %broadcast_in_dim3A_4, %select_n3A_885 : vector<16xi32>
          %max3A = arith.maxsi %broadcast_in_dim3A_4, %select_n3A_885 : vector<16xi32>
          %min3A_886 = arith.minsi %broadcast_in_dim3A_4, %max3A : vector<16xi32>
          %add3A_887 = arith.constant 256 : i32
          %add3A_888 = arith.addi %and3A_700, %add3A_887 : i32
          %add3A_889 = vector.broadcast %add3A_888 : i32 to vector<16xi32>
          %add3A_890 = arith.addi %mul3A_3, %add3A_889 : vector<16xi32>
          %gather3A_891 = tpu.vector_load_idx %arg13[%add3A_890] : memref<1792xi32, #tpu.memory_space<vmem>>[vector<16xi32>], vector<16xi32>,
          %gt3A_892 = vector.broadcast %squeeze3A_696 : i32 to vector<16xi32>
          %gt3A_893 = arith.cmpi sgt, %gather3A_891, %gt3A_892 : vector<16xi32>
          %jit3A_894 = arith.constant 2139095040 : i32
          %broadcast_in_dim3A_895 = vector.broadcast %jit3A_894 : i32 to vector<16xi32>
          %select_n3A_896 = arith.select %gt3A_893, %gather3A_891, %broadcast_in_dim3A_895 : vector<16xi1>, vector<16xi32>
          %min3A_897 = arith.minsi %min3A, %select_n3A_896 : vector<16xi32>
          %max3A_898 = arith.maxsi %min3A, %select_n3A_896 : vector<16xi32>
          %min3A_899 = arith.minsi %min3A_886, %max3A_898 : vector<16xi32>
          %add3A_900 = arith.constant 512 : i32
          %add3A_901 = arith.addi %and3A_700, %add3A_900 : i32
          %add3A_902 = vector.broadcast %add3A_901 : i32 to vector<16xi32>
          %add3A_903 = arith.addi %mul3A_3, %add3A_902 : vector<16xi32>
          %gather3A_904 = tpu.vector_load_idx %arg13[%add3A_903] : memref<1792xi32, #tpu.memory_space<vmem>>[vector<16xi32>], vector<16xi32>,
          %gt3A_905 = vector.broadcast %squeeze3A_696 : i32 to vector<16xi32>
          %gt3A_906 = arith.cmpi sgt, %gather3A_904, %gt3A_905 : vector<16xi32>
          %jit3A_907 = arith.constant 2139095040 : i32
          %broadcast_in_dim3A_908 = vector.broadcast %jit3A_907 : i32 to vector<16xi32>
          %select_n3A_909 = arith.select %gt3A_906, %gather3A_904, %broadcast_in_dim3A_908 : vector<16xi1>, vector<16xi32>
          %min3A_910 = arith.minsi %min3A_897, %select_n3A_909 : vector<16xi32>
          %max3A_911 = arith.maxsi %min3A_897, %select_n3A_909 : vector<16xi32>
          %min3A_912 = arith.minsi %min3A_899, %max3A_911 : vector<16xi32>
          %add3A_913 = arith.constant 768 : i32
          %add3A_914 = arith.addi %and3A_700, %add3A_913 : i32
          %add3A_915 = vector.broadcast %add3A_914 : i32 to vector<16xi32>
          %add3A_916 = arith.addi %mul3A_3, %add3A_915 : vector<16xi32>
          %gather3A_917 = tpu.vector_load_idx %arg13[%add3A_916] : memref<1792xi32, #tpu.memory_space<vmem>>[vector<16xi32>], vector<16xi32>,
          %gt3A_918 = vector.broadcast %squeeze3A_696 : i32 to vector<16xi32>
          %gt3A_919 = arith.cmpi sgt, %gather3A_917, %gt3A_918 : vector<16xi32>
          %jit3A_920 = arith.constant 2139095040 : i32
          %broadcast_in_dim3A_921 = vector.broadcast %jit3A_920 : i32 to vector<16xi32>
          %select_n3A_922 = arith.select %gt3A_919, %gather3A_917, %broadcast_in_dim3A_921 : vector<16xi1>, vector<16xi32>
          %min3A_923 = arith.minsi %min3A_910, %select_n3A_922 : vector<16xi32>
          %max3A_924 = arith.maxsi %min3A_910, %select_n3A_922 : vector<16xi32>
          %min3A_925 = arith.minsi %min3A_912, %max3A_924 : vector<16xi32>
          %add3A_926 = arith.constant 1024 : i32
          %add3A_927 = arith.addi %and3A_700, %add3A_926 : i32
          %add3A_928 = vector.broadcast %add3A_927 : i32 to vector<16xi32>
          %add3A_929 = arith.addi %mul3A_3, %add3A_928 : vector<16xi32>
          %gather3A_930 = tpu.vector_load_idx %arg13[%add3A_929] : memref<1792xi32, #tpu.memory_space<vmem>>[vector<16xi32>], vector<16xi32>,
          %gt3A_931 = vector.broadcast %squeeze3A_696 : i32 to vector<16xi32>
          %gt3A_932 = arith.cmpi sgt, %gather3A_930, %gt3A_931 : vector<16xi32>
          %jit3A_933 = arith.constant 2139095040 : i32
          %broadcast_in_dim3A_934 = vector.broadcast %jit3A_933 : i32 to vector<16xi32>
          %select_n3A_935 = arith.select %gt3A_932, %gather3A_930, %broadcast_in_dim3A_934 : vector<16xi1>, vector<16xi32>
          %min3A_936 = arith.minsi %min3A_923, %select_n3A_935 : vector<16xi32>
          %max3A_937 = arith.maxsi %min3A_923, %select_n3A_935 : vector<16xi32>
          %min3A_938 = arith.minsi %min3A_925, %max3A_937 : vector<16xi32>
          %add3A_939 = arith.constant 1280 : i32
          %add3A_940 = arith.addi %and3A_700, %add3A_939 : i32
          %add3A_941 = vector.broadcast %add3A_940 : i32 to vector<16xi32>
          %add3A_942 = arith.addi %mul3A_3, %add3A_941 : vector<16xi32>
          %gather3A_943 = tpu.vector_load_idx %arg13[%add3A_942] : memref<1792xi32, #tpu.memory_space<vmem>>[vector<16xi32>], vector<16xi32>,
          %gt3A_944 = vector.broadcast %squeeze3A_696 : i32 to vector<16xi32>
          %gt3A_945 = arith.cmpi sgt, %gather3A_943, %gt3A_944 : vector<16xi32>
          %jit3A_946 = arith.constant 2139095040 : i32
          %broadcast_in_dim3A_947 = vector.broadcast %jit3A_946 : i32 to vector<16xi32>
          %select_n3A_948 = arith.select %gt3A_945, %gather3A_943, %broadcast_in_dim3A_947 : vector<16xi1>, vector<16xi32>
          %min3A_949 = arith.minsi %min3A_936, %select_n3A_948 : vector<16xi32>
          %max3A_950 = arith.maxsi %min3A_936, %select_n3A_948 : vector<16xi32>
          %min3A_951 = arith.minsi %min3A_938, %max3A_950 : vector<16xi32>
          %add3A_952 = arith.constant 1536 : i32
          %add3A_953 = arith.addi %and3A_700, %add3A_952 : i32
          %add3A_954 = vector.broadcast %add3A_953 : i32 to vector<16xi32>
          %add3A_955 = arith.addi %mul3A_3, %add3A_954 : vector<16xi32>
          %gather3A_956 = tpu.vector_load_idx %arg13[%add3A_955] : memref<1792xi32, #tpu.memory_space<vmem>>[vector<16xi32>], vector<16xi32>,
          %gt3A_957 = vector.broadcast %squeeze3A_696 : i32 to vector<16xi32>
          %gt3A_958 = arith.cmpi sgt, %gather3A_956, %gt3A_957 : vector<16xi32>
          %jit3A_959 = arith.constant 2139095040 : i32
          %broadcast_in_dim3A_960 = vector.broadcast %jit3A_959 : i32 to vector<16xi32>
          %select_n3A_961 = arith.select %gt3A_958, %gather3A_956, %broadcast_in_dim3A_960 : vector<16xi1>, vector<16xi32>
          %min3A_962 = arith.minsi %min3A_949, %select_n3A_961 : vector<16xi32>
          %max3A_963 = arith.maxsi %min3A_949, %select_n3A_961 : vector<16xi32>
          %min3A_964 = arith.minsi %min3A_951, %max3A_963 : vector<16xi32>
          %sort3A_965 = arith.constant dense<true> : vector<16xi1>
          %sort3A_966, %sort3A_967, %sort3A_968 = tpu.sort %min3A_962, %min3A_962 masked %sort3A_965 : (vector<16xi32>, vector<16xi32>, vector<16xi1>) -> (vector<16xi1>, vector<16xi32>, vector<16xi32>)
          %slice3A_969 = vector.extract_strided_slice %sort3A_967 {offsets = [0], sizes = [1], strides = [1]} : vector<16xi32> to vector<1xi32>
          %squeeze3A_970 = vector.extract %slice3A_969[0] : i32 from vector<1xi32>
          %eq3A_971 = vector.broadcast %squeeze3A_970 : i32 to vector<16xi32>
          %eq3A_972 = arith.cmpi eq, %min3A_962, %eq3A_971 : vector<16xi32>
          %select_n3A_973 = arith.select %eq3A_972, %min3A_964, %min3A_962 : vector<16xi1>, vector<16xi32>
          %sort3A_974 = arith.constant dense<true> : vector<16xi1>
          %sort3A_975, %sort3A_976, %sort3A_977 = tpu.sort %select_n3A_973, %select_n3A_973 masked %sort3A_974 : (vector<16xi32>, vector<16xi32>, vector<16xi1>) -> (vector<16xi1>, vector<16xi32>, vector<16xi32>)
          %slice3A_978 = vector.extract_strided_slice %sort3A_976 {offsets = [0], sizes = [1], strides = [1]} : vector<16xi32> to vector<1xi32>
          %squeeze3A_979 = vector.extract %slice3A_978[0] : i32 from vector<1xi32>
          %eq3A_980 = vector.broadcast %and3A_700 : i32 to vector<16xi32>
          %eq3A_981 = arith.cmpi eq, %iota3A, %eq3A_980 : vector<16xi32>
          %broadcast_in_dim3A_982 = vector.broadcast %squeeze3A_970 : i32 to vector<16xi32>
          %select_n3A_983 = arith.select %eq3A_981, %broadcast_in_dim3A_982, %select_n3A_715 : vector<16xi1>, vector<16xi32>
          %eq3A_984 = vector.broadcast %and3A_700 : i32 to vector<16xi32>
          %eq3A_985 = arith.cmpi eq, %iota3A, %eq3A_984 : vector<16xi32>
          %broadcast_in_dim3A_986 = vector.broadcast %squeeze3A_979 : i32 to vector<16xi32>
          %select_n3A_987 = arith.select %eq3A_985, %broadcast_in_dim3A_986, %select_n3A_720 : vector<16xi1>, vector<16xi32>
          scf.yield %select_n3A_983, %select_n3A_987 : vector<16xi32>, vector<16xi32>
        } else {
          scf.yield %select_n3A_715, %select_n3A_720 : vector<16xi32>, vector<16xi32>
        }
        %sort3A_727 = arith.constant dense<true> : vector<16xi1>
        %sort3A_728, %sort3A_729, %sort3A_730 = tpu.sort %cond3A_726#0, %cond3A_726#0 masked %sort3A_727 : (vector<16xi32>, vector<16xi32>, vector<16xi1>) -> (vector<16xi1>, vector<16xi32>, vector<16xi32>)
        %slice3A_731 = vector.extract_strided_slice %sort3A_729 {offsets = [0], sizes = [1], strides = [1]} : vector<16xi32> to vector<1xi32>
        %squeeze3A_732 = vector.extract %slice3A_731[0] : i32 from vector<1xi32>
        %and3A_733 = arith.constant 2047 : i32
        %and3A_734 = arith.andi %squeeze3A_732, %and3A_733 : i32
        %and3A_735 = arith.constant 15 : i32
        %and3A_736 = arith.andi %squeeze3A_732, %and3A_735 : i32
        %add3A_737 = arith.constant 4 : i32
        %add3A_738 = arith.addi %mul3A_584, %add3A_737 : i32
        %eq3A_739 = vector.broadcast %add3A_738 : i32 to vector<16xi32>
        %eq3A_740 = arith.cmpi eq, %iota3A, %eq3A_739 : vector<16xi32>
        %broadcast_in_dim3A_741 = vector.broadcast %and3A_734 : i32 to vector<16xi32>
        %select_n3A_742 = arith.select %eq3A_740, %broadcast_in_dim3A_741, %select_n3A_706 : vector<16xi1>, vector<16xi32>
        %broadcast_in_dim3A_743 = vector.broadcast %and3A_736 : i32 to vector<16xi32>
        %broadcast_in_dim3A_744 = vector.shape_cast %broadcast_in_dim3A_743 : vector<16xi32> to vector<16x1xi32>
        %gather3A_745 = vector.shape_cast %broadcast_in_dim3A_744 : vector<16x1xi32> to vector<16xi32>
        %gather3A_746 = tpu.dynamic_gather %cond3A_726#1[%gather3A_745] in [0] : vector<16xi32>, vector<16xi32> -> vector<16xi32>
        %slice3A_747 = vector.extract_strided_slice %gather3A_746 {offsets = [0], sizes = [1], strides = [1]} : vector<16xi32> to vector<1xi32>
        %squeeze3A_748 = vector.extract %slice3A_747[0] : i32 from vector<1xi32>
        %eq3A_749 = vector.broadcast %and3A_736 : i32 to vector<16xi32>
        %eq3A_750 = arith.cmpi eq, %iota3A, %eq3A_749 : vector<16xi32>
        %select_n3A_751 = arith.select %eq3A_750, %gather3A_746, %cond3A_726#0 : vector<16xi1>, vector<16xi32>
        %eq3A_752 = vector.broadcast %and3A_736 : i32 to vector<16xi32>
        %eq3A_753 = arith.cmpi eq, %iota3A, %eq3A_752 : vector<16xi32>
        %jit3A_754 = arith.constant 2139095040 : i32
        %broadcast_in_dim3A_755 = vector.broadcast %jit3A_754 : i32 to vector<16xi32>
        %select_n3A_756 = arith.select %eq3A_753, %broadcast_in_dim3A_755, %cond3A_726#1 : vector<16xi1>, vector<16xi32>
        %eq3A_757 = arith.constant 2139095040 : i32
        %eq3A_758 = arith.cmpi eq, %squeeze3A_748, %eq3A_757 : i32
        %convert_element_type3A_759 = arith.extui %eq3A_758 : i1 to i32
        %cond3A_760 = arith.constant 0 : i32
        %cond3A_761 = arith.cmpi ne, %convert_element_type3A_759, %cond3A_760 : i32
        %cond3A_762:2 = scf.if %cond3A_761 -> (vector<16xi32>, vector<16xi32>) {
          %add3A_877 = arith.constant 0 : i32
          %add3A_878 = arith.addi %and3A_736, %add3A_877 : i32
          %add3A_879 = vector.broadcast %add3A_878 : i32 to vector<16xi32>
          %add3A_880 = arith.addi %mul3A_3, %add3A_879 : vector<16xi32>
          %gather3A_881 = tpu.vector_load_idx %arg13[%add3A_880] : memref<1792xi32, #tpu.memory_space<vmem>>[vector<16xi32>], vector<16xi32>,
          %gt3A = vector.broadcast %squeeze3A_732 : i32 to vector<16xi32>
          %gt3A_882 = arith.cmpi sgt, %gather3A_881, %gt3A : vector<16xi32>
          %jit3A_883 = arith.constant 2139095040 : i32
          %broadcast_in_dim3A_884 = vector.broadcast %jit3A_883 : i32 to vector<16xi32>
          %select_n3A_885 = arith.select %gt3A_882, %gather3A_881, %broadcast_in_dim3A_884 : vector<16xi1>, vector<16xi32>
          %min3A = arith.minsi %broadcast_in_dim3A_4, %select_n3A_885 : vector<16xi32>
          %max3A = arith.maxsi %broadcast_in_dim3A_4, %select_n3A_885 : vector<16xi32>
          %min3A_886 = arith.minsi %broadcast_in_dim3A_4, %max3A : vector<16xi32>
          %add3A_887 = arith.constant 256 : i32
          %add3A_888 = arith.addi %and3A_736, %add3A_887 : i32
          %add3A_889 = vector.broadcast %add3A_888 : i32 to vector<16xi32>
          %add3A_890 = arith.addi %mul3A_3, %add3A_889 : vector<16xi32>
          %gather3A_891 = tpu.vector_load_idx %arg13[%add3A_890] : memref<1792xi32, #tpu.memory_space<vmem>>[vector<16xi32>], vector<16xi32>,
          %gt3A_892 = vector.broadcast %squeeze3A_732 : i32 to vector<16xi32>
          %gt3A_893 = arith.cmpi sgt, %gather3A_891, %gt3A_892 : vector<16xi32>
          %jit3A_894 = arith.constant 2139095040 : i32
          %broadcast_in_dim3A_895 = vector.broadcast %jit3A_894 : i32 to vector<16xi32>
          %select_n3A_896 = arith.select %gt3A_893, %gather3A_891, %broadcast_in_dim3A_895 : vector<16xi1>, vector<16xi32>
          %min3A_897 = arith.minsi %min3A, %select_n3A_896 : vector<16xi32>
          %max3A_898 = arith.maxsi %min3A, %select_n3A_896 : vector<16xi32>
          %min3A_899 = arith.minsi %min3A_886, %max3A_898 : vector<16xi32>
          %add3A_900 = arith.constant 512 : i32
          %add3A_901 = arith.addi %and3A_736, %add3A_900 : i32
          %add3A_902 = vector.broadcast %add3A_901 : i32 to vector<16xi32>
          %add3A_903 = arith.addi %mul3A_3, %add3A_902 : vector<16xi32>
          %gather3A_904 = tpu.vector_load_idx %arg13[%add3A_903] : memref<1792xi32, #tpu.memory_space<vmem>>[vector<16xi32>], vector<16xi32>,
          %gt3A_905 = vector.broadcast %squeeze3A_732 : i32 to vector<16xi32>
          %gt3A_906 = arith.cmpi sgt, %gather3A_904, %gt3A_905 : vector<16xi32>
          %jit3A_907 = arith.constant 2139095040 : i32
          %broadcast_in_dim3A_908 = vector.broadcast %jit3A_907 : i32 to vector<16xi32>
          %select_n3A_909 = arith.select %gt3A_906, %gather3A_904, %broadcast_in_dim3A_908 : vector<16xi1>, vector<16xi32>
          %min3A_910 = arith.minsi %min3A_897, %select_n3A_909 : vector<16xi32>
          %max3A_911 = arith.maxsi %min3A_897, %select_n3A_909 : vector<16xi32>
          %min3A_912 = arith.minsi %min3A_899, %max3A_911 : vector<16xi32>
          %add3A_913 = arith.constant 768 : i32
          %add3A_914 = arith.addi %and3A_736, %add3A_913 : i32
          %add3A_915 = vector.broadcast %add3A_914 : i32 to vector<16xi32>
          %add3A_916 = arith.addi %mul3A_3, %add3A_915 : vector<16xi32>
          %gather3A_917 = tpu.vector_load_idx %arg13[%add3A_916] : memref<1792xi32, #tpu.memory_space<vmem>>[vector<16xi32>], vector<16xi32>,
          %gt3A_918 = vector.broadcast %squeeze3A_732 : i32 to vector<16xi32>
          %gt3A_919 = arith.cmpi sgt, %gather3A_917, %gt3A_918 : vector<16xi32>
          %jit3A_920 = arith.constant 2139095040 : i32
          %broadcast_in_dim3A_921 = vector.broadcast %jit3A_920 : i32 to vector<16xi32>
          %select_n3A_922 = arith.select %gt3A_919, %gather3A_917, %broadcast_in_dim3A_921 : vector<16xi1>, vector<16xi32>
          %min3A_923 = arith.minsi %min3A_910, %select_n3A_922 : vector<16xi32>
          %max3A_924 = arith.maxsi %min3A_910, %select_n3A_922 : vector<16xi32>
          %min3A_925 = arith.minsi %min3A_912, %max3A_924 : vector<16xi32>
          %add3A_926 = arith.constant 1024 : i32
          %add3A_927 = arith.addi %and3A_736, %add3A_926 : i32
          %add3A_928 = vector.broadcast %add3A_927 : i32 to vector<16xi32>
          %add3A_929 = arith.addi %mul3A_3, %add3A_928 : vector<16xi32>
          %gather3A_930 = tpu.vector_load_idx %arg13[%add3A_929] : memref<1792xi32, #tpu.memory_space<vmem>>[vector<16xi32>], vector<16xi32>,
          %gt3A_931 = vector.broadcast %squeeze3A_732 : i32 to vector<16xi32>
          %gt3A_932 = arith.cmpi sgt, %gather3A_930, %gt3A_931 : vector<16xi32>
          %jit3A_933 = arith.constant 2139095040 : i32
          %broadcast_in_dim3A_934 = vector.broadcast %jit3A_933 : i32 to vector<16xi32>
          %select_n3A_935 = arith.select %gt3A_932, %gather3A_930, %broadcast_in_dim3A_934 : vector<16xi1>, vector<16xi32>
          %min3A_936 = arith.minsi %min3A_923, %select_n3A_935 : vector<16xi32>
          %max3A_937 = arith.maxsi %min3A_923, %select_n3A_935 : vector<16xi32>
          %min3A_938 = arith.minsi %min3A_925, %max3A_937 : vector<16xi32>
          %add3A_939 = arith.constant 1280 : i32
          %add3A_940 = arith.addi %and3A_736, %add3A_939 : i32
          %add3A_941 = vector.broadcast %add3A_940 : i32 to vector<16xi32>
          %add3A_942 = arith.addi %mul3A_3, %add3A_941 : vector<16xi32>
          %gather3A_943 = tpu.vector_load_idx %arg13[%add3A_942] : memref<1792xi32, #tpu.memory_space<vmem>>[vector<16xi32>], vector<16xi32>,
          %gt3A_944 = vector.broadcast %squeeze3A_732 : i32 to vector<16xi32>
          %gt3A_945 = arith.cmpi sgt, %gather3A_943, %gt3A_944 : vector<16xi32>
          %jit3A_946 = arith.constant 2139095040 : i32
          %broadcast_in_dim3A_947 = vector.broadcast %jit3A_946 : i32 to vector<16xi32>
          %select_n3A_948 = arith.select %gt3A_945, %gather3A_943, %broadcast_in_dim3A_947 : vector<16xi1>, vector<16xi32>
          %min3A_949 = arith.minsi %min3A_936, %select_n3A_948 : vector<16xi32>
          %max3A_950 = arith.maxsi %min3A_936, %select_n3A_948 : vector<16xi32>
          %min3A_951 = arith.minsi %min3A_938, %max3A_950 : vector<16xi32>
          %add3A_952 = arith.constant 1536 : i32
          %add3A_953 = arith.addi %and3A_736, %add3A_952 : i32
          %add3A_954 = vector.broadcast %add3A_953 : i32 to vector<16xi32>
          %add3A_955 = arith.addi %mul3A_3, %add3A_954 : vector<16xi32>
          %gather3A_956 = tpu.vector_load_idx %arg13[%add3A_955] : memref<1792xi32, #tpu.memory_space<vmem>>[vector<16xi32>], vector<16xi32>,
          %gt3A_957 = vector.broadcast %squeeze3A_732 : i32 to vector<16xi32>
          %gt3A_958 = arith.cmpi sgt, %gather3A_956, %gt3A_957 : vector<16xi32>
          %jit3A_959 = arith.constant 2139095040 : i32
          %broadcast_in_dim3A_960 = vector.broadcast %jit3A_959 : i32 to vector<16xi32>
          %select_n3A_961 = arith.select %gt3A_958, %gather3A_956, %broadcast_in_dim3A_960 : vector<16xi1>, vector<16xi32>
          %min3A_962 = arith.minsi %min3A_949, %select_n3A_961 : vector<16xi32>
          %max3A_963 = arith.maxsi %min3A_949, %select_n3A_961 : vector<16xi32>
          %min3A_964 = arith.minsi %min3A_951, %max3A_963 : vector<16xi32>
          %sort3A_965 = arith.constant dense<true> : vector<16xi1>
          %sort3A_966, %sort3A_967, %sort3A_968 = tpu.sort %min3A_962, %min3A_962 masked %sort3A_965 : (vector<16xi32>, vector<16xi32>, vector<16xi1>) -> (vector<16xi1>, vector<16xi32>, vector<16xi32>)
          %slice3A_969 = vector.extract_strided_slice %sort3A_967 {offsets = [0], sizes = [1], strides = [1]} : vector<16xi32> to vector<1xi32>
          %squeeze3A_970 = vector.extract %slice3A_969[0] : i32 from vector<1xi32>
          %eq3A_971 = vector.broadcast %squeeze3A_970 : i32 to vector<16xi32>
          %eq3A_972 = arith.cmpi eq, %min3A_962, %eq3A_971 : vector<16xi32>
          %select_n3A_973 = arith.select %eq3A_972, %min3A_964, %min3A_962 : vector<16xi1>, vector<16xi32>
          %sort3A_974 = arith.constant dense<true> : vector<16xi1>
          %sort3A_975, %sort3A_976, %sort3A_977 = tpu.sort %select_n3A_973, %select_n3A_973 masked %sort3A_974 : (vector<16xi32>, vector<16xi32>, vector<16xi1>) -> (vector<16xi1>, vector<16xi32>, vector<16xi32>)
          %slice3A_978 = vector.extract_strided_slice %sort3A_976 {offsets = [0], sizes = [1], strides = [1]} : vector<16xi32> to vector<1xi32>
          %squeeze3A_979 = vector.extract %slice3A_978[0] : i32 from vector<1xi32>
          %eq3A_980 = vector.broadcast %and3A_736 : i32 to vector<16xi32>
          %eq3A_981 = arith.cmpi eq, %iota3A, %eq3A_980 : vector<16xi32>
          %broadcast_in_dim3A_982 = vector.broadcast %squeeze3A_970 : i32 to vector<16xi32>
          %select_n3A_983 = arith.select %eq3A_981, %broadcast_in_dim3A_982, %select_n3A_751 : vector<16xi1>, vector<16xi32>
          %eq3A_984 = vector.broadcast %and3A_736 : i32 to vector<16xi32>
          %eq3A_985 = arith.cmpi eq, %iota3A, %eq3A_984 : vector<16xi32>
          %broadcast_in_dim3A_986 = vector.broadcast %squeeze3A_979 : i32 to vector<16xi32>
          %select_n3A_987 = arith.select %eq3A_985, %broadcast_in_dim3A_986, %select_n3A_756 : vector<16xi1>, vector<16xi32>
          scf.yield %select_n3A_983, %select_n3A_987 : vector<16xi32>, vector<16xi32>
        } else {
          scf.yield %select_n3A_751, %select_n3A_756 : vector<16xi32>, vector<16xi32>
        }
        %sort3A_763 = arith.constant dense<true> : vector<16xi1>
        %sort3A_764, %sort3A_765, %sort3A_766 = tpu.sort %cond3A_762#0, %cond3A_762#0 masked %sort3A_763 : (vector<16xi32>, vector<16xi32>, vector<16xi1>) -> (vector<16xi1>, vector<16xi32>, vector<16xi32>)
        %slice3A_767 = vector.extract_strided_slice %sort3A_765 {offsets = [0], sizes = [1], strides = [1]} : vector<16xi32> to vector<1xi32>
        %squeeze3A_768 = vector.extract %slice3A_767[0] : i32 from vector<1xi32>
        %and3A_769 = arith.constant 2047 : i32
        %and3A_770 = arith.andi %squeeze3A_768, %and3A_769 : i32
        %and3A_771 = arith.constant 15 : i32
        %and3A_772 = arith.andi %squeeze3A_768, %and3A_771 : i32
        %add3A_773 = arith.constant 5 : i32
        %add3A_774 = arith.addi %mul3A_584, %add3A_773 : i32
        %eq3A_775 = vector.broadcast %add3A_774 : i32 to vector<16xi32>
        %eq3A_776 = arith.cmpi eq, %iota3A, %eq3A_775 : vector<16xi32>
        %broadcast_in_dim3A_777 = vector.broadcast %and3A_770 : i32 to vector<16xi32>
        %select_n3A_778 = arith.select %eq3A_776, %broadcast_in_dim3A_777, %select_n3A_742 : vector<16xi1>, vector<16xi32>
        %broadcast_in_dim3A_779 = vector.broadcast %and3A_772 : i32 to vector<16xi32>
        %broadcast_in_dim3A_780 = vector.shape_cast %broadcast_in_dim3A_779 : vector<16xi32> to vector<16x1xi32>
        %gather3A_781 = vector.shape_cast %broadcast_in_dim3A_780 : vector<16x1xi32> to vector<16xi32>
        %gather3A_782 = tpu.dynamic_gather %cond3A_762#1[%gather3A_781] in [0] : vector<16xi32>, vector<16xi32> -> vector<16xi32>
        %slice3A_783 = vector.extract_strided_slice %gather3A_782 {offsets = [0], sizes = [1], strides = [1]} : vector<16xi32> to vector<1xi32>
        %squeeze3A_784 = vector.extract %slice3A_783[0] : i32 from vector<1xi32>
        %eq3A_785 = vector.broadcast %and3A_772 : i32 to vector<16xi32>
        %eq3A_786 = arith.cmpi eq, %iota3A, %eq3A_785 : vector<16xi32>
        %select_n3A_787 = arith.select %eq3A_786, %gather3A_782, %cond3A_762#0 : vector<16xi1>, vector<16xi32>
        %eq3A_788 = vector.broadcast %and3A_772 : i32 to vector<16xi32>
        %eq3A_789 = arith.cmpi eq, %iota3A, %eq3A_788 : vector<16xi32>
        %jit3A_790 = arith.constant 2139095040 : i32
        %broadcast_in_dim3A_791 = vector.broadcast %jit3A_790 : i32 to vector<16xi32>
        %select_n3A_792 = arith.select %eq3A_789, %broadcast_in_dim3A_791, %cond3A_762#1 : vector<16xi1>, vector<16xi32>
        %eq3A_793 = arith.constant 2139095040 : i32
        %eq3A_794 = arith.cmpi eq, %squeeze3A_784, %eq3A_793 : i32
        %convert_element_type3A_795 = arith.extui %eq3A_794 : i1 to i32
        %cond3A_796 = arith.constant 0 : i32
        %cond3A_797 = arith.cmpi ne, %convert_element_type3A_795, %cond3A_796 : i32
        %cond3A_798:2 = scf.if %cond3A_797 -> (vector<16xi32>, vector<16xi32>) {
          %add3A_877 = arith.constant 0 : i32
          %add3A_878 = arith.addi %and3A_772, %add3A_877 : i32
          %add3A_879 = vector.broadcast %add3A_878 : i32 to vector<16xi32>
          %add3A_880 = arith.addi %mul3A_3, %add3A_879 : vector<16xi32>
          %gather3A_881 = tpu.vector_load_idx %arg13[%add3A_880] : memref<1792xi32, #tpu.memory_space<vmem>>[vector<16xi32>], vector<16xi32>,
          %gt3A = vector.broadcast %squeeze3A_768 : i32 to vector<16xi32>
          %gt3A_882 = arith.cmpi sgt, %gather3A_881, %gt3A : vector<16xi32>
          %jit3A_883 = arith.constant 2139095040 : i32
          %broadcast_in_dim3A_884 = vector.broadcast %jit3A_883 : i32 to vector<16xi32>
          %select_n3A_885 = arith.select %gt3A_882, %gather3A_881, %broadcast_in_dim3A_884 : vector<16xi1>, vector<16xi32>
          %min3A = arith.minsi %broadcast_in_dim3A_4, %select_n3A_885 : vector<16xi32>
          %max3A = arith.maxsi %broadcast_in_dim3A_4, %select_n3A_885 : vector<16xi32>
          %min3A_886 = arith.minsi %broadcast_in_dim3A_4, %max3A : vector<16xi32>
          %add3A_887 = arith.constant 256 : i32
          %add3A_888 = arith.addi %and3A_772, %add3A_887 : i32
          %add3A_889 = vector.broadcast %add3A_888 : i32 to vector<16xi32>
          %add3A_890 = arith.addi %mul3A_3, %add3A_889 : vector<16xi32>
          %gather3A_891 = tpu.vector_load_idx %arg13[%add3A_890] : memref<1792xi32, #tpu.memory_space<vmem>>[vector<16xi32>], vector<16xi32>,
          %gt3A_892 = vector.broadcast %squeeze3A_768 : i32 to vector<16xi32>
          %gt3A_893 = arith.cmpi sgt, %gather3A_891, %gt3A_892 : vector<16xi32>
          %jit3A_894 = arith.constant 2139095040 : i32
          %broadcast_in_dim3A_895 = vector.broadcast %jit3A_894 : i32 to vector<16xi32>
          %select_n3A_896 = arith.select %gt3A_893, %gather3A_891, %broadcast_in_dim3A_895 : vector<16xi1>, vector<16xi32>
          %min3A_897 = arith.minsi %min3A, %select_n3A_896 : vector<16xi32>
          %max3A_898 = arith.maxsi %min3A, %select_n3A_896 : vector<16xi32>
          %min3A_899 = arith.minsi %min3A_886, %max3A_898 : vector<16xi32>
          %add3A_900 = arith.constant 512 : i32
          %add3A_901 = arith.addi %and3A_772, %add3A_900 : i32
          %add3A_902 = vector.broadcast %add3A_901 : i32 to vector<16xi32>
          %add3A_903 = arith.addi %mul3A_3, %add3A_902 : vector<16xi32>
          %gather3A_904 = tpu.vector_load_idx %arg13[%add3A_903] : memref<1792xi32, #tpu.memory_space<vmem>>[vector<16xi32>], vector<16xi32>,
          %gt3A_905 = vector.broadcast %squeeze3A_768 : i32 to vector<16xi32>
          %gt3A_906 = arith.cmpi sgt, %gather3A_904, %gt3A_905 : vector<16xi32>
          %jit3A_907 = arith.constant 2139095040 : i32
          %broadcast_in_dim3A_908 = vector.broadcast %jit3A_907 : i32 to vector<16xi32>
          %select_n3A_909 = arith.select %gt3A_906, %gather3A_904, %broadcast_in_dim3A_908 : vector<16xi1>, vector<16xi32>
          %min3A_910 = arith.minsi %min3A_897, %select_n3A_909 : vector<16xi32>
          %max3A_911 = arith.maxsi %min3A_897, %select_n3A_909 : vector<16xi32>
          %min3A_912 = arith.minsi %min3A_899, %max3A_911 : vector<16xi32>
          %add3A_913 = arith.constant 768 : i32
          %add3A_914 = arith.addi %and3A_772, %add3A_913 : i32
          %add3A_915 = vector.broadcast %add3A_914 : i32 to vector<16xi32>
          %add3A_916 = arith.addi %mul3A_3, %add3A_915 : vector<16xi32>
          %gather3A_917 = tpu.vector_load_idx %arg13[%add3A_916] : memref<1792xi32, #tpu.memory_space<vmem>>[vector<16xi32>], vector<16xi32>,
          %gt3A_918 = vector.broadcast %squeeze3A_768 : i32 to vector<16xi32>
          %gt3A_919 = arith.cmpi sgt, %gather3A_917, %gt3A_918 : vector<16xi32>
          %jit3A_920 = arith.constant 2139095040 : i32
          %broadcast_in_dim3A_921 = vector.broadcast %jit3A_920 : i32 to vector<16xi32>
          %select_n3A_922 = arith.select %gt3A_919, %gather3A_917, %broadcast_in_dim3A_921 : vector<16xi1>, vector<16xi32>
          %min3A_923 = arith.minsi %min3A_910, %select_n3A_922 : vector<16xi32>
          %max3A_924 = arith.maxsi %min3A_910, %select_n3A_922 : vector<16xi32>
          %min3A_925 = arith.minsi %min3A_912, %max3A_924 : vector<16xi32>
          %add3A_926 = arith.constant 1024 : i32
          %add3A_927 = arith.addi %and3A_772, %add3A_926 : i32
          %add3A_928 = vector.broadcast %add3A_927 : i32 to vector<16xi32>
          %add3A_929 = arith.addi %mul3A_3, %add3A_928 : vector<16xi32>
          %gather3A_930 = tpu.vector_load_idx %arg13[%add3A_929] : memref<1792xi32, #tpu.memory_space<vmem>>[vector<16xi32>], vector<16xi32>,
          %gt3A_931 = vector.broadcast %squeeze3A_768 : i32 to vector<16xi32>
          %gt3A_932 = arith.cmpi sgt, %gather3A_930, %gt3A_931 : vector<16xi32>
          %jit3A_933 = arith.constant 2139095040 : i32
          %broadcast_in_dim3A_934 = vector.broadcast %jit3A_933 : i32 to vector<16xi32>
          %select_n3A_935 = arith.select %gt3A_932, %gather3A_930, %broadcast_in_dim3A_934 : vector<16xi1>, vector<16xi32>
          %min3A_936 = arith.minsi %min3A_923, %select_n3A_935 : vector<16xi32>
          %max3A_937 = arith.maxsi %min3A_923, %select_n3A_935 : vector<16xi32>
          %min3A_938 = arith.minsi %min3A_925, %max3A_937 : vector<16xi32>
          %add3A_939 = arith.constant 1280 : i32
          %add3A_940 = arith.addi %and3A_772, %add3A_939 : i32
          %add3A_941 = vector.broadcast %add3A_940 : i32 to vector<16xi32>
          %add3A_942 = arith.addi %mul3A_3, %add3A_941 : vector<16xi32>
          %gather3A_943 = tpu.vector_load_idx %arg13[%add3A_942] : memref<1792xi32, #tpu.memory_space<vmem>>[vector<16xi32>], vector<16xi32>,
          %gt3A_944 = vector.broadcast %squeeze3A_768 : i32 to vector<16xi32>
          %gt3A_945 = arith.cmpi sgt, %gather3A_943, %gt3A_944 : vector<16xi32>
          %jit3A_946 = arith.constant 2139095040 : i32
          %broadcast_in_dim3A_947 = vector.broadcast %jit3A_946 : i32 to vector<16xi32>
          %select_n3A_948 = arith.select %gt3A_945, %gather3A_943, %broadcast_in_dim3A_947 : vector<16xi1>, vector<16xi32>
          %min3A_949 = arith.minsi %min3A_936, %select_n3A_948 : vector<16xi32>
          %max3A_950 = arith.maxsi %min3A_936, %select_n3A_948 : vector<16xi32>
          %min3A_951 = arith.minsi %min3A_938, %max3A_950 : vector<16xi32>
          %add3A_952 = arith.constant 1536 : i32
          %add3A_953 = arith.addi %and3A_772, %add3A_952 : i32
          %add3A_954 = vector.broadcast %add3A_953 : i32 to vector<16xi32>
          %add3A_955 = arith.addi %mul3A_3, %add3A_954 : vector<16xi32>
          %gather3A_956 = tpu.vector_load_idx %arg13[%add3A_955] : memref<1792xi32, #tpu.memory_space<vmem>>[vector<16xi32>], vector<16xi32>,
          %gt3A_957 = vector.broadcast %squeeze3A_768 : i32 to vector<16xi32>
          %gt3A_958 = arith.cmpi sgt, %gather3A_956, %gt3A_957 : vector<16xi32>
          %jit3A_959 = arith.constant 2139095040 : i32
          %broadcast_in_dim3A_960 = vector.broadcast %jit3A_959 : i32 to vector<16xi32>
          %select_n3A_961 = arith.select %gt3A_958, %gather3A_956, %broadcast_in_dim3A_960 : vector<16xi1>, vector<16xi32>
          %min3A_962 = arith.minsi %min3A_949, %select_n3A_961 : vector<16xi32>
          %max3A_963 = arith.maxsi %min3A_949, %select_n3A_961 : vector<16xi32>
          %min3A_964 = arith.minsi %min3A_951, %max3A_963 : vector<16xi32>
          %sort3A_965 = arith.constant dense<true> : vector<16xi1>
          %sort3A_966, %sort3A_967, %sort3A_968 = tpu.sort %min3A_962, %min3A_962 masked %sort3A_965 : (vector<16xi32>, vector<16xi32>, vector<16xi1>) -> (vector<16xi1>, vector<16xi32>, vector<16xi32>)
          %slice3A_969 = vector.extract_strided_slice %sort3A_967 {offsets = [0], sizes = [1], strides = [1]} : vector<16xi32> to vector<1xi32>
          %squeeze3A_970 = vector.extract %slice3A_969[0] : i32 from vector<1xi32>
          %eq3A_971 = vector.broadcast %squeeze3A_970 : i32 to vector<16xi32>
          %eq3A_972 = arith.cmpi eq, %min3A_962, %eq3A_971 : vector<16xi32>
          %select_n3A_973 = arith.select %eq3A_972, %min3A_964, %min3A_962 : vector<16xi1>, vector<16xi32>
          %sort3A_974 = arith.constant dense<true> : vector<16xi1>
          %sort3A_975, %sort3A_976, %sort3A_977 = tpu.sort %select_n3A_973, %select_n3A_973 masked %sort3A_974 : (vector<16xi32>, vector<16xi32>, vector<16xi1>) -> (vector<16xi1>, vector<16xi32>, vector<16xi32>)
          %slice3A_978 = vector.extract_strided_slice %sort3A_976 {offsets = [0], sizes = [1], strides = [1]} : vector<16xi32> to vector<1xi32>
          %squeeze3A_979 = vector.extract %slice3A_978[0] : i32 from vector<1xi32>
          %eq3A_980 = vector.broadcast %and3A_772 : i32 to vector<16xi32>
          %eq3A_981 = arith.cmpi eq, %iota3A, %eq3A_980 : vector<16xi32>
          %broadcast_in_dim3A_982 = vector.broadcast %squeeze3A_970 : i32 to vector<16xi32>
          %select_n3A_983 = arith.select %eq3A_981, %broadcast_in_dim3A_982, %select_n3A_787 : vector<16xi1>, vector<16xi32>
          %eq3A_984 = vector.broadcast %and3A_772 : i32 to vector<16xi32>
          %eq3A_985 = arith.cmpi eq, %iota3A, %eq3A_984 : vector<16xi32>
          %broadcast_in_dim3A_986 = vector.broadcast %squeeze3A_979 : i32 to vector<16xi32>
          %select_n3A_987 = arith.select %eq3A_985, %broadcast_in_dim3A_986, %select_n3A_792 : vector<16xi1>, vector<16xi32>
          scf.yield %select_n3A_983, %select_n3A_987 : vector<16xi32>, vector<16xi32>
        } else {
          scf.yield %select_n3A_787, %select_n3A_792 : vector<16xi32>, vector<16xi32>
        }
        %sort3A_799 = arith.constant dense<true> : vector<16xi1>
        %sort3A_800, %sort3A_801, %sort3A_802 = tpu.sort %cond3A_798#0, %cond3A_798#0 masked %sort3A_799 : (vector<16xi32>, vector<16xi32>, vector<16xi1>) -> (vector<16xi1>, vector<16xi32>, vector<16xi32>)
        %slice3A_803 = vector.extract_strided_slice %sort3A_801 {offsets = [0], sizes = [1], strides = [1]} : vector<16xi32> to vector<1xi32>
        %squeeze3A_804 = vector.extract %slice3A_803[0] : i32 from vector<1xi32>
        %and3A_805 = arith.constant 2047 : i32
        %and3A_806 = arith.andi %squeeze3A_804, %and3A_805 : i32
        %and3A_807 = arith.constant 15 : i32
        %and3A_808 = arith.andi %squeeze3A_804, %and3A_807 : i32
        %add3A_809 = arith.constant 6 : i32
        %add3A_810 = arith.addi %mul3A_584, %add3A_809 : i32
        %eq3A_811 = vector.broadcast %add3A_810 : i32 to vector<16xi32>
        %eq3A_812 = arith.cmpi eq, %iota3A, %eq3A_811 : vector<16xi32>
        %broadcast_in_dim3A_813 = vector.broadcast %and3A_806 : i32 to vector<16xi32>
        %select_n3A_814 = arith.select %eq3A_812, %broadcast_in_dim3A_813, %select_n3A_778 : vector<16xi1>, vector<16xi32>
        %broadcast_in_dim3A_815 = vector.broadcast %and3A_808 : i32 to vector<16xi32>
        %broadcast_in_dim3A_816 = vector.shape_cast %broadcast_in_dim3A_815 : vector<16xi32> to vector<16x1xi32>
        %gather3A_817 = vector.shape_cast %broadcast_in_dim3A_816 : vector<16x1xi32> to vector<16xi32>
        %gather3A_818 = tpu.dynamic_gather %cond3A_798#1[%gather3A_817] in [0] : vector<16xi32>, vector<16xi32> -> vector<16xi32>
        %slice3A_819 = vector.extract_strided_slice %gather3A_818 {offsets = [0], sizes = [1], strides = [1]} : vector<16xi32> to vector<1xi32>
        %squeeze3A_820 = vector.extract %slice3A_819[0] : i32 from vector<1xi32>
        %eq3A_821 = vector.broadcast %and3A_808 : i32 to vector<16xi32>
        %eq3A_822 = arith.cmpi eq, %iota3A, %eq3A_821 : vector<16xi32>
        %select_n3A_823 = arith.select %eq3A_822, %gather3A_818, %cond3A_798#0 : vector<16xi1>, vector<16xi32>
        %eq3A_824 = vector.broadcast %and3A_808 : i32 to vector<16xi32>
        %eq3A_825 = arith.cmpi eq, %iota3A, %eq3A_824 : vector<16xi32>
        %jit3A_826 = arith.constant 2139095040 : i32
        %broadcast_in_dim3A_827 = vector.broadcast %jit3A_826 : i32 to vector<16xi32>
        %select_n3A_828 = arith.select %eq3A_825, %broadcast_in_dim3A_827, %cond3A_798#1 : vector<16xi1>, vector<16xi32>
        %eq3A_829 = arith.constant 2139095040 : i32
        %eq3A_830 = arith.cmpi eq, %squeeze3A_820, %eq3A_829 : i32
        %convert_element_type3A_831 = arith.extui %eq3A_830 : i1 to i32
        %cond3A_832 = arith.constant 0 : i32
        %cond3A_833 = arith.cmpi ne, %convert_element_type3A_831, %cond3A_832 : i32
        %cond3A_834:2 = scf.if %cond3A_833 -> (vector<16xi32>, vector<16xi32>) {
          %add3A_877 = arith.constant 0 : i32
          %add3A_878 = arith.addi %and3A_808, %add3A_877 : i32
          %add3A_879 = vector.broadcast %add3A_878 : i32 to vector<16xi32>
          %add3A_880 = arith.addi %mul3A_3, %add3A_879 : vector<16xi32>
          %gather3A_881 = tpu.vector_load_idx %arg13[%add3A_880] : memref<1792xi32, #tpu.memory_space<vmem>>[vector<16xi32>], vector<16xi32>,
          %gt3A = vector.broadcast %squeeze3A_804 : i32 to vector<16xi32>
          %gt3A_882 = arith.cmpi sgt, %gather3A_881, %gt3A : vector<16xi32>
          %jit3A_883 = arith.constant 2139095040 : i32
          %broadcast_in_dim3A_884 = vector.broadcast %jit3A_883 : i32 to vector<16xi32>
          %select_n3A_885 = arith.select %gt3A_882, %gather3A_881, %broadcast_in_dim3A_884 : vector<16xi1>, vector<16xi32>
          %min3A = arith.minsi %broadcast_in_dim3A_4, %select_n3A_885 : vector<16xi32>
          %max3A = arith.maxsi %broadcast_in_dim3A_4, %select_n3A_885 : vector<16xi32>
          %min3A_886 = arith.minsi %broadcast_in_dim3A_4, %max3A : vector<16xi32>
          %add3A_887 = arith.constant 256 : i32
          %add3A_888 = arith.addi %and3A_808, %add3A_887 : i32
          %add3A_889 = vector.broadcast %add3A_888 : i32 to vector<16xi32>
          %add3A_890 = arith.addi %mul3A_3, %add3A_889 : vector<16xi32>
          %gather3A_891 = tpu.vector_load_idx %arg13[%add3A_890] : memref<1792xi32, #tpu.memory_space<vmem>>[vector<16xi32>], vector<16xi32>,
          %gt3A_892 = vector.broadcast %squeeze3A_804 : i32 to vector<16xi32>
          %gt3A_893 = arith.cmpi sgt, %gather3A_891, %gt3A_892 : vector<16xi32>
          %jit3A_894 = arith.constant 2139095040 : i32
          %broadcast_in_dim3A_895 = vector.broadcast %jit3A_894 : i32 to vector<16xi32>
          %select_n3A_896 = arith.select %gt3A_893, %gather3A_891, %broadcast_in_dim3A_895 : vector<16xi1>, vector<16xi32>
          %min3A_897 = arith.minsi %min3A, %select_n3A_896 : vector<16xi32>
          %max3A_898 = arith.maxsi %min3A, %select_n3A_896 : vector<16xi32>
          %min3A_899 = arith.minsi %min3A_886, %max3A_898 : vector<16xi32>
          %add3A_900 = arith.constant 512 : i32
          %add3A_901 = arith.addi %and3A_808, %add3A_900 : i32
          %add3A_902 = vector.broadcast %add3A_901 : i32 to vector<16xi32>
          %add3A_903 = arith.addi %mul3A_3, %add3A_902 : vector<16xi32>
          %gather3A_904 = tpu.vector_load_idx %arg13[%add3A_903] : memref<1792xi32, #tpu.memory_space<vmem>>[vector<16xi32>], vector<16xi32>,
          %gt3A_905 = vector.broadcast %squeeze3A_804 : i32 to vector<16xi32>
          %gt3A_906 = arith.cmpi sgt, %gather3A_904, %gt3A_905 : vector<16xi32>
          %jit3A_907 = arith.constant 2139095040 : i32
          %broadcast_in_dim3A_908 = vector.broadcast %jit3A_907 : i32 to vector<16xi32>
          %select_n3A_909 = arith.select %gt3A_906, %gather3A_904, %broadcast_in_dim3A_908 : vector<16xi1>, vector<16xi32>
          %min3A_910 = arith.minsi %min3A_897, %select_n3A_909 : vector<16xi32>
          %max3A_911 = arith.maxsi %min3A_897, %select_n3A_909 : vector<16xi32>
          %min3A_912 = arith.minsi %min3A_899, %max3A_911 : vector<16xi32>
          %add3A_913 = arith.constant 768 : i32
          %add3A_914 = arith.addi %and3A_808, %add3A_913 : i32
          %add3A_915 = vector.broadcast %add3A_914 : i32 to vector<16xi32>
          %add3A_916 = arith.addi %mul3A_3, %add3A_915 : vector<16xi32>
          %gather3A_917 = tpu.vector_load_idx %arg13[%add3A_916] : memref<1792xi32, #tpu.memory_space<vmem>>[vector<16xi32>], vector<16xi32>,
          %gt3A_918 = vector.broadcast %squeeze3A_804 : i32 to vector<16xi32>
          %gt3A_919 = arith.cmpi sgt, %gather3A_917, %gt3A_918 : vector<16xi32>
          %jit3A_920 = arith.constant 2139095040 : i32
          %broadcast_in_dim3A_921 = vector.broadcast %jit3A_920 : i32 to vector<16xi32>
          %select_n3A_922 = arith.select %gt3A_919, %gather3A_917, %broadcast_in_dim3A_921 : vector<16xi1>, vector<16xi32>
          %min3A_923 = arith.minsi %min3A_910, %select_n3A_922 : vector<16xi32>
          %max3A_924 = arith.maxsi %min3A_910, %select_n3A_922 : vector<16xi32>
          %min3A_925 = arith.minsi %min3A_912, %max3A_924 : vector<16xi32>
          %add3A_926 = arith.constant 1024 : i32
          %add3A_927 = arith.addi %and3A_808, %add3A_926 : i32
          %add3A_928 = vector.broadcast %add3A_927 : i32 to vector<16xi32>
          %add3A_929 = arith.addi %mul3A_3, %add3A_928 : vector<16xi32>
          %gather3A_930 = tpu.vector_load_idx %arg13[%add3A_929] : memref<1792xi32, #tpu.memory_space<vmem>>[vector<16xi32>], vector<16xi32>,
          %gt3A_931 = vector.broadcast %squeeze3A_804 : i32 to vector<16xi32>
          %gt3A_932 = arith.cmpi sgt, %gather3A_930, %gt3A_931 : vector<16xi32>
          %jit3A_933 = arith.constant 2139095040 : i32
          %broadcast_in_dim3A_934 = vector.broadcast %jit3A_933 : i32 to vector<16xi32>
          %select_n3A_935 = arith.select %gt3A_932, %gather3A_930, %broadcast_in_dim3A_934 : vector<16xi1>, vector<16xi32>
          %min3A_936 = arith.minsi %min3A_923, %select_n3A_935 : vector<16xi32>
          %max3A_937 = arith.maxsi %min3A_923, %select_n3A_935 : vector<16xi32>
          %min3A_938 = arith.minsi %min3A_925, %max3A_937 : vector<16xi32>
          %add3A_939 = arith.constant 1280 : i32
          %add3A_940 = arith.addi %and3A_808, %add3A_939 : i32
          %add3A_941 = vector.broadcast %add3A_940 : i32 to vector<16xi32>
          %add3A_942 = arith.addi %mul3A_3, %add3A_941 : vector<16xi32>
          %gather3A_943 = tpu.vector_load_idx %arg13[%add3A_942] : memref<1792xi32, #tpu.memory_space<vmem>>[vector<16xi32>], vector<16xi32>,
          %gt3A_944 = vector.broadcast %squeeze3A_804 : i32 to vector<16xi32>
          %gt3A_945 = arith.cmpi sgt, %gather3A_943, %gt3A_944 : vector<16xi32>
          %jit3A_946 = arith.constant 2139095040 : i32
          %broadcast_in_dim3A_947 = vector.broadcast %jit3A_946 : i32 to vector<16xi32>
          %select_n3A_948 = arith.select %gt3A_945, %gather3A_943, %broadcast_in_dim3A_947 : vector<16xi1>, vector<16xi32>
          %min3A_949 = arith.minsi %min3A_936, %select_n3A_948 : vector<16xi32>
          %max3A_950 = arith.maxsi %min3A_936, %select_n3A_948 : vector<16xi32>
          %min3A_951 = arith.minsi %min3A_938, %max3A_950 : vector<16xi32>
          %add3A_952 = arith.constant 1536 : i32
          %add3A_953 = arith.addi %and3A_808, %add3A_952 : i32
          %add3A_954 = vector.broadcast %add3A_953 : i32 to vector<16xi32>
          %add3A_955 = arith.addi %mul3A_3, %add3A_954 : vector<16xi32>
          %gather3A_956 = tpu.vector_load_idx %arg13[%add3A_955] : memref<1792xi32, #tpu.memory_space<vmem>>[vector<16xi32>], vector<16xi32>,
          %gt3A_957 = vector.broadcast %squeeze3A_804 : i32 to vector<16xi32>
          %gt3A_958 = arith.cmpi sgt, %gather3A_956, %gt3A_957 : vector<16xi32>
          %jit3A_959 = arith.constant 2139095040 : i32
          %broadcast_in_dim3A_960 = vector.broadcast %jit3A_959 : i32 to vector<16xi32>
          %select_n3A_961 = arith.select %gt3A_958, %gather3A_956, %broadcast_in_dim3A_960 : vector<16xi1>, vector<16xi32>
          %min3A_962 = arith.minsi %min3A_949, %select_n3A_961 : vector<16xi32>
          %max3A_963 = arith.maxsi %min3A_949, %select_n3A_961 : vector<16xi32>
          %min3A_964 = arith.minsi %min3A_951, %max3A_963 : vector<16xi32>
          %sort3A_965 = arith.constant dense<true> : vector<16xi1>
          %sort3A_966, %sort3A_967, %sort3A_968 = tpu.sort %min3A_962, %min3A_962 masked %sort3A_965 : (vector<16xi32>, vector<16xi32>, vector<16xi1>) -> (vector<16xi1>, vector<16xi32>, vector<16xi32>)
          %slice3A_969 = vector.extract_strided_slice %sort3A_967 {offsets = [0], sizes = [1], strides = [1]} : vector<16xi32> to vector<1xi32>
          %squeeze3A_970 = vector.extract %slice3A_969[0] : i32 from vector<1xi32>
          %eq3A_971 = vector.broadcast %squeeze3A_970 : i32 to vector<16xi32>
          %eq3A_972 = arith.cmpi eq, %min3A_962, %eq3A_971 : vector<16xi32>
          %select_n3A_973 = arith.select %eq3A_972, %min3A_964, %min3A_962 : vector<16xi1>, vector<16xi32>
          %sort3A_974 = arith.constant dense<true> : vector<16xi1>
          %sort3A_975, %sort3A_976, %sort3A_977 = tpu.sort %select_n3A_973, %select_n3A_973 masked %sort3A_974 : (vector<16xi32>, vector<16xi32>, vector<16xi1>) -> (vector<16xi1>, vector<16xi32>, vector<16xi32>)
          %slice3A_978 = vector.extract_strided_slice %sort3A_976 {offsets = [0], sizes = [1], strides = [1]} : vector<16xi32> to vector<1xi32>
          %squeeze3A_979 = vector.extract %slice3A_978[0] : i32 from vector<1xi32>
          %eq3A_980 = vector.broadcast %and3A_808 : i32 to vector<16xi32>
          %eq3A_981 = arith.cmpi eq, %iota3A, %eq3A_980 : vector<16xi32>
          %broadcast_in_dim3A_982 = vector.broadcast %squeeze3A_970 : i32 to vector<16xi32>
          %select_n3A_983 = arith.select %eq3A_981, %broadcast_in_dim3A_982, %select_n3A_823 : vector<16xi1>, vector<16xi32>
          %eq3A_984 = vector.broadcast %and3A_808 : i32 to vector<16xi32>
          %eq3A_985 = arith.cmpi eq, %iota3A, %eq3A_984 : vector<16xi32>
          %broadcast_in_dim3A_986 = vector.broadcast %squeeze3A_979 : i32 to vector<16xi32>
          %select_n3A_987 = arith.select %eq3A_985, %broadcast_in_dim3A_986, %select_n3A_828 : vector<16xi1>, vector<16xi32>
          scf.yield %select_n3A_983, %select_n3A_987 : vector<16xi32>, vector<16xi32>
        } else {
          scf.yield %select_n3A_823, %select_n3A_828 : vector<16xi32>, vector<16xi32>
        }
        %sort3A_835 = arith.constant dense<true> : vector<16xi1>
        %sort3A_836, %sort3A_837, %sort3A_838 = tpu.sort %cond3A_834#0, %cond3A_834#0 masked %sort3A_835 : (vector<16xi32>, vector<16xi32>, vector<16xi1>) -> (vector<16xi1>, vector<16xi32>, vector<16xi32>)
        %slice3A_839 = vector.extract_strided_slice %sort3A_837 {offsets = [0], sizes = [1], strides = [1]} : vector<16xi32> to vector<1xi32>
        %squeeze3A_840 = vector.extract %slice3A_839[0] : i32 from vector<1xi32>
        %and3A_841 = arith.constant 2047 : i32
        %and3A_842 = arith.andi %squeeze3A_840, %and3A_841 : i32
        %and3A_843 = arith.constant 15 : i32
        %and3A_844 = arith.andi %squeeze3A_840, %and3A_843 : i32
        %add3A_845 = arith.constant 7 : i32
        %add3A_846 = arith.addi %mul3A_584, %add3A_845 : i32
        %eq3A_847 = vector.broadcast %add3A_846 : i32 to vector<16xi32>
        %eq3A_848 = arith.cmpi eq, %iota3A, %eq3A_847 : vector<16xi32>
        %broadcast_in_dim3A_849 = vector.broadcast %and3A_842 : i32 to vector<16xi32>
        %select_n3A_850 = arith.select %eq3A_848, %broadcast_in_dim3A_849, %select_n3A_814 : vector<16xi1>, vector<16xi32>
        %broadcast_in_dim3A_851 = vector.broadcast %and3A_844 : i32 to vector<16xi32>
        %broadcast_in_dim3A_852 = vector.shape_cast %broadcast_in_dim3A_851 : vector<16xi32> to vector<16x1xi32>
        %gather3A_853 = vector.shape_cast %broadcast_in_dim3A_852 : vector<16x1xi32> to vector<16xi32>
        %gather3A_854 = tpu.dynamic_gather %cond3A_834#1[%gather3A_853] in [0] : vector<16xi32>, vector<16xi32> -> vector<16xi32>
        %slice3A_855 = vector.extract_strided_slice %gather3A_854 {offsets = [0], sizes = [1], strides = [1]} : vector<16xi32> to vector<1xi32>
        %squeeze3A_856 = vector.extract %slice3A_855[0] : i32 from vector<1xi32>
        %eq3A_857 = vector.broadcast %and3A_844 : i32 to vector<16xi32>
        %eq3A_858 = arith.cmpi eq, %iota3A, %eq3A_857 : vector<16xi32>
        %select_n3A_859 = arith.select %eq3A_858, %gather3A_854, %cond3A_834#0 : vector<16xi1>, vector<16xi32>
        %eq3A_860 = vector.broadcast %and3A_844 : i32 to vector<16xi32>
        %eq3A_861 = arith.cmpi eq, %iota3A, %eq3A_860 : vector<16xi32>
        %jit3A_862 = arith.constant 2139095040 : i32
        %broadcast_in_dim3A_863 = vector.broadcast %jit3A_862 : i32 to vector<16xi32>
        %select_n3A_864 = arith.select %eq3A_861, %broadcast_in_dim3A_863, %cond3A_834#1 : vector<16xi1>, vector<16xi32>
        %eq3A_865 = arith.constant 2139095040 : i32
        %eq3A_866 = arith.cmpi eq, %squeeze3A_856, %eq3A_865 : i32
        %convert_element_type3A_867 = arith.extui %eq3A_866 : i1 to i32
        %cond3A_868 = arith.constant 0 : i32
        %cond3A_869 = arith.cmpi ne, %convert_element_type3A_867, %cond3A_868 : i32
        %cond3A_870:2 = scf.if %cond3A_869 -> (vector<16xi32>, vector<16xi32>) {
          %add3A_877 = arith.constant 0 : i32
          %add3A_878 = arith.addi %and3A_844, %add3A_877 : i32
          %add3A_879 = vector.broadcast %add3A_878 : i32 to vector<16xi32>
          %add3A_880 = arith.addi %mul3A_3, %add3A_879 : vector<16xi32>
          %gather3A_881 = tpu.vector_load_idx %arg13[%add3A_880] : memref<1792xi32, #tpu.memory_space<vmem>>[vector<16xi32>], vector<16xi32>,
          %gt3A = vector.broadcast %squeeze3A_840 : i32 to vector<16xi32>
          %gt3A_882 = arith.cmpi sgt, %gather3A_881, %gt3A : vector<16xi32>
          %jit3A_883 = arith.constant 2139095040 : i32
          %broadcast_in_dim3A_884 = vector.broadcast %jit3A_883 : i32 to vector<16xi32>
          %select_n3A_885 = arith.select %gt3A_882, %gather3A_881, %broadcast_in_dim3A_884 : vector<16xi1>, vector<16xi32>
          %min3A = arith.minsi %broadcast_in_dim3A_4, %select_n3A_885 : vector<16xi32>
          %max3A = arith.maxsi %broadcast_in_dim3A_4, %select_n3A_885 : vector<16xi32>
          %min3A_886 = arith.minsi %broadcast_in_dim3A_4, %max3A : vector<16xi32>
          %add3A_887 = arith.constant 256 : i32
          %add3A_888 = arith.addi %and3A_844, %add3A_887 : i32
          %add3A_889 = vector.broadcast %add3A_888 : i32 to vector<16xi32>
          %add3A_890 = arith.addi %mul3A_3, %add3A_889 : vector<16xi32>
          %gather3A_891 = tpu.vector_load_idx %arg13[%add3A_890] : memref<1792xi32, #tpu.memory_space<vmem>>[vector<16xi32>], vector<16xi32>,
          %gt3A_892 = vector.broadcast %squeeze3A_840 : i32 to vector<16xi32>
          %gt3A_893 = arith.cmpi sgt, %gather3A_891, %gt3A_892 : vector<16xi32>
          %jit3A_894 = arith.constant 2139095040 : i32
          %broadcast_in_dim3A_895 = vector.broadcast %jit3A_894 : i32 to vector<16xi32>
          %select_n3A_896 = arith.select %gt3A_893, %gather3A_891, %broadcast_in_dim3A_895 : vector<16xi1>, vector<16xi32>
          %min3A_897 = arith.minsi %min3A, %select_n3A_896 : vector<16xi32>
          %max3A_898 = arith.maxsi %min3A, %select_n3A_896 : vector<16xi32>
          %min3A_899 = arith.minsi %min3A_886, %max3A_898 : vector<16xi32>
          %add3A_900 = arith.constant 512 : i32
          %add3A_901 = arith.addi %and3A_844, %add3A_900 : i32
          %add3A_902 = vector.broadcast %add3A_901 : i32 to vector<16xi32>
          %add3A_903 = arith.addi %mul3A_3, %add3A_902 : vector<16xi32>
          %gather3A_904 = tpu.vector_load_idx %arg13[%add3A_903] : memref<1792xi32, #tpu.memory_space<vmem>>[vector<16xi32>], vector<16xi32>,
          %gt3A_905 = vector.broadcast %squeeze3A_840 : i32 to vector<16xi32>
          %gt3A_906 = arith.cmpi sgt, %gather3A_904, %gt3A_905 : vector<16xi32>
          %jit3A_907 = arith.constant 2139095040 : i32
          %broadcast_in_dim3A_908 = vector.broadcast %jit3A_907 : i32 to vector<16xi32>
          %select_n3A_909 = arith.select %gt3A_906, %gather3A_904, %broadcast_in_dim3A_908 : vector<16xi1>, vector<16xi32>
          %min3A_910 = arith.minsi %min3A_897, %select_n3A_909 : vector<16xi32>
          %max3A_911 = arith.maxsi %min3A_897, %select_n3A_909 : vector<16xi32>
          %min3A_912 = arith.minsi %min3A_899, %max3A_911 : vector<16xi32>
          %add3A_913 = arith.constant 768 : i32
          %add3A_914 = arith.addi %and3A_844, %add3A_913 : i32
          %add3A_915 = vector.broadcast %add3A_914 : i32 to vector<16xi32>
          %add3A_916 = arith.addi %mul3A_3, %add3A_915 : vector<16xi32>
          %gather3A_917 = tpu.vector_load_idx %arg13[%add3A_916] : memref<1792xi32, #tpu.memory_space<vmem>>[vector<16xi32>], vector<16xi32>,
          %gt3A_918 = vector.broadcast %squeeze3A_840 : i32 to vector<16xi32>
          %gt3A_919 = arith.cmpi sgt, %gather3A_917, %gt3A_918 : vector<16xi32>
          %jit3A_920 = arith.constant 2139095040 : i32
          %broadcast_in_dim3A_921 = vector.broadcast %jit3A_920 : i32 to vector<16xi32>
          %select_n3A_922 = arith.select %gt3A_919, %gather3A_917, %broadcast_in_dim3A_921 : vector<16xi1>, vector<16xi32>
          %min3A_923 = arith.minsi %min3A_910, %select_n3A_922 : vector<16xi32>
          %max3A_924 = arith.maxsi %min3A_910, %select_n3A_922 : vector<16xi32>
          %min3A_925 = arith.minsi %min3A_912, %max3A_924 : vector<16xi32>
          %add3A_926 = arith.constant 1024 : i32
          %add3A_927 = arith.addi %and3A_844, %add3A_926 : i32
          %add3A_928 = vector.broadcast %add3A_927 : i32 to vector<16xi32>
          %add3A_929 = arith.addi %mul3A_3, %add3A_928 : vector<16xi32>
          %gather3A_930 = tpu.vector_load_idx %arg13[%add3A_929] : memref<1792xi32, #tpu.memory_space<vmem>>[vector<16xi32>], vector<16xi32>,
          %gt3A_931 = vector.broadcast %squeeze3A_840 : i32 to vector<16xi32>
          %gt3A_932 = arith.cmpi sgt, %gather3A_930, %gt3A_931 : vector<16xi32>
          %jit3A_933 = arith.constant 2139095040 : i32
          %broadcast_in_dim3A_934 = vector.broadcast %jit3A_933 : i32 to vector<16xi32>
          %select_n3A_935 = arith.select %gt3A_932, %gather3A_930, %broadcast_in_dim3A_934 : vector<16xi1>, vector<16xi32>
          %min3A_936 = arith.minsi %min3A_923, %select_n3A_935 : vector<16xi32>
          %max3A_937 = arith.maxsi %min3A_923, %select_n3A_935 : vector<16xi32>
          %min3A_938 = arith.minsi %min3A_925, %max3A_937 : vector<16xi32>
          %add3A_939 = arith.constant 1280 : i32
          %add3A_940 = arith.addi %and3A_844, %add3A_939 : i32
          %add3A_941 = vector.broadcast %add3A_940 : i32 to vector<16xi32>
          %add3A_942 = arith.addi %mul3A_3, %add3A_941 : vector<16xi32>
          %gather3A_943 = tpu.vector_load_idx %arg13[%add3A_942] : memref<1792xi32, #tpu.memory_space<vmem>>[vector<16xi32>], vector<16xi32>,
          %gt3A_944 = vector.broadcast %squeeze3A_840 : i32 to vector<16xi32>
          %gt3A_945 = arith.cmpi sgt, %gather3A_943, %gt3A_944 : vector<16xi32>
          %jit3A_946 = arith.constant 2139095040 : i32
          %broadcast_in_dim3A_947 = vector.broadcast %jit3A_946 : i32 to vector<16xi32>
          %select_n3A_948 = arith.select %gt3A_945, %gather3A_943, %broadcast_in_dim3A_947 : vector<16xi1>, vector<16xi32>
          %min3A_949 = arith.minsi %min3A_936, %select_n3A_948 : vector<16xi32>
          %max3A_950 = arith.maxsi %min3A_936, %select_n3A_948 : vector<16xi32>
          %min3A_951 = arith.minsi %min3A_938, %max3A_950 : vector<16xi32>
          %add3A_952 = arith.constant 1536 : i32
          %add3A_953 = arith.addi %and3A_844, %add3A_952 : i32
          %add3A_954 = vector.broadcast %add3A_953 : i32 to vector<16xi32>
          %add3A_955 = arith.addi %mul3A_3, %add3A_954 : vector<16xi32>
          %gather3A_956 = tpu.vector_load_idx %arg13[%add3A_955] : memref<1792xi32, #tpu.memory_space<vmem>>[vector<16xi32>], vector<16xi32>,
          %gt3A_957 = vector.broadcast %squeeze3A_840 : i32 to vector<16xi32>
          %gt3A_958 = arith.cmpi sgt, %gather3A_956, %gt3A_957 : vector<16xi32>
          %jit3A_959 = arith.constant 2139095040 : i32
          %broadcast_in_dim3A_960 = vector.broadcast %jit3A_959 : i32 to vector<16xi32>
          %select_n3A_961 = arith.select %gt3A_958, %gather3A_956, %broadcast_in_dim3A_960 : vector<16xi1>, vector<16xi32>
          %min3A_962 = arith.minsi %min3A_949, %select_n3A_961 : vector<16xi32>
          %max3A_963 = arith.maxsi %min3A_949, %select_n3A_961 : vector<16xi32>
          %min3A_964 = arith.minsi %min3A_951, %max3A_963 : vector<16xi32>
          %sort3A_965 = arith.constant dense<true> : vector<16xi1>
          %sort3A_966, %sort3A_967, %sort3A_968 = tpu.sort %min3A_962, %min3A_962 masked %sort3A_965 : (vector<16xi32>, vector<16xi32>, vector<16xi1>) -> (vector<16xi1>, vector<16xi32>, vector<16xi32>)
          %slice3A_969 = vector.extract_strided_slice %sort3A_967 {offsets = [0], sizes = [1], strides = [1]} : vector<16xi32> to vector<1xi32>
          %squeeze3A_970 = vector.extract %slice3A_969[0] : i32 from vector<1xi32>
          %eq3A_971 = vector.broadcast %squeeze3A_970 : i32 to vector<16xi32>
          %eq3A_972 = arith.cmpi eq, %min3A_962, %eq3A_971 : vector<16xi32>
          %select_n3A_973 = arith.select %eq3A_972, %min3A_964, %min3A_962 : vector<16xi1>, vector<16xi32>
          %sort3A_974 = arith.constant dense<true> : vector<16xi1>
          %sort3A_975, %sort3A_976, %sort3A_977 = tpu.sort %select_n3A_973, %select_n3A_973 masked %sort3A_974 : (vector<16xi32>, vector<16xi32>, vector<16xi1>) -> (vector<16xi1>, vector<16xi32>, vector<16xi32>)
          %slice3A_978 = vector.extract_strided_slice %sort3A_976 {offsets = [0], sizes = [1], strides = [1]} : vector<16xi32> to vector<1xi32>
          %squeeze3A_979 = vector.extract %slice3A_978[0] : i32 from vector<1xi32>
          %eq3A_980 = vector.broadcast %and3A_844 : i32 to vector<16xi32>
          %eq3A_981 = arith.cmpi eq, %iota3A, %eq3A_980 : vector<16xi32>
          %broadcast_in_dim3A_982 = vector.broadcast %squeeze3A_970 : i32 to vector<16xi32>
          %select_n3A_983 = arith.select %eq3A_981, %broadcast_in_dim3A_982, %select_n3A_859 : vector<16xi1>, vector<16xi32>
          %eq3A_984 = vector.broadcast %and3A_844 : i32 to vector<16xi32>
          %eq3A_985 = arith.cmpi eq, %iota3A, %eq3A_984 : vector<16xi32>
          %broadcast_in_dim3A_986 = vector.broadcast %squeeze3A_979 : i32 to vector<16xi32>
          %select_n3A_987 = arith.select %eq3A_985, %broadcast_in_dim3A_986, %select_n3A_864 : vector<16xi1>, vector<16xi32>
          scf.yield %select_n3A_983, %select_n3A_987 : vector<16xi32>, vector<16xi32>
        } else {
          scf.yield %select_n3A_859, %select_n3A_864 : vector<16xi32>, vector<16xi32>
        }
        %shift_right_arithmetic3A_871 = arith.constant 1 : i32
        %shift_right_arithmetic3A_872 = arith.shrsi %scan3A_529, %shift_right_arithmetic3A_871 : i32
        %mul3A_873 = arith.constant 16 : i32
        %mul3A_874 = arith.muli %shift_right_arithmetic3A_872, %mul3A_873 : i32
        %swap3A_875 = arith.index_cast %mul3A_874 : i32 to index
        %swap3A_876 = tpu.vector_load %arg14[%swap3A_875] {strides = array<i32>} : memref<512xi32, #tpu.memory_space<vmem>>, vector<16xi32>,
        tpu.vector_store %arg14[%swap3A_875], %select_n3A_850 {strides = array<i32>} : memref<512xi32, #tpu.memory_space<vmem>>, vector<16xi32>,
        scf.yield %select_n3A_850 : vector<16xi32>
      }
      %scan3A_474 = arith.constant 64 : i32
      %scan3A_475 = arith.constant 0 : i32
      %scan3A_476 = arith.constant 0 : i32
      %scan3A_477 = arith.constant 32 : i32
      %scan3A_478 = arith.addi %scan3A_476, %scan3A_477 : i32
      %scan3A_479 = arith.constant 1 : i32
      %scan3A_480 = scf.for %scan3A_529 = %scan3A_476 to %scan3A_478 step %scan3A_479 iter_args(%scan3A_530 = %scan3A_475) -> (i32)  : i32 {
        %mul3A_531 = arith.constant 16 : i32
        %mul3A_532 = arith.muli %scan3A_529, %mul3A_531 : i32
        %get3A_533 = arith.index_cast %mul3A_532 : i32 to index
        %get3A_534 = tpu.vector_load %arg14[%get3A_533] {strides = array<i32>} : memref<512xi32, #tpu.memory_space<vmem>>, vector<16xi32>,
        %and3A_535 = arith.constant 63 : i32
        %and3A_536 = vector.broadcast %and3A_535 : i32 to vector<16xi32>
        %and3A_537 = arith.andi %get3A_534, %and3A_536 : vector<16xi32>
        %mul3A_538 = arith.constant 2 : i32
        %mul3A_539 = arith.muli %mul3A_538, %scan3A_529 : i32
        %shift_right_arithmetic3A_540 = arith.constant 3 : i32
        %shift_right_arithmetic3A_541 = vector.broadcast %shift_right_arithmetic3A_540 : i32 to vector<16xi32>
        %shift_right_arithmetic3A_542 = arith.shrsi %iota3A, %shift_right_arithmetic3A_541 : vector<16xi32>
        %add3A_543 = vector.broadcast %mul3A_539 : i32 to vector<16xi32>
        %add3A_544 = arith.addi %add3A_543, %shift_right_arithmetic3A_542 : vector<16xi32>
        %add3A_545 = arith.constant 0 : i32
        %add3A_546 = vector.broadcast %add3A_545 : i32 to vector<16xi32>
        %add3A_547 = arith.addi %and3A_537, %add3A_546 : vector<16xi32>
        %gather3A_548 = tpu.vector_load_idx %arg10[%add3A_547] : memref<192xf32, #tpu.memory_space<vmem>>[vector<16xi32>], vector<16xf32>,
        %add3A_549 = arith.constant 64 : i32
        %add3A_550 = vector.broadcast %add3A_549 : i32 to vector<16xi32>
        %add3A_551 = arith.addi %and3A_537, %add3A_550 : vector<16xi32>
        %gather3A_552 = tpu.vector_load_idx %arg10[%add3A_551] : memref<192xf32, #tpu.memory_space<vmem>>[vector<16xi32>], vector<16xf32>,
        %add3A_553 = arith.constant 128 : i32
        %add3A_554 = vector.broadcast %add3A_553 : i32 to vector<16xi32>
        %add3A_555 = arith.addi %and3A_537, %add3A_554 : vector<16xi32>
        %gather3A_556 = tpu.vector_load_idx %arg10[%add3A_555] : memref<192xf32, #tpu.memory_space<vmem>>[vector<16xi32>], vector<16xf32>,
        %add3A_557 = arith.constant 0 : i32
        %add3A_558 = vector.broadcast %add3A_557 : i32 to vector<16xi32>
        %add3A_559 = arith.addi %add3A_544, %add3A_558 : vector<16xi32>
        %gather3A_560 = tpu.vector_load_idx %arg10[%add3A_559] : memref<192xf32, #tpu.memory_space<vmem>>[vector<16xi32>], vector<16xf32>,
        %add3A_561 = arith.constant 64 : i32
        %add3A_562 = vector.broadcast %add3A_561 : i32 to vector<16xi32>
        %add3A_563 = arith.addi %add3A_544, %add3A_562 : vector<16xi32>
        %gather3A_564 = tpu.vector_load_idx %arg10[%add3A_563] : memref<192xf32, #tpu.memory_space<vmem>>[vector<16xi32>], vector<16xf32>,
        %add3A_565 = arith.constant 128 : i32
        %add3A_566 = vector.broadcast %add3A_565 : i32 to vector<16xi32>
        %add3A_567 = arith.addi %add3A_544, %add3A_566 : vector<16xi32>
        %gather3A_568 = tpu.vector_load_idx %arg10[%add3A_567] : memref<192xf32, #tpu.memory_space<vmem>>[vector<16xi32>], vector<16xf32>,
        %sub3A_569 = arith.subf %gather3A_548, %gather3A_560 : vector<16xf32>
        %sub3A_570 = arith.subf %gather3A_552, %gather3A_564 : vector<16xf32>
        %sub3A_571 = arith.subf %gather3A_556, %gather3A_568 : vector<16xf32>
        %mul3A_572 = vector.broadcast %squeeze3A : f32 to vector<16xf32>
        %mul3A_573 = arith.mulf %sub3A_569, %mul3A_572 : vector<16xf32>
        %mul3A_574 = vector.broadcast %squeeze3A_32 : f32 to vector<16xf32>
        %mul3A_575 = arith.mulf %sub3A_570, %mul3A_574 : vector<16xf32>
        %add3A_576 = arith.addf %mul3A_573, %mul3A_575 : vector<16xf32>
        %mul3A_577 = vector.broadcast %squeeze3A_38 : f32 to vector<16xf32>
        %mul3A_578 = arith.mulf %sub3A_571, %mul3A_577 : vector<16xf32>
        %add3A_579 = arith.addf %add3A_576, %mul3A_578 : vector<16xf32>
        %mul3A_580 = arith.constant 16 : i32
        %mul3A_581 = arith.muli %scan3A_529, %mul3A_580 : i32
        %add3A_582 = arith.constant 0 : i32
        %add3A_583 = arith.addi %add3A_582, %mul3A_581 : i32
        %swap3A_584 = arith.index_cast %add3A_583 : i32 to index
        %swap3A_585 = tpu.vector_load %arg15[%swap3A_584] {strides = array<i32>} : memref<1536xf32, #tpu.memory_space<vmem>>, vector<16xf32>,
        tpu.vector_store %arg15[%swap3A_584], %add3A_579 {strides = array<i32>} : memref<1536xf32, #tpu.memory_space<vmem>>, vector<16xf32>,
        %mul3A_586 = vector.broadcast %squeeze3A_28 : f32 to vector<16xf32>
        %mul3A_587 = arith.mulf %sub3A_569, %mul3A_586 : vector<16xf32>
        %mul3A_588 = vector.broadcast %squeeze3A_34 : f32 to vector<16xf32>
        %mul3A_589 = arith.mulf %sub3A_570, %mul3A_588 : vector<16xf32>
        %add3A_590 = arith.addf %mul3A_587, %mul3A_589 : vector<16xf32>
        %mul3A_591 = vector.broadcast %squeeze3A_40 : f32 to vector<16xf32>
        %mul3A_592 = arith.mulf %sub3A_571, %mul3A_591 : vector<16xf32>
        %add3A_593 = arith.addf %add3A_590, %mul3A_592 : vector<16xf32>
        %mul3A_594 = arith.constant 16 : i32
        %mul3A_595 = arith.muli %scan3A_529, %mul3A_594 : i32
        %add3A_596 = arith.constant 512 : i32
        %add3A_597 = arith.addi %add3A_596, %mul3A_595 : i32
        %swap3A_598 = arith.index_cast %add3A_597 : i32 to index
        %swap3A_599 = tpu.vector_load %arg15[%swap3A_598] {strides = array<i32>} : memref<1536xf32, #tpu.memory_space<vmem>>, vector<16xf32>,
        tpu.vector_store %arg15[%swap3A_598], %add3A_593 {strides = array<i32>} : memref<1536xf32, #tpu.memory_space<vmem>>, vector<16xf32>,
        %mul3A_600 = vector.broadcast %squeeze3A_30 : f32 to vector<16xf32>
        %mul3A_601 = arith.mulf %sub3A_569, %mul3A_600 : vector<16xf32>
        %mul3A_602 = vector.broadcast %squeeze3A_36 : f32 to vector<16xf32>
        %mul3A_603 = arith.mulf %sub3A_570, %mul3A_602 : vector<16xf32>
        %add3A_604 = arith.addf %mul3A_601, %mul3A_603 : vector<16xf32>
        %mul3A_605 = vector.broadcast %squeeze3A_42 : f32 to vector<16xf32>
        %mul3A_606 = arith.mulf %sub3A_571, %mul3A_605 : vector<16xf32>
        %add3A_607 = arith.addf %add3A_604, %mul3A_606 : vector<16xf32>
        %mul3A_608 = arith.constant 16 : i32
        %mul3A_609 = arith.muli %scan3A_529, %mul3A_608 : i32
        %add3A_610 = arith.constant 1024 : i32
        %add3A_611 = arith.addi %add3A_610, %mul3A_609 : i32
        %swap3A_612 = arith.index_cast %add3A_611 : i32 to index
        %swap3A_613 = tpu.vector_load %arg15[%swap3A_612] {strides = array<i32>} : memref<1536xf32, #tpu.memory_space<vmem>>, vector<16xf32>,
        tpu.vector_store %arg15[%swap3A_612], %add3A_607 {strides = array<i32>} : memref<1536xf32, #tpu.memory_space<vmem>>, vector<16xf32>,
        %broadcast_in_dim3A_614 = arith.constant 1.000000e+30 : f32
        %broadcast_in_dim3A_615 = vector.broadcast %broadcast_in_dim3A_614 : f32 to vector<16xf32>
        %mul3A_616 = arith.constant 16 : i32
        %mul3A_617 = arith.muli %scan3A_529, %mul3A_616 : i32
        %swap3A_618 = arith.index_cast %mul3A_617 : i32 to index
        %swap3A_619 = tpu.vector_load %arg16[%swap3A_618] {strides = array<i32>} : memref<512xf32, #tpu.memory_space<vmem>>, vector<16xf32>,
        tpu.vector_store %arg16[%swap3A_618], %broadcast_in_dim3A_615 {strides = array<i32>} : memref<512xf32, #tpu.memory_space<vmem>>, vector<16xf32>,
        %scan3A_620 = arith.constant 0 : i32
        scf.yield %scan3A_620 : i32
      }
      %scan3A_481 = arith.constant 32 : i32
      %scan3A_482 = arith.constant 0 : i32
      %scan3A_483 = arith.constant 0 : i32
      %scan3A_484 = arith.constant 27 : i32
      %scan3A_485 = arith.addi %scan3A_483, %scan3A_484 : i32
      %scan3A_486 = arith.constant 1 : i32
      %scan3A_487 = scf.for %scan3A_529 = %scan3A_483 to %scan3A_485 step %scan3A_486 iter_args(%scan3A_530 = %scan3A_482) -> (i32)  : i32 {
        %add3A_531 = arith.constant 0 : i32
        %add3A_532 = arith.addi %add3A_531, %scan3A_529 : i32
        %get3A_533 = arith.index_cast %add3A_532 : i32 to index
        %get3A_534 = tpu.vector_load %arg11[%get3A_533] {strides = array<i32>} : memref<128xf32, #tpu.memory_space<vmem>>, vector<16xf32>,
        %slice3A_535 = vector.extract_strided_slice %get3A_534 {offsets = [0], sizes = [1], strides = [1]} : vector<16xf32> to vector<1xf32>
        %squeeze3A_536 = vector.extract %slice3A_535[0] : f32 from vector<1xf32>
        %add3A_537 = arith.constant 32 : i32
        %add3A_538 = arith.addi %add3A_537, %scan3A_529 : i32
        %get3A_539 = arith.index_cast %add3A_538 : i32 to index
        %get3A_540 = tpu.vector_load %arg11[%get3A_539] {strides = array<i32>} : memref<128xf32, #tpu.memory_space<vmem>>, vector<16xf32>,
        %slice3A_541 = vector.extract_strided_slice %get3A_540 {offsets = [0], sizes = [1], strides = [1]} : vector<16xf32> to vector<1xf32>
        %squeeze3A_542 = vector.extract %slice3A_541[0] : f32 from vector<1xf32>
        %add3A_543 = arith.constant 64 : i32
        %add3A_544 = arith.addi %add3A_543, %scan3A_529 : i32
        %get3A_545 = arith.index_cast %add3A_544 : i32 to index
        %get3A_546 = tpu.vector_load %arg11[%get3A_545] {strides = array<i32>} : memref<128xf32, #tpu.memory_space<vmem>>, vector<16xf32>,
        %slice3A_547 = vector.extract_strided_slice %get3A_546 {offsets = [0], sizes = [1], strides = [1]} : vector<16xf32> to vector<1xf32>
        %squeeze3A_548 = vector.extract %slice3A_547[0] : f32 from vector<1xf32>
        %scan3A_549 = arith.constant 0 : i32
        %scan3A_550 = arith.constant 0 : i32
        %scan3A_551 = arith.constant 32 : i32
        %scan3A_552 = arith.addi %scan3A_550, %scan3A_551 : i32
        %scan3A_553 = arith.constant 1 : i32
        %scan3A_554 = scf.for %scan3A_557 = %scan3A_550 to %scan3A_552 step %scan3A_553 iter_args(%scan3A_558 = %scan3A_549) -> (i32)  : i32 {
          %mul3A_559 = arith.constant 16 : i32
          %mul3A_560 = arith.muli %scan3A_557, %mul3A_559 : i32
          %mul3A_561 = arith.constant 16 : i32
          %mul3A_562 = arith.muli %scan3A_557, %mul3A_561 : i32
          %add3A_563 = arith.constant 0 : i32
          %add3A_564 = arith.addi %add3A_563, %mul3A_562 : i32
          %get3A_565 = arith.index_cast %add3A_564 : i32 to index
          %get3A_566 = tpu.vector_load %arg15[%get3A_565] {strides = array<i32>} : memref<1536xf32, #tpu.memory_space<vmem>>, vector<16xf32>,
          %add3A_567 = vector.broadcast %squeeze3A_536 : f32 to vector<16xf32>
          %add3A_568 = arith.addf %get3A_566, %add3A_567 : vector<16xf32>
          %mul3A_569 = arith.constant 16 : i32
          %mul3A_570 = arith.muli %scan3A_557, %mul3A_569 : i32
          %add3A_571 = arith.constant 512 : i32
          %add3A_572 = arith.addi %add3A_571, %mul3A_570 : i32
          %get3A_573 = arith.index_cast %add3A_572 : i32 to index
          %get3A_574 = tpu.vector_load %arg15[%get3A_573] {strides = array<i32>} : memref<1536xf32, #tpu.memory_space<vmem>>, vector<16xf32>,
          %add3A_575 = vector.broadcast %squeeze3A_542 : f32 to vector<16xf32>
          %add3A_576 = arith.addf %get3A_574, %add3A_575 : vector<16xf32>
          %mul3A_577 = arith.constant 16 : i32
          %mul3A_578 = arith.muli %scan3A_557, %mul3A_577 : i32
          %add3A_579 = arith.constant 1024 : i32
          %add3A_580 = arith.addi %add3A_579, %mul3A_578 : i32
          %get3A_581 = arith.index_cast %add3A_580 : i32 to index
          %get3A_582 = tpu.vector_load %arg15[%get3A_581] {strides = array<i32>} : memref<1536xf32, #tpu.memory_space<vmem>>, vector<16xf32>,
          %add3A_583 = vector.broadcast %squeeze3A_548 : f32 to vector<16xf32>
          %add3A_584 = arith.addf %get3A_582, %add3A_583 : vector<16xf32>
          %mul3A_585 = arith.mulf %add3A_568, %add3A_568 : vector<16xf32>
          %mul3A_586 = arith.mulf %add3A_576, %add3A_576 : vector<16xf32>
          %add3A_587 = arith.addf %mul3A_585, %mul3A_586 : vector<16xf32>
          %mul3A_588 = arith.mulf %add3A_584, %add3A_584 : vector<16xf32>
          %add3A_589 = arith.addf %add3A_587, %mul3A_588 : vector<16xf32>
          %get3A_590 = arith.index_cast %mul3A_560 : i32 to index
          %get3A_591 = tpu.vector_load %arg16[%get3A_590] {strides = array<i32>} : memref<512xf32, #tpu.memory_space<vmem>>, vector<16xf32>,
          %min3A = arith.minimumf %get3A_591, %add3A_589 : vector<16xf32>
          %swap3A_592 = arith.index_cast %mul3A_560 : i32 to index
          %swap3A_593 = tpu.vector_load %arg16[%swap3A_592] {strides = array<i32>} : memref<512xf32, #tpu.memory_space<vmem>>, vector<16xf32>,
          tpu.vector_store %arg16[%swap3A_592], %min3A {strides = array<i32>} : memref<512xf32, #tpu.memory_space<vmem>>, vector<16xf32>,
          %scan3A_594 = arith.constant 0 : i32
          scf.yield %scan3A_594 : i32
        }
        %scan3A_555 = arith.constant 32 : i32
        %scan3A_556 = arith.constant 0 : i32
        scf.yield %scan3A_556 : i32
      }
      %scan3A_488 = arith.constant 27 : i32
      %broadcast_in_dim3A_489 = arith.constant 0.000000e+00 : f32
      %broadcast_in_dim3A_490 = vector.broadcast %broadcast_in_dim3A_489 : f32 to vector<16xf32>
      %scan3A_491 = arith.constant 0 : i32
      %scan3A_492 = arith.constant 32 : i32
      %scan3A_493 = arith.addi %scan3A_491, %scan3A_492 : i32
      %scan3A_494 = arith.constant 1 : i32
      %scan3A_495 = scf.for %scan3A_529 = %scan3A_491 to %scan3A_493 step %scan3A_494 iter_args(%scan3A_530 = %broadcast_in_dim3A_490) -> (vector<16xf32>)  : i32 {
        %mul3A_531 = arith.constant 16 : i32
        %mul3A_532 = arith.muli %scan3A_529, %mul3A_531 : i32
        %get3A_533 = arith.index_cast %mul3A_532 : i32 to index
        %get3A_534 = tpu.vector_load %arg16[%get3A_533] {strides = array<i32>} : memref<512xf32, #tpu.memory_space<vmem>>, vector<16xf32>,
        %add3A_535 = arith.constant 9.99999996E-13 : f32
        %add3A_536 = vector.broadcast %add3A_535 : f32 to vector<16xf32>
        %add3A_537 = arith.addf %get3A_534, %add3A_536 : vector<16xf32>
        %bitcast_convert_type3A = tpu.bitcast %add3A_537 : vector<16xf32> -> vector<16xi32>
        %shift_right_arithmetic3A_538 = arith.constant 1 : i32
        %shift_right_arithmetic3A_539 = vector.broadcast %shift_right_arithmetic3A_538 : i32 to vector<16xi32>
        %shift_right_arithmetic3A_540 = arith.shrsi %bitcast_convert_type3A, %shift_right_arithmetic3A_539 : vector<16xi32>
        %sub3A_541 = arith.constant 1597463007 : i32
        %sub3A_542 = vector.broadcast %sub3A_541 : i32 to vector<16xi32>
        %sub3A_543 = arith.subi %sub3A_542, %shift_right_arithmetic3A_540 : vector<16xi32>
        %bitcast_convert_type3A_544 = tpu.bitcast %sub3A_543 : vector<16xi32> -> vector<16xf32>
        %mul3A_545 = arith.constant 5.000000e-01 : f32
        %mul3A_546 = vector.broadcast %mul3A_545 : f32 to vector<16xf32>
        %mul3A_547 = arith.mulf %mul3A_546, %add3A_537 : vector<16xf32>
        %mul3A_548 = arith.mulf %mul3A_547, %bitcast_convert_type3A_544 : vector<16xf32>
        %mul3A_549 = arith.mulf %mul3A_548, %bitcast_convert_type3A_544 : vector<16xf32>
        %sub3A_550 = arith.constant 1.500000e+00 : f32
        %sub3A_551 = vector.broadcast %sub3A_550 : f32 to vector<16xf32>
        %sub3A_552 = arith.subf %sub3A_551, %mul3A_549 : vector<16xf32>
        %mul3A_553 = arith.mulf %bitcast_convert_type3A_544, %sub3A_552 : vector<16xf32>
        %mul3A_554 = arith.mulf %mul3A_547, %mul3A_553 : vector<16xf32>
        %mul3A_555 = arith.mulf %mul3A_554, %mul3A_553 : vector<16xf32>
        %sub3A_556 = arith.constant 1.500000e+00 : f32
        %sub3A_557 = vector.broadcast %sub3A_556 : f32 to vector<16xf32>
        %sub3A_558 = arith.subf %sub3A_557, %mul3A_555 : vector<16xf32>
        %mul3A_559 = arith.mulf %mul3A_553, %sub3A_558 : vector<16xf32>
        %mul3A_560 = arith.mulf %mul3A_547, %mul3A_559 : vector<16xf32>
        %mul3A_561 = arith.mulf %mul3A_560, %mul3A_559 : vector<16xf32>
        %sub3A_562 = arith.constant 1.500000e+00 : f32
        %sub3A_563 = vector.broadcast %sub3A_562 : f32 to vector<16xf32>
        %sub3A_564 = arith.subf %sub3A_563, %mul3A_561 : vector<16xf32>
        %mul3A_565 = arith.mulf %mul3A_559, %sub3A_564 : vector<16xf32>
        %mul3A_566 = arith.mulf %add3A_537, %mul3A_565 : vector<16xf32>
        %add3A_567 = arith.addf %scan3A_530, %mul3A_566 : vector<16xf32>
        scf.yield %add3A_567 : vector<16xf32>
      }
      %scan3A_496 = arith.constant 32 : i32
      %xor3A = arith.constant 8 : i32
      %xor3A_497 = vector.broadcast %xor3A : i32 to vector<16xi32>
      %xor3A_498 = arith.xori %iota3A, %xor3A_497 : vector<16xi32>
      %broadcast_in_dim3A_499 = vector.shape_cast %xor3A_498 : vector<16xi32> to vector<16x1xi32>
      %gather3A = vector.shape_cast %broadcast_in_dim3A_499 : vector<16x1xi32> to vector<16xi32>
      %gather3A_500 = tpu.dynamic_gather %scan3A_495[%gather3A] in [0] : vector<16xf32>, vector<16xi32> -> vector<16xf32>
      %add3A_501 = arith.addf %scan3A_495, %gather3A_500 : vector<16xf32>
      %xor3A_502 = arith.constant 4 : i32
      %xor3A_503 = vector.broadcast %xor3A_502 : i32 to vector<16xi32>
      %xor3A_504 = arith.xori %iota3A, %xor3A_503 : vector<16xi32>
      %broadcast_in_dim3A_505 = vector.shape_cast %xor3A_504 : vector<16xi32> to vector<16x1xi32>
      %gather3A_506 = vector.shape_cast %broadcast_in_dim3A_505 : vector<16x1xi32> to vector<16xi32>
      %gather3A_507 = tpu.dynamic_gather %add3A_501[%gather3A_506] in [0] : vector<16xf32>, vector<16xi32> -> vector<16xf32>
      %add3A_508 = arith.addf %add3A_501, %gather3A_507 : vector<16xf32>
      %xor3A_509 = arith.constant 2 : i32
      %xor3A_510 = vector.broadcast %xor3A_509 : i32 to vector<16xi32>
      %xor3A_511 = arith.xori %iota3A, %xor3A_510 : vector<16xi32>
      %broadcast_in_dim3A_512 = vector.shape_cast %xor3A_511 : vector<16xi32> to vector<16x1xi32>
      %gather3A_513 = vector.shape_cast %broadcast_in_dim3A_512 : vector<16x1xi32> to vector<16xi32>
      %gather3A_514 = tpu.dynamic_gather %add3A_508[%gather3A_513] in [0] : vector<16xf32>, vector<16xi32> -> vector<16xf32>
      %add3A_515 = arith.addf %add3A_508, %gather3A_514 : vector<16xf32>
      %xor3A_516 = arith.constant 1 : i32
      %xor3A_517 = vector.broadcast %xor3A_516 : i32 to vector<16xi32>
      %xor3A_518 = arith.xori %iota3A, %xor3A_517 : vector<16xi32>
      %broadcast_in_dim3A_519 = vector.shape_cast %xor3A_518 : vector<16xi32> to vector<16x1xi32>
      %gather3A_520 = vector.shape_cast %broadcast_in_dim3A_519 : vector<16x1xi32> to vector<16xi32>
      %gather3A_521 = tpu.dynamic_gather %add3A_515[%gather3A_520] in [0] : vector<16xf32>, vector<16xi32> -> vector<16xf32>
      %add3A_522 = arith.addf %add3A_515, %gather3A_521 : vector<16xf32>
      %mul3A_523 = arith.constant 0.001953125 : f32
      %mul3A_524 = vector.broadcast %mul3A_523 : f32 to vector<16xf32>
      %mul3A_525 = arith.mulf %add3A_522, %mul3A_524 : vector<16xf32>
      %eq3A_526 = vector.broadcast %scan3A_21 : i32 to vector<16xi32>
      %eq3A_527 = arith.cmpi eq, %iota3A, %eq3A_526 : vector<16xi32>
      %select_n3A_528 = arith.select %eq3A_527, %mul3A_525, %scan3A_22 : vector<16xi1>, vector<16xf32>
      scf.yield %select_n3A_528 : vector<16xf32>
    }
    %scan3A_18 = arith.constant 4 : i32
    %swap3A_19 = arith.constant 0 : index
    %swap3A_20 = tpu.vector_load %arg17[%swap3A_19] {strides = array<i32>} : memref<16xf32, #tpu.memory_space<vmem>>, vector<16xf32>,
    tpu.vector_store %arg17[%swap3A_19], %scan3A_17 {strides = array<i32>} : memref<16xf32, #tpu.memory_space<vmem>>, vector<16xf32>,
    "tpu.region"() ({
      %run_scoped3A = tpu.sem_alloc : memref<!tpu.dma_semaphore, #tpu.memory_space<semaphore_mem>>
      %dma_start3A = arith.constant 0 : i32
      %dma_start3A_21 = tpu.memref_slice %arg5[%add3A, %dma_start3A] : memref<32x16xf32, #tpu.memory_space<hbm>> -> memref<1x16xf32, #tpu.memory_space<hbm>>
      %dma_start3A_22 = tpu.memref_squeeze %dma_start3A_21 : memref<1x16xf32, #tpu.memory_space<hbm>> -> memref<16xf32, #tpu.memory_space<hbm>>
      %dma_start3A_23 = arith.constant 0 : i32
      %dma_start3A_24 = tpu.memref_slice %arg5[%add3A, %dma_start3A_23] : memref<32x16xf32, #tpu.memory_space<hbm>> -> memref<1x16xf32, #tpu.memory_space<hbm>>
      %dma_start3A_25 = tpu.memref_squeeze %dma_start3A_24 : memref<1x16xf32, #tpu.memory_space<hbm>> -> memref<16xf32, #tpu.memory_space<hbm>>
      tpu.enqueue_dma source(%arg17 : memref<16xf32, #tpu.memory_space<vmem>>) target(%dma_start3A_25 : memref<16xf32, #tpu.memory_space<hbm>>) target_semaphore(%run_scoped3A : memref<!tpu.dma_semaphore, #tpu.memory_space<semaphore_mem>>)
      %dma_wait3A = arith.constant 0 : i32
      %dma_wait3A_26 = tpu.memref_slice %arg5[%add3A, %dma_wait3A] : memref<32x16xf32, #tpu.memory_space<hbm>> -> memref<1x16xf32, #tpu.memory_space<hbm>>
      %dma_wait3A_27 = tpu.memref_squeeze %dma_wait3A_26 : memref<1x16xf32, #tpu.memory_space<hbm>> -> memref<16xf32, #tpu.memory_space<hbm>>
      %dma_wait3A_28 = arith.constant 0 : i32
      %dma_wait3A_29 = tpu.memref_slice %arg5[%add3A, %dma_wait3A_28] : memref<32x16xf32, #tpu.memory_space<hbm>> -> memref<1x16xf32, #tpu.memory_space<hbm>>
      %dma_wait3A_30 = tpu.memref_squeeze %dma_wait3A_29 : memref<1x16xf32, #tpu.memory_space<hbm>> -> memref<16xf32, #tpu.memory_space<hbm>>
      tpu.wait_dma2 semaphore(%run_scoped3A : memref<!tpu.dma_semaphore, #tpu.memory_space<semaphore_mem>>) src(%arg17 : memref<16xf32, #tpu.memory_space<vmem>>) dst(%dma_wait3A_30 : memref<16xf32, #tpu.memory_space<hbm>>)
      tpu.yield
    }) : () -> ()
    return
  }
}

</mosaic_0001>

<sc_bundles>
// kernel: kernel.3.cloned.1.call-start
scs
__scs_entry_jumppad:
0x0: {  	(pc) =	sbr.rel $0x88, $3  }
0x1: {  	(tag) =	ssettag $0x0;
	lr =	simm.s32 $0x1  }
0x2: {  	[smem:$0x3F9E] =	sst lr;
	_ =	strace $0xD0000000  }
0x3: {  	_ = 	snop  }
0x4: {  	_ = 	snop  }
0x5: {  	_ = 	snop  }
0x6: {  	_ = 	snop  }
0x7: {  	_ = 	snop  }
__scs_overlays_trampoline_lowered:
0x8: {  	[smem:$0x3FAD] =	sst s0  }
0x9: {  	[smem:$0x3FAE] =	sst s1  }
0xa: {  	[smem:$0x3FAF] =	sst s2  }
0xb: {  	[smem:$0x3FB0] =	sst s3  }
0xc: {  	[smem:$0x3FB1] =	sst s4  }
0xd: {  	[smem:$0x3FB2] =	sst s5  }
0xe: {  	[smem:$0x3FB3] =	sst s6  }
0xf: {  	[smem:$0x3FB4] =	sst s7  }
0x10: {  	[smem:$0x3FB5] =	sst s8  }
0x11: {  	[smem:$0x3FB6] =	sst s9;
	s0 =	simm.s32 @!p0 $0x0  }
0x12: {  	s1 =	sld [smem:$0x3F9C];
	s0 =	simm.s32 @p0 $0x1  }
0x13: {  	[smem:$0x3FB7] =	sst s0;
	s0 =	simm.s32 @!p1 $0x0  }
0x14: {  	s2 =	sld [smem:$0x3F9B];
	s0 =	simm.s32 @p1 $0x1  }
0x15: {  	[smem:$0x3FB8] =	sst s0;
	s0 =	simm.s32 @!p2 $0x0  }
0x16: {  	s3 =	sld [smem:$0x3FDB];
	s0 =	simm.s32 @p2 $0x1  }
0x17: {  	s4 =	simm.s32 $0x1BF5;
	[smem:$0x3FBA] =	sst s0  }
0x18: {  	s0 =	sld [smem:$0x3F9D];
	_ =	swait.ge [sflag:s4], $0x0  }
0x19: {  	s7 =	sld [smem:$0x3F9E]  }
0x1a: {  	s8 =	sadd.s32 $0xFFFFE003, lr  }
0x1b: {  	s9 =	sadd.s32 $0xFFFFFEF7, lr;
	s5 =	simm.s32 $0xFFFFFFFF;
	p2 =	slt.u32 s8, $0xFFFFF086  }
0x1c: {  	p1 =	slt.u32 s9, $0xF7A;
	s5 =	simm.s32 @!p2 $0x0  }
0x1d: {  	s5 =	simm.s32 @p1 $0x1;
	p0 =	seq.s32 s7, s2  }
0x1e: {  	s7 =	smul.u32 @!p0 $0xF7A, s2;
	p2 =	seq.s32 @!p0 s5, $0x0  }
0x1f: {  	s9 =	smul.u32 $0xF7A, s1;
	s8 =	simm.s32 @!p0 $0x1BF5;
	p2 =	por !p2, p0  }
0x20: {  	[sflag:s8] =	ssyncset.s32 @!p0 $0xFFFFF086;
	s6 =	sadd.s32 @!p0 s3, s7;
	s7 =	simm.s32 @!p0 $0x108  }
0x21: {  	s3 =	sadd.s32 s3, s9;
	s6 =	sadd.s32 @!p0 $0x88, s6;
	s7 =	simm.s32 @p2 $0x1082  }
0x22: {  	[simem:s7], [sflag:s8] =	dma.local @!p0 [hbm:s6], $0xF7A  }
0x23: {  	s9 =	sor.u32 $0xD0000000, s2;
	s6 =	simm.s32 $0x108;
	_ =	swait.ge @!p0 [sflag:s8], $0x0  }
0x24: {  	s3 =	sadd.s32 $0x88, s3;
	s6 =	simm.s32 @!p1 $0x1082;
	[sflag:s4] =	ssyncset.s32 $0xFFFFF086  }
0x25: {  	[simem:s6], [sflag:s4] =	dma.local [hbm:s3], $0xF7A  }
0x26: {  	[smem:$0x3F9E] =	sst s1;
	(tag) =	ssettag s2;
	_ =	strace s9  }
0x27: {  	s1 =	sld [smem:$0x3FAE]  }
0x28: {  	s2 =	sld [smem:$0x3FAF]  }
0x29: {  	s4 =	sld [smem:$0x3FB1]  }
0x2a: {  	p0 =	seq.s32 s5, $0x0;
	s5 =	sld [smem:$0x3FB2]  }
0x2b: {  	s6 =	sld [smem:$0x3FB3]  }
0x2c: {  	s7 =	sld [smem:$0x3FB4]  }
0x2d: {  	s3 =	simm.s32 $0x108;
	s8 =	sld [smem:$0x3FB5]  }
0x2e: {  	s3 =	simm.s32 @!p0 $0x1082;
	s9 =	sld [smem:$0x3FB6]  }
0x2f: {  	lr =	sadd.s32 s0, s3;
	s0 =	sld [smem:$0x3FAD]  }
0x30: {  	s3 =	sld [smem:$0x3FB0]  }
0x31: {  	[smem:$0x3FB9] =	sst s10  }
0x32: {  	s10 =	sld [smem:$0x3FB7];
	_ =	sdelay $0x3  }
0x33: {  	p0 =	seq.s32 s10, $0x1;
	s10 =	sld [smem:$0x3FB9];
	_ =	sdelay $0x3  }
0x34: {  	[smem:$0x3FB9] =	sst s10  }
0x35: {  	s10 =	sld [smem:$0x3FB8];
	_ =	sdelay $0x3  }
0x36: {  	p1 =	seq.s32 s10, $0x1;
	s10 =	sld [smem:$0x3FB9];
	_ =	sdelay $0x3  }
0x37: {  	[smem:$0x3FB9] =	sst s10  }
0x38: {  	s10 =	sld [smem:$0x3FBA]  }
0x39: {  	_ = 	snop;
	(pc) =	sbr.ind lr, $3  }
0x3a: {  	_ = 	snop  }
0x3b: {  	_ = 	snop  }
0x3c: {  	p2 =	seq.s32 s10, $0x1;
	s10 =	sld [smem:$0x3FB9]  }
0x3d: {  	_ =	shalt  }
0x3e: {  	_ =	shalt  }
0x3f: {  	_ =	shalt  }
0x40: {  	_ =	shalt  }
0x41: {  	_ =	shalt  }
0x42: {  	_ =	shalt  }
0x43: {  	_ =	shalt  }
0x44: {  	_ =	shalt  }
0x45: {  	_ =	shalt  }
0x46: {  	_ =	shalt  }
0x47: {  	_ =	shalt  }
0x48: {  	_ =	shalt  }
0x49: {  	_ =	shalt  }
0x4a: {  	_ =	shalt  }
0x4b: {  	_ =	shalt  }
0x4c: {  	_ =	shalt  }
0x4d: {  	_ =	shalt  }
0x4e: {  	_ =	shalt  }
0x4f: {  	_ =	shalt  }
0x50: {  	_ =	shalt  }
0x51: {  	_ =	shalt  }
0x52: {  	_ =	shalt  }
0x53: {  	_ =	shalt  }
0x54: {  	_ =	shalt  }
0x55: {  	_ =	shalt  }
0x56: {  	_ =	shalt  }
0x57: {  	_ =	shalt  }
0x58: {  	_ =	shalt  }
0x59: {  	_ =	shalt  }
0x5a: {  	_ =	shalt  }
0x5b: {  	_ =	shalt  }
0x5c: {  	_ =	shalt  }
0x5d: {  	_ =	shalt  }
0x5e: {  	_ =	shalt  }
0x5f: {  	_ =	shalt  }
0x60: {  	_ =	shalt  }
0x61: {  	_ =	shalt  }
0x62: {  	_ =	shalt  }
0x63: {  	_ =	shalt  }
0x64: {  	_ =	shalt  }
0x65: {  	_ =	shalt  }
0x66: {  	_ =	shalt  }
0x67: {  	_ =	shalt  }
0x68: {  	_ =	shalt  }
0x69: {  	_ =	shalt  }
0x6a: {  	_ =	shalt  }
0x6b: {  	_ =	shalt  }
0x6c: {  	_ =	shalt  }
0x6d: {  	_ =	shalt  }
0x6e: {  	_ =	shalt  }
0x6f: {  	_ =	shalt  }
0x70: {  	_ =	shalt  }
0x71: {  	_ =	shalt  }
0x72: {  	_ =	shalt  }
0x73: {  	_ =	shalt  }
0x74: {  	_ =	shalt  }
0x75: {  	_ =	shalt  }
0x76: {  	_ =	shalt  }
0x77: {  	_ =	shalt  }
0x78: {  	_ =	shalt  }
0x79: {  	_ =	shalt  }
0x7a: {  	_ =	shalt  }
0x7b: {  	_ =	shalt  }
0x7c: {  	_ =	shalt  }
0x7d: {  	_ =	shalt  }
0x7e: {  	_ =	shalt  }
0x7f: {  	_ =	shalt  }
0x80: {  	_ =	shalt  }
0x81: {  	_ =	shalt  }
0x82: {  	_ =	shalt  }
0x83: {  	_ =	shalt  }
0x84: {  	_ =	shalt  }
0x85: {  	_ =	shalt  }
0x86: {  	_ =	shalt  }
0x87: {  	_ =	shalt  }
.Lfunc_end0:
.L_simem_size_0:
called_computation_lowered:
.L_overlay_start_0:
0x88: {  	s2 =	sld [smem:$0x3FD9]  }
0x89: {  	s3 =	sld [smem:$0x3FFE];
	_ =	sdelay $0x1  }
0x8a: {  	s1 =	srdreg.scid  }
0x8b: {  	s0 =	sand.u32 $0x1, s1  }
0x8c: {  	s16 =	sshll.u32 s0, $0xA;
	s2 =	sadd.s32 s3, s2  }
0x8d: {  	s2 =	sadd.s32 s2, s16  }
0x8e: {  	[smem:$0x3FC5] =	sst s2  }
0x8f: {  	_ = 	snop  }
0x90: {  	(tm) =	ssettm $0x1  }
0x91: {  	s17 =	sld [smem:$0x3FFB];
	_ =	sdelay $0x3  }
0x92: {  	_ =	strace s17  }
0x93: {  	s2 =	sld [smem:$0x3FFC];
	_ =	sdelay $0x3  }
0x94: {  	_ =	strace s2  }
0x95: {  	s2 =	sld [smem:$0x3FFD];
	_ =	sdelay $0x3  }
0x96: {  	_ =	strace s2  }
0x97: {  	_ =	strace $0x8FFFFFFF  }
0x98: {  	s18 =	sld [smem:$0x3FDB];
	_ =	sdelay $0x1  }
0x99: {  	s19 =	simm.s32 $_scs_section_size  }
0x9a: {  	s4 =	simm.s32 $_size__tile_overlayer_lowered;
	s5 =	simm.s32 $_tile_overlayer_lowered  }
0x9b: {  	s22 =	simm.s32 $0x1BFF;
	s21 =	sshll.u32 s5, $0x1;
	s2 =	sadd.s32 s19, s18  }
0x9c: {  	s6 =	simm.s32 $0x0;
	s20 =	sshll.u32 s4, $0x1;
	s4 =	sadd.s32 s21, s2  }
0x9d: {  	[timem:s6], [sflag:s22] =	dma.local [hbm:s4], s20  }
0x9e: {  	_ =	swait.ge [sflag:s22], s20  }
0x9f: {  	s3 =	ssub.s32 $0x0, s20;
	[sflag:s22] =	ssyncset.done $0x0  }
0xa0: {  	[sflag:s22] =	ssyncadd.s32 s3;
	_ =	sdelay $0x1  }
0xa1: {  	s23 =	simm.s32 $0x1B8B  }
0xa2: {  	_ =	swait.ge [sflag:s23], $0x1  }
0xa3: {  	[sflag:s23] =	ssyncset.done $0x0  }
0xa4: {  	s25 =	simm.s32 $0x1B8E;
	s24 =	sld [smem:$0x3FFE];
	[sflag:s23] =	ssyncadd.s32 $0xFFFFFFFF  }
0xa5: {  	s26 =	simm.s32 $execute0_lowered;
	[smem:$0x3FD2] =	sst s25  }
0xa6: {  	s4 =	sshll.u32 s26, $0x1;
	_ =	strace $0x80000046;
	[dreg:$0x1] =	wrdreg $0xFFFFFFFF  }
0xa7: {  	s28 =	simm.s32 $_size_execute0_lowered;
	s2 =	sadd.s32 s2, s4;
	[dreg:$0x0] =	wrdreg $0x0  }
0xa8: {  	s4 =	sshll.u32 s28, $0x1;
	[dreg:$0x2] =	wrdreg s2  }
0xa9: {  	[dreg:$0x3] =	wrdreg s4  }
0xaa: {  	[dreg:$0x4] =	wrdreg $0xC0  }
0xab: {  	_ =	task [dreg:s6], $0x5FFFF  }
0xac: {  	[dreg:$0x1] =	wrdreg $0xFFFFFFFF  }
0xad: {  	[dreg:$0x0] =	wrdreg $0x60  }
0xae: {  	[dreg:$0x2] =	wrdreg s24  }
0xaf: {  	[dreg:$0x3] =	wrdreg $0x9  }
0xb0: {  	_ =	task.clear_ibuf [dreg:s6], $0x4FFFF;
	_ =	strace $0x90000046  }
0xb1: {  	s29 =	simm.s32 $0x9;
	_ =	strace $0x80000048  }
0xb2: {  	_ =	swait.ge [sflag:s29], $0x1  }
0xb3: {  	[sflag:s29] =	ssyncadd.s32 $0xFFFFFFFF  }
0xb4: {  	_ =	strace $0x90000048  }
0xb5: {  	_ =	sfence  }
0xb6: {  	s30 =	sld [smem:$0x0];
	_ =	sdelay $0x2  }
0xb7: {  	s31 =	sshll.u32 s1, $0xD;
	s1 =	sshrl.u32 s1, $0x2  }
0xb8: {  	s3 =	sand.u32 $0x4000, s31;
	s1 =	sadd.s32 s1, s30  }
0xb9: {  	s0 =	sor.u32 s3, s0;
	s1 =	sshll.u32 s1, $0x11  }
0xba: {  	s0 =	sor.u32 s1, s0  }
0xbb: {  	s0 =	sadd.s32 $0x8F2B, s0  }
0xbc: {  	[sflag:s0] =	ssyncadd.remote.s32 $0x1  }
0xbd: {  	_ =	sfence.sel $0xFFFF  }
0xbe: {  	[dreg:$0x0] =	wrdreg $0xFFFFFFFF;
	(pc) =	sbr.abs _section_cstart, $3  }
0xbf: {  	[dreg:$0x1] =	wrdreg $0xFFFFFFFF  }
0xc0: {  	_ =	task.clear_ibuf [dreg:s6], $0x2FFFF;
	_ =	strace $0x9FFFFFFF  }
0xc1: {  	(tm) =	ssettm $0x7FFFFFFF  }
tec
execute0_lowered:
.L_overlay_start_1:
0x0: {  	(tag) =	ssettag $0x1  }
0x1: {  	v0 =	vimm.s32 $0x7F800000;
	vm0 =	vcmask $0x2300;
	v5 =	vimm.f32 $0.0e+00  }
0x2: {  	vm5 =	vcmask $0x704;
	v2 =	vimm.f32 $-1.000000000e+00;
	vm14 =	vcmask $0xB00  }
0x3: {  	vm6 =	vcmask $0xB08;
	v3 =	vimm.f32 $1.000000000e+00;
	vm8 =	vcmask $0x1310  }
0x4: {  	vm9 =	vcmask $0x1714;
	vm15 =	vcmask $0x170C;
	vm7 =	vcmask $0x1F1C  }
0x5: {  	vm4 =	vcmask $0x2320;
	vm10 =	vcmask $0x2F24;
	vm3 =	vcmask $0x2B28  }
0x6: {  	vm2 =	vcmask $0x2F2C;
	vm11 =	vcmask $0x3B30;
	vm1 =	vcmask $0x3734  }
0x7: {  	vm12 =	vcmask $0x3B38;
	vm13 =	vcmask $0x1308;
	v7 =	vimm.s32 $0xFEDCBA98  }
0x8: {  	v8 =	vimm.s32 $0x76543210;
	v10 =	vimm.s32 $0xDCFE98BA;
	v11 =	vimm.s32 $0x54761032  }
0x9: {  	v12 =	vimm.s32 $0xEFCDAB89;
	v13 =	vimm.s32 $0x67452301;
	v1 =	vsel vm0, $0xBF800000, v5  }
0xa: {  	v2 =	vsel vm5, $0x0, v2;
	v3 =	vsel vm14, $0xBF800000, v3;
	v6 =	vsel vm5, $0x3F800000, v5  }
0xb: {  	v7 =	vunpack.c.l.s4.s8 v7;
	v8 =	vunpack.c.l.s4.s8 v8;
	vm14 =	vcmask $0x2B20  }
0xc: {  	v10 =	vunpack.c.l.s4.s8 v10;
	v11 =	vunpack.c.l.s4.s8 v11;
	v12 =	vunpack.c.l.s4.s8 v12  }
0xd: {  	v13 =	vunpack.c.l.s4.s8 v13;
	v2 =	vsel vm6, $0x3F800000, v2;
	v3 =	vsel vm15, $0x0, v3  }
0xe: {  	v6 =	vsel vm6, $0xBF800000, v6;
	vm15 =	vcmask $0x372C;
	v2 =	vsel vm8, $0x0, v2  }
0xf: {  	v3 =	vsel vm10, $0xBF800000, v3;
	vm10 =	vcmask $0x700;
	v6 =	vsel vm8, $0x3F800000, v6  }
0x10: {  	v7 =	vunpack.c.0.s8.s32 v7;
	v8 =	vunpack.c.0.s8.s32 v8;
	v10 =	vunpack.c.0.s8.s32 v10  }
0x11: {  	v11 =	vunpack.c.0.s8.s32 v11;
	v12 =	vunpack.c.0.s8.s32 v12;
	v13 =	vunpack.c.0.s8.s32 v13  }
0x12: {  	v2 =	vsel vm9, $0x3F800000, v2;
	v5 =	vsel vm10, $0x3F800000, v5;
	v6 =	vsel vm9, $0xBF800000, v6  }
0x13: {  	v2 =	vsel vm7, $0x0, v2;
	v5 =	vsel vm13, $0xBF800000, v5;
	v6 =	vsel vm7, $0x3F800000, v6  }
0x14: {  	s6 =	rddreg [dreg:$0x0];
	s0 =	simm.s32 $0x0;
	v7 =	vand.u32 $0xF, v7;
	v10 =	vcombine.low v11, v10;
	v6 =	vsel vm4, $0xBF800000, v6  }
0x15: {  	s5 =	srdreg.scid;
	s29 =	stileid.u32;
	s12 =	simm.s32 $0x400;
	v11 =	vimm.f32 $1.000000020e+30;
	v2 =	vsel vm4, $0x3F800000, v2;
	v6 =	vsel vm3, $0x3F800000, v6  }
0x16: {  	s13 =	simm.s32 $0x80;
	s14 =	simm.s32 $0x180;
	s15 =	simm.s32 $0x580;
	v12 =	vcombine.low v13, v12;
	v2 =	vsel vm3, $0x0, v2;
	v6 =	vsel vm2, $0xBF800000, v6  }
0x17: {  	s16 =	simm.s32 $0x380;
	[smem:$0x7FF] =	sst s0;
	s2 =	sadd.s32 $0x2800, s6;
	v5 =	vsel vm14, $0x3F800000, v5;
	v4 =	vsel vm2, $0x3F800000, v2;
	v9 =	vsel vm1, $0x3F800000, v6  }
0x18: {  	s18 =	simm.s32 $0x0;
	s3 =	sadd.s32 $0x800, s6;
	s4 =	sadd.s32 $0x1800, s6;
	v6 =	vcombine.low v7, v8;
	v7 =	vimm.s32 $0xBA98FEDC;
	v8 =	vimm.s32 $0x32107654  }
0x19: {  	s7 =	sand.u32 $0x1, s5;
	s10 =	sshll.u32 s29, $0x5;
	_ =	strace $0x80000047;
	v2 =	vsel vm11, $0x0, v3;
	v7 =	vunpack.c.l.s4.s8 v7;
	v8 =	vunpack.c.l.s4.s8 v8  }
0x1a: {  	s8 =	sshll.u32 s7, $0x4;
	s9 =	ssub.s32 $0x2, s7;
	s7 =	sshll.u32 s7, $0x9;
	vm11 =	vcmask $0x2B08;
	v3 =	vsel vm1, $0x0, v4;
	v4 =	vimm.f32 $2.000000000e+00  }
0x1b: {  	s8 =	sadd.s32 s8, s6;
	s30 =	sshrl.u32 s9, $0x1;
	s6 =	sshll.u32 s29, $0xA;
	v4 =	vsel vm10, $0x0, v4;
	v14 =	vunpack.c.0.s8.s32 v7;
	v8 =	vunpack.c.0.s8.s32 v8  }
0x1c: {  	s11 =	ssub.s32 s9, s30;
	s31 =	sadd.s32 s10, s8;
	s8 =	sshll.u32 s29, $0xB;
	v5 =	vsel vm15, $0xBF800000, v5;
	v3 =	vsel vm12, $0x3F800000, v3;
	v4 =	vsel vm11, $0x3F800000, v4  }
0x1d: {  	s9 =	sadd.s32 $0x3000, s31;
	s10 =	smax.u32 s11, $0x1;
	s11 =	simm.s32 $0x1;
	v7 =	vsel vm12, $0xBF800000, v9;
	v9 =	vlaneseq.u32;
	v8 =	vcombine.low v8, v14  }
.LBB2_1:
0x1e: {  	[tilespmem:$0xC40] =	vst v0  }
0x1f: {  	[tilespmem:$0xC50] =	vst v0  }
0x20: {  	[tilespmem:$0xC60] =	vst v0  }
0x21: {  	[tilespmem:$0xC70] =	vst v0;
	v13 =	vimm.f32 $0.0e+00;
	s19 =	simm.s32 $0x0  }
.LBB2_2:
0x22: {  	s20 =	sshll.u32 s19, $0x7  }
0x23: {  	s21 =	sadd.s32 s7, s20  }
0x24: {  	s20 =	sadd.s32 s6, s21  }
0x25: {  	s20 =	sshrl.u32 s20, $0x3  }
0x26: {  	s22 =	sadd.s32 s2, s20;
	s20 =	simm.s32 $0x0  }
0x27: {  	[tilespmem:s20], [sflag:$0x1] =	stream.linear.gather [hbm4b:s22+s20], $0x80, $0x38;
	[tilespmem:$0x1700] =	vst v63  }
0x28: {  	s21 =	sadd.s32 s8, s21;
	_ =	swait.ge [sflag:s11], $0x80  }
0x29: {  	s21 =	sshrl.u32 s21, $0x3;
	[sflag:s11] =	ssyncset.done $0x0  }
0x2a: {  	s31 =	sadd.s32 s3, s21;
	[sflag:s11] =	ssyncadd.s32 $0xFFFFFF80  }
0x2b: {  	[tilespmem:s13], [sflag:$0x1] =	stream.strided.gather [hbm4b:s31+s13], $0x100, s12, s13, $0x38;
	[tilespmem:$0x1700] =	vst v63  }
0x2c: {  	_ =	swait.ge [sflag:s11], $0x100  }
0x2d: {  	[sflag:s11] =	ssyncset.done $0x0  }
0x2e: {  	s21 =	sadd.s32 s4, s21;
	[sflag:s11] =	ssyncadd.s32 $0xFFFFFF00  }
0x2f: {  	[tilespmem:s14], [sflag:$0x1] =	stream.strided.gather [hbm4b:s21+s13], $0x100, s12, s13, $0x38;
	[tilespmem:$0x1700] =	vst v63  }
0x30: {  	_ =	swait.ge [sflag:s11], $0x100  }
0x31: {  	[sflag:s11] =	ssyncset.done $0x0  }
0x32: {  	[sflag:s11] =	ssyncadd.s32 $0xFFFFFF00  }
0x33: {  	v22 =	vld [tilespmem:$0x0];
	_ =	sdelay $0x2  }
0x34: {  	v23 =	vld [tilespmem:$0x80]  }
0x35: {  	v24 =	vld [tilespmem:$0xC0]  }
0x36: {  	v14 =	vbroadcast v22, $0x0  }
0x37: {  	v25 =	vld [tilespmem:$0x100];
	v15 =	vbroadcast v22, $0x3;
	v16 =	vbroadcast v22, $0x1  }
0x38: {  	v30 =	vld [tilespmem:$0x90];
	v17 =	vbroadcast v22, $0x4;
	v18 =	vbroadcast v22, $0x6  }
0x39: {  	v32 =	vld [tilespmem:$0xD0];
	v19 =	vbroadcast v22, $0x7;
	v20 =	vbroadcast v22, $0x2  }
0x3a: {  	v21 =	vmul.f32 v14, v23;
	v26 =	vmul.f32 v24, v15  }
0x3b: {  	v41 =	vld [tilespmem:$0xE0];
	v27 =	vmul.f32 v16, v23;
	v28 =	vmul.f32 v24, v17  }
0x3c: {  	v29 =	vmul.f32 v25, v18;
	v51 =	vmul.f32 v25, v19  }
0x3d: {  	v55 =	vld [tilespmem:$0x180];
	v31 =	vmul.f32 v20, v23;
	v35 =	vmul.f32 v30, v14  }
0x3e: {  	v59 =	vld [tilespmem:$0x200];
	v36 =	vmul.f32 v32, v15;
	v38 =	vmul.f32 v30, v16  }
0x3f: {  	v63 =	vld [tilespmem:$0x1D0];
	v39 =	vmul.f32 v32, v17;
	v58 =	vmul.f32 v30, v20  }
0x40: {  	v46 =	vld [tilespmem:$0xB0];
	v44 =	vmul.f32 v41, v15;
	v45 =	vmul.f32 v41, v17  }
0x41: {  	v37 =	vld [tilespmem:$0x1C0];
	v26 =	vadd.f32 v26, v21;
	v21 =	vbroadcast v22, $0x5;
	v27 =	vadd.f32 v28, v27  }
0x42: {  	v22 =	vbroadcast v22, $0x8;
	v35 =	vadd.f32 v36, v35;
	v36 =	vld [tilespmem:$0xA0];
	v38 =	vadd.f32 v39, v38  }
0x43: {  	v39 =	vld [tilespmem:$0x120];
	v33 =	vmul.f32 v24, v21;
	v26 =	vadd.f32 v29, v26;
	v27 =	vadd.f32 v51, v27  }
0x44: {  	v43 =	vld [tilespmem:$0x190];
	v53 =	vmul.f32 v25, v22;
	v42 =	vmul.f32 v32, v21;
	v25 =	vsub.f32 v59, v25  }
0x45: {  	v59 =	vsub.f32 v63, v32;
	v63 =	vmul.f32 v46, v14;
	v52 =	vadd.f32 v33, v31;
	v31 =	vld [tilespmem:$0x110]  }
0x46: {  	v23 =	vsub.f32 v55, v23;
	v54 =	vmul.f32 v26, v26;
	v34 =	vmul.f32 v27, v27  }
0x47: {  	v50 =	vld [tilespmem:$0x210];
	v24 =	vsub.f32 v37, v24;
	v48 =	vmul.f32 v36, v14;
	v51 =	vmul.f32 v36, v16  }
0x48: {  	[tilespmem:$0x380] =	vst v23;
	v55 =	vmul.f32 v39, v19;
	v28 =	vadd.f32 v53, v52;
	v33 =	vadd.f32 v34, v54  }
0x49: {  	[tilespmem:$0x280] =	vst v26;
	v34 =	vadd.f32 v42, v58;
	v53 =	vmul.f32 v39, v18;
	v54 =	vadd.f32 v45, v51  }
0x4a: {  	[tilespmem:$0x2C0] =	vst v27;
	v42 =	vld [tilespmem:$0xF0];
	v58 =	vsub.f32 v43, v30;
	v56 =	vmul.f32 v28, v28;
	v40 =	vmul.f32 v31, v18  }
0x4b: {  	[tilespmem:$0x3C0] =	vst v24;
	v57 =	vmul.f32 v31, v19;
	v60 =	vmul.f32 v31, v22;
	v24 =	vadd.f32 v55, v54  }
0x4c: {  	[tilespmem:$0x400] =	vst v25;
	v31 =	vsub.f32 v50, v31;
	v50 =	vmul.f32 v46, v20;
	v33 =	vadd.f32 v33, v56  }
0x4d: {  	[tilespmem:$0x3D0] =	vst v59;
	v56 =	vmul.f32 v36, v20;
	v35 =	vadd.f32 v40, v35;
	v38 =	vadd.f32 v57, v38  }
0x4e: {  	[tilespmem:$0x300] =	vst v28;
	v54 =	vld [tilespmem:$0x220];
	v26 =	vadd.f32 v60, v34;
	v57 =	vmul.f32 v41, v21;
	v60 =	vmul.f32 v39, v22  }
0x4f: {  	[tilespmem:$0x390] =	vst v58;
	v40 =	vadd.f32 v44, v48;
	v44 =	vmul.f32 v46, v16;
	v45 =	vmul.f32 v42, v17  }
0x50: {  	v51 =	vmul.f32 v42, v21;
	[tilespmem:$0x410] =	vst v31;
	v61 =	vmul.f32 v35, v35  }
0x51: {  	[tilespmem:$0x2E0] =	vst v24;
	v62 =	vmul.f32 v38, v38;
	v52 =	vmul.f32 v26, v26;
	v27 =	vadd.f32 v53, v40  }
0x52: {  	[tilespmem:$0x500] =	vst v33;
	v33 =	vld [tilespmem:$0x130];
	v28 =	vadd.f32 v57, v56;
	v40 =	vmul.f32 v42, v15;
	v32 =	vadd.f32 v51, v50  }
0x53: {  	[tilespmem:$0x290] =	vst v35;
	v51 =	vmul.f32 v3, v22;
	v37 =	vsub.f32 v54, v39;
	v49 =	vadd.f32 v62, v61  }
0x54: {  	[tilespmem:$0x2D0] =	vst v38;
	v53 =	vld [tilespmem:$0x1E0];
	v61 =	vmul.f32 v27, v27;
	v62 =	vmul.f32 v24, v24;
	v43 =	vadd.f32 v60, v28  }
0x55: {  	[tilespmem:$0x310] =	vst v26;
	v54 =	vmul.f32 v7, v18;
	v28 =	vadd.f32 v45, v44;
	v45 =	vmul.f32 v3, v18  }
0x56: {  	v57 =	vld [tilespmem:$0x1B0];
	[tilespmem:$0x2A0] =	vst v27;
	v23 =	vadd.f32 v49, v52;
	v29 =	vadd.f32 v62, v61;
	v52 =	vmul.f32 v43, v43  }
0x57: {  	[tilespmem:$0x420] =	vst v37;
	v47 =	vmul.f32 v33, v18;
	v48 =	vmul.f32 v33, v19  }
0x58: {  	v49 =	vld [tilespmem:$0x1A0];
	v55 =	vmul.f32 v33, v22;
	[tilespmem:$0x510] =	vst v23;
	v23 =	vadd.f32 v40, v63;
	v56 =	vadd.f32 v29, v52  }
0x59: {  	v61 =	vld [tilespmem:$0x1F0];
	[tilespmem:$0x320] =	vst v43;
	v43 =	vmul.f32 v2, v17;
	v28 =	vadd.f32 v48, v28;
	v63 =	vsub.f32 v53, v41  }
0x5a: {  	v58 =	vadd.f32 v55, v32;
	v40 =	vmul.f32 v1, v14;
	v41 =	vmul.f32 v2, v15;
	[tilespmem:$0x520] =	vst v56  }
0x5b: {  	v62 =	vld [tilespmem:$0x230];
	v29 =	vsub.f32 v57, v46;
	v46 =	vmul.f32 v3, v19;
	v48 =	vmul.f32 v1, v20;
	[tilespmem:$0x3E0] =	vst v63  }
0x5c: {  	v52 =	vmul.f32 v4, v14;
	v53 =	vmul.f32 v5, v15;
	[tilespmem:$0x2F0] =	vst v28  }
0x5d: {  	v57 =	vmul.f32 v5, v17;
	v23 =	vadd.f32 v47, v23;
	v60 =	vmul.f32 v28, v28;
	[tilespmem:$0x330] =	vst v58  }
0x5e: {  	[tilespmem:$0x3B0] =	vst v29;
	v25 =	vsub.f32 v49, v36;
	v39 =	vsub.f32 v61, v42;
	v42 =	vmul.f32 v1, v16  }
0x5f: {  	v44 =	vadd.f32 v41, v40;
	v56 =	vmul.f32 v4, v16;
	v49 =	vmul.f32 v2, v21;
	[tilespmem:$0x2B0] =	vst v23  }
0x60: {  	v59 =	vmul.f32 v23, v23;
	v23 =	vsub.f32 v62, v33;
	[tilespmem:$0x3A0] =	vst v25;
	v47 =	vadd.f32 v43, v42  }
0x61: {  	v36 =	vmul.f32 v58, v58;
	v50 =	vadd.f32 v44, v45;
	[tilespmem:$0x3F0] =	vst v39;
	v55 =	vadd.f32 v49, v48  }
0x62: {  	v58 =	vmul.f32 v4, v20;
	v30 =	vadd.f32 v60, v59;
	[tilespmem:$0x430] =	vst v23;
	v24 =	vadd.f32 v47, v46  }
0x63: {  	v23 =	vadd.f32 v53, v52;
	v59 =	vmul.f32 v5, v21;
	[tilespmem:$0x480] =	vst v50;
	v25 =	vadd.f32 v55, v51  }
0x64: {  	v26 =	vadd.f32 v57, v56;
	v60 =	vmul.f32 v7, v19;
	v38 =	vadd.f32 v30, v36;
	[tilespmem:$0x4A0] =	vst v24  }
.Ltmp0:
0x65: {  	v62 =	vmul.f32 v7, v22;
	v23 =	vadd.f32 v23, v54;
	v61 =	vadd.f32 v59, v58;
	[tilespmem:$0x4C0] =	vst v25;
	(pc) =	sbr.rel .LBB2_3-.Ltmp0, $4  }
0x66: {  	v63 =	vadd.f32 v26, v60;
	[tilespmem:$0x530] =	vst v38  }
0x67: {  	[tilespmem:$0x490] =	vst v23;
	v23 =	vadd.f32 v61, v62  }
0x68: {  	[tilespmem:$0x4B0] =	vst v63  }
0x69: {  	[tilespmem:$0x4D0] =	vst v23;
	v23 =	vimm.s32 $0x0  }
.LBB2_22:
0x6a: {  	v28 =	vor.u32 v24, v28;
	s0 =	sor.u32 $0x100, s28  }
0x6b: {  	v29 =	vor.u32 s0, v24  }
0x6c: {  	s5 =	sor.u32 $0x200, s28  }
0x6d: {  	v30 =	vor.u32 s5, v24  }
0x6e: {  	s17 =	sor.u32 $0x300, s28  }
0x6f: {  	v31 =	vor.u32 s17, v24;
	v28 =	vld.idx.msk [tilespmem:v28+s15+$0x0], $0xffff  }
0x70: {  	s29 =	sor.u32 $0x400, s28;
	v29 =	vld.idx.msk [tilespmem:v29+s15+$0x0], $0xffff  }
0x71: {  	v32 =	vor.u32 s29, v24  }
0x72: {  	s30 =	sor.u32 $0x500, s28;
	v30 =	vld.idx.msk [tilespmem:v30+s15+$0x0], $0xffff  }
0x73: {  	v27 =	vbroadcast v27, $0x0;
	s31 =	sor.u32 $0x600, s28;
	v33 =	vor.u32 s30, v24  }
0x74: {  	v24 =	vor.u32 s31, v24;
	v31 =	vld.idx.msk [tilespmem:v31+s15+$0x0], $0xffff;
	vm2 =	vlt.s32 v28, $0x7F800000  }
0x75: {  	vm1 =	vgt.s32 v28, v27;
	v28 =	vnsel vm2, $0x7F800000, v28;
	vm13 =	vgt.s32 v29, v27  }
0x76: {  	v32 =	vld.idx.msk [tilespmem:v32+s15+$0x0], $0xffff;
	v28 =	vnsel vm1, $0x7F800000, v28;
	v29 =	vnsel vm13, $0x7F800000, v29  }
0x77: {  	vm14 =	vgt.s32 v30, v27;
	vm1 =	vgt.s32 v28, v29  }
0x78: {  	v33 =	vld.idx.msk [tilespmem:v33+s15+$0x0], $0xffff;
	v30 =	vnsel vm14, $0x7F800000, v30;
	v34 =	vsel vm1, v29, v28  }
0x79: {  	vm3 =	vgt.s32 v31, v27;
	vm2 =	vgt.s32 v34, v30  }
0x7a: {  	v24 =	vld.idx.msk [tilespmem:v24+s15+$0x0], $0xffff;
	v31 =	vnsel vm3, $0x7F800000, v31;
	v35 =	vsel vm2, v30, v34  }
0x7b: {  	vm4 =	vgt.s32 v32, v27;
	vm3 =	vgt.s32 v35, v31  }
0x7c: {  	v32 =	vnsel vm4, $0x7F800000, v32;
	v36 =	vsel vm3, v31, v35  }
0x7d: {  	vm5 =	vgt.s32 v33, v27;
	vm4 =	vgt.s32 v36, v32  }
0x7e: {  	v33 =	vnsel vm5, $0x7F800000, v33;
	v37 =	vsel vm4, v32, v36  }
0x7f: {  	vm6 =	vgt.s32 v24, v27;
	vm5 =	vgt.s32 v37, v33  }
0x80: {  	v24 =	vnsel vm6, $0x7F800000, v24;
	v27 =	vsel vm5, v33, v37  }
0x81: {  	vm6 =	vgt.s32 v27, v24  }
0x82: {  	v38 =	vsel vm6, v24, v27  }
0x83: {  	(xrf1) =	vsort.ascd.msk.u32 $0xffff, v38, v38;
	_ =	sdelay $0x4  }
0x84: {  	v28 =	vsel vm1, v28, v29;
	v59 =	vsel vm2, v34, v30  }
0x85: {  	vm1 =	vlt.s32 v28, v59  }
0x86: {  	v28 =	vsel vm1, v28, v59;
	v60 =	vsel vm3, v35, v31  }
0x87: {  	vm1 =	vlt.s32 v28, v60  }
0x88: {  	v28 =	vsel vm1, v28, v60;
	v61 =	vsel vm4, v36, v32  }
0x89: {  	vm1 =	vlt.s32 v28, v61  }
0x8a: {  	v28 =	vsel vm1, v28, v61;
	v62 =	vsel vm5, v37, v33  }
0x8b: {  	vm1 =	vlt.s32 v28, v62  }
0x8c: {  	v28 =	vsel vm1, v28, v62;
	v24 =	vsel vm6, v27, v24  }
0x8d: {  	vm1 =	vlt.s32 v28, v24;
	v27, _, _ =	vpop (xrf1)  }
0x8e: {  	v24 =	vsel vm1, v28, v24;
	v27 =	vbroadcast v27, $0x0  }
0x8f: {  	vm1 =	vlt.s32 v24, $0x7F800000  }
0x90: {  	v24 =	vnsel vm1, $0x7F800000, v24;
	vm15 =	veq.s32 v38, v27  }
0x91: {  	v24 =	vsel vm15, v24, v38  }
0x92: {  	(xrf1) =	vsort.ascd.msk.u32 $0xffff, v24, v24;
	_ =	sdelay $0xd  }
0x93: {  	v24, _, _ =	vpop (xrf1)  }
0x94: {  	v63 =	vbroadcast v24, $0x0;
	_ =	sdelay $0x1  }
0x95: {  	v24 =	vsel vm0, v27, v25;
	v25 =	vsel vm0, v63, v26  }
.LBB2_23:
0x96: {  	(xrf1) =	vsort.ascd.msk.u32 $0xffff, v24, v24;
	_ =	sdelay $0xd  }
0x97: {  	v26, _, _ =	vpop (xrf1)  }
0x98: {  	(v2sf) =	vpush v26, $0x0;
	_ =	sdelay $0xe  }
0x99: {  	s28 =	spop (v2sf)  }
0x9a: {  	s0 =	sand.u32 $0xF, s28  }
0x9b: {  	v27 =	vmov s0  }
0x9c: {  	v25 =	vperm.xlane v25, v27;
	_ =	sdelay $0x1  }
0x9d: {  	(v2sf) =	vpush v25, $0x0;
	_ =	sdelay $0xe  }
0x9e: {  	s1 =	spop (v2sf)  }
0x9f: {  	p0 =	sne.s32 s1, $0x7F800000  }
0xa0: {  	v28 =	vlaneseq.u32 @!p0  }
0xa1: {  	v29 =	vmul.u32 @!p0 $0x10, v28;
	_ =	sdelay $0x1  }
0xa2: {  	v30 =	vor.u32 @!p0 v29, v27;
	_ =	sdelay $0x1  }
0xa3: {  	s1 =	sor.u32 @!p0 $0x100, s0  }
0xa4: {  	v31 =	vor.u32 @!p0 s1, v29;
	s1 =	sor.u32 @!p0 $0x200, s0  }
0xa5: {  	s5 =	simm.s32 @!p0 $0x580;
	v32 =	vor.u32 @!p0 s1, v29  }
0xa6: {  	s1 =	sor.u32 @!p0 $0x300, s0;
	v30 =	vld.idx.msk @!p0 [tilespmem:v30+s5+$0x0], $0xffff  }
0xa7: {  	v33 =	vor.u32 @!p0 s1, v29  }
0xa8: {  	s1 =	sor.u32 @!p0 $0x400, s0  }
0xa9: {  	v34 =	vor.u32 @!p0 s1, v29;
	v31 =	vld.idx.msk @!p0 [tilespmem:v31+s5+$0x0], $0xffff  }
0xaa: {  	v26 =	vbroadcast @!p0 v26, $0x0;
	s1 =	sor.u32 @!p0 $0x500, s0;
	v32 =	vld.idx.msk @!p0 [tilespmem:v32+s5+$0x0], $0xffff  }
0xab: {  	v35 =	vor.u32 @!p0 s1, v29;
	vm0 =	vlt.s32 @!p0 v30, $0x7F800000  }
0xac: {  	s0 =	sor.u32 @!p0 $0x600, s0;
	v33 =	vld.idx.msk @!p0 [tilespmem:v33+s5+$0x0], $0xffff;
	vm1 =	vgt.s32 @!p0 v30, v26;
	v30 =	vnsel @!p0 vm0, $0x7F800000, v30  }
0xad: {  	v29 =	vor.u32 @!p0 s0, v29;
	v30 =	vnsel @!p0 vm1, $0x7F800000, v30  }
0xae: {  	v34 =	vld.idx.msk @!p0 [tilespmem:v34+s5+$0x0], $0xffff;
	vm0 =	vlt.s32 @!p0 v30, v31  }
0xaf: {  	vm1 =	vgt.s32 @!p0 v31, v26;
	v31 =	vsel @!p0 vm0, v30, v31;
	vm0 =	vgt.s32 @!p0 v32, v26  }
0xb0: {  	v30 =	vsel @!p0 vm1, v31, v30;
	v31 =	vnsel @!p0 vm0, $0x7F800000, v32;
	v32 =	vld.idx.msk @!p0 [tilespmem:v35+s5+$0x0], $0xffff  }
0xb1: {  	vm1 =	vgt.s32 @!p0 v33, v26;
	vm0 =	vlt.s32 @!p0 v30, v31  }
0xb2: {  	v29 =	vld.idx.msk @!p0 [tilespmem:v29+s5+$0x0], $0xffff;
	v30 =	vsel @!p0 vm0, v30, v31;
	v31 =	vnsel @!p0 vm1, $0x7F800000, v33  }
0xb3: {  	vm1 =	vgt.s32 @!p0 v34, v26;
	vm0 =	vlt.s32 @!p0 v30, v31  }
0xb4: {  	v30 =	vsel @!p0 vm0, v30, v31;
	v31 =	vnsel @!p0 vm1, $0x7F800000, v34  }
0xb5: {  	vm0 =	vlt.s32 @!p0 v30, v31;
	vm1 =	vgt.s32 @!p0 v32, v26  }
0xb6: {  	v30 =	vsel @!p0 vm0, v30, v31;
	v31 =	vnsel @!p0 vm1, $0x7F800000, v32  }
0xb7: {  	vm0 =	vgt.s32 @!p0 v29, v26;
	vm1 =	vlt.s32 @!p0 v30, v31  }
0xb8: {  	v29 =	vnsel @!p0 vm0, $0x7F800000, v29;
	v26 =	vsel @!p0 vm1, v30, v31  }
0xb9: {  	vm0 =	vlt.s32 @!p0 v26, v29  }
0xba: {  	v26 =	vsel @!p0 vm0, v26, v29  }
0xbb: {  	(xrf1) =	vsort.ascd.msk.u32 @!p0 $0xffff, v26, v26;
	_ =	sdelay $0xd  }
0xbc: {  	v26, _, _ =	vpop @!p0 (xrf1)  }
0xbd: {  	v26 =	vbroadcast @!p0 v26, $0x0  }
0xbe: {  	vm7 =	veq.s32 v27, v9;
	vm1 =	veq.s32 @!p0 v27, v28  }
0xbf: {  	v25 =	vsel vm7, v25, v24;
	v24 =	vsel @!p0 vm1, v26, v24  }
0xc0: {  	v24 =	vpsel p0, v25, v24  }
0xc1: {  	(xrf1) =	vsort.ascd.msk.u32 $0xffff, v24, v24;
	_ =	sdelay $0xd  }
0xc2: {  	v24, _, _ =	vpop (xrf1)  }
0xc3: {  	(v2sf) =	vpush v24, $0x0;
	_ =	sdelay $0x5  }
0xc4: {  	s0 =	sshll.u32 s20, $0x3  }
0xc5: {  	s1 =	sand.u32 $0x8, s0  }
0xc6: {  	v56 =	vmov s1;
	s31 =	sor.u32 $0x1, s1  }
0xc7: {  	s17 =	sand.u32 $0x7FF, s21;
	s21 =	sor.u32 $0x2, s1;
	vm8 =	veq.s32 v56, v9;
	v57 =	vmov s31  }
0xc8: {  	s29 =	sand.u32 $0x7FF, s22;
	s30 =	sor.u32 $0x3, s1;
	v58 =	vmov s21;
	v23 =	vsel vm8, s17, v23;
	vm9 =	veq.s32 v57, v9  }
0xc9: {  	s31 =	sand.u32 $0x7FF, s23;
	v59 =	vmov s30;
	s21 =	sor.u32 $0x4, s1;
	vm10 =	veq.s32 v58, v9;
	v23 =	vsel vm9, s29, v23  }
0xca: {  	s22 =	sand.u32 $0x7FF, s24;
	s20 =	sadd.s32 $0x1, s20;
	s23 =	sor.u32 $0x5, s1;
	vm11 =	veq.s32 v59, v9;
	v60 =	vmov s21;
	v23 =	vsel vm10, s31, v23  }
0xcb: {  	s24 =	sand.u32 $0x7FF, s25;
	s25 =	sor.u32 $0x6, s1;
	v61 =	vmov s23;
	vm12 =	veq.s32 v60, v9;
	v23 =	vsel vm11, s22, v23;
	p0 =	sne.s32 s20, $0x40  }
.Ltmp1:
0xcc: {  	s26 =	sand.u32 $0x7FF, s26;
	v62 =	vmov s25;
	s1 =	sor.u32 $0x7, s1;
	vm13 =	veq.s32 v61, v9;
	v23 =	vsel vm12, s24, v23;
	(pc) =	sbr.rel @!p0 .LBB2_24-.Ltmp1, $4  }
0xcd: {  	vm14 =	veq.s32 v62, v9;
	v63 =	vmov s1;
	s29 =	sand.u32 $0x7FF, s28;
	v23 =	vsel vm13, s26, v23;
	s30 =	spop (v2sf)  }
0xce: {  	vm15 =	veq.s32 v63, v9;
	v23 =	vsel vm14, s29, v23;
	s31 =	sand.u32 $0x7FF, s30  }
0xcf: {  	s0 =	sand.u32 $0x1F0, s0;
	v23 =	vsel vm15, s31, v23  }
0xd0: {  	[tilespmem:s0+$0xC80] =	vst v23  }
.LBB2_3:
0xd1: {  	v24 =	vld [tilespmem:s20+$0x280]  }
0xd2: {  	v25 =	vld [tilespmem:s20+$0x2C0]  }
0xd3: {  	v26 =	vld [tilespmem:s20+$0x300];
	_ =	sdelay $0x2  }
0xd4: {  	(v2sf) =	vpush v24, $0x0  }
0xd5: {  	(v2sf) =	vpush v25, $0x0  }
0xd6: {  	(v2sf) =	vpush v26, $0x0;
	_ =	sdelay $0x1  }
0xd7: {  	v34 =	vld [tilespmem:$0x280]  }
0xd8: {  	v29 =	vld [tilespmem:$0x290]  }
0xd9: {  	v30 =	vld [tilespmem:$0x2B0]  }
0xda: {  	v36 =	vld [tilespmem:$0x2C0]  }
0xdb: {  	v28 =	vld [tilespmem:$0x2D0]  }
0xdc: {  	s21 =	simm.s32 $0x4C0;
	v27 =	vld [tilespmem:$0x2F0]  }
0xdd: {  	v33 =	vld [tilespmem:s21+$0xFFFFFFC0]  }
0xde: {  	v38 =	vld [tilespmem:s21+$0xFFFFFFE0]  }
0xdf: {  	v41 =	vld [tilespmem:s21+$0x0]  }
0xe0: {  	v32 =	vld [tilespmem:$0x300]  }
0xe1: {  	s5 =	sor.u32 $0x340, s20;
	s17 =	simm.s32 $0x10;
	v35 =	vld [tilespmem:$0x310]  }
0xe2: {  	v31 =	vimm.s32 $0x7F800000;
	s26 =	simm.s32 $0x20;
	s30 =	simm.s32 $0x30;
	v37 =	vld [tilespmem:$0x320];
	s24 =	spop (v2sf);
	(v2sf) =	vpush v33, $0x0  }
0xe3: {  	s22 =	simm.s32 $0x5A0;
	s31 =	simm.s32 $0xB0;
	v39 =	vor.u32 s26, v9;
	v24 =	vmov s5;
	v25 =	vld [tilespmem:$0x2A0];
	s25 =	spop (v2sf);
	(v2sf) =	vpush v38, $0x0  }
0xe4: {  	s28 =	simm.s32 $0x0;
	s29 =	simm.s32 $0x4C1;
	v40 =	vor.u32 s17, v9;
	vm0 =	veq.s32 v39, v24;
	v26 =	vld [tilespmem:$0x2E0];
	s23 =	spop (v2sf);
	(v2sf) =	vpush v41, $0x0  }
0xe5: {  	s21 =	simm.s32 $0x70;
	s26 =	simm.s32 $0x4C1;
	vm1 =	veq.s32 v40, v24;
	v33 =	vld [tilespmem:$0x330];
	v38 =	vimm.s32 $0x7F800000;
	v41 =	vor.u32 s28, v9;
	s28 =	simm.s32 $0x5A0  }
.LBB2_4:
0xe6: {  	p0 =	sne.s32 s31, $0x6B0  }
0xe7: {  	vm2 =	veq.s32 v41, v24;
	s22 =	sadd.s32 $0x40, s22;
	s0 =	smov.u32 s31;
	s31 =	sadd.s32 $0x40, s31  }
0xe8: {  	_ =	sdelay $0x8  }
0xe9: {  	s5 =	spop (v2sf)  }
0xea: {  	s5 =	ssub.f32 s24, s5;
	s1 =	spop (v2sf)  }
0xeb: {  	s1 =	ssub.f32 s25, s1;
	s17 =	spop (v2sf)  }
0xec: {  	s17 =	ssub.f32 s23, s17;
	v42 =	vmov s5  }
0xed: {  	v43 =	vmov s1;
	v44 =	vsub.f32 v29, v42;
	v45 =	vsub.f32 v30, v42  }
0xee: {  	v46 =	vsub.f32 v34, v42;
	v47 =	vsub.f32 v36, v43;
	v48 =	vmov s17  }
0xef: {  	v50 =	vsub.f32 v28, v43;
	v49 =	vsub.f32 v32, v48;
	v44 =	vmul.f32 v44, v44  }
0xf0: {  	v51 =	vsub.f32 v35, v48;
	v52 =	vsub.f32 v37, v48;
	v47 =	vmul.f32 v47, v47  }
0xf1: {  	v53 =	vor.u32 s30, v9;
	s30 =	smov.u32 s21;
	s21 =	smov.u32 s0;
	v46 =	vmul.f32 v46, v46;
	v49 =	vmul.f32 v49, v49  }
0xf2: {  	vm3 =	veq.s32 v53, v24;
	v45 =	vmul.f32 v45, v45;
	v50 =	vmul.f32 v50, v50  }
0xf3: {  	v42 =	vsub.f32 v25, v42;
	v46 =	vadd.f32 v47, v46;
	v47 =	vmul.f32 v51, v51  }
0xf4: {  	v44 =	vadd.f32 v50, v44;
	v50 =	vsub.f32 v26, v43  }
0xf5: {  	v42 =	vmul.f32 v42, v42;
	v43 =	vsub.f32 v27, v43;
	v46 =	vadd.f32 v49, v46  }
0xf6: {  	v48 =	vsub.f32 v33, v48;
	v49 =	vmul.f32 v50, v50;
	v50 =	vmul.f32 v52, v52  }
0xf7: {  	v44 =	vadd.f32 v47, v44;
	v43 =	vmul.f32 v43, v43;
	v46 =	vand.u32 $0xFFFFF800, v46  }
0xf8: {  	v42 =	vadd.f32 v49, v42;
	v41 =	vor.u32 v41, v46;
	v46 =	vmul.f32 v48, v48  }
0xf9: {  	v44 =	vand.u32 $0xFFFFF800, v44;
	v43 =	vadd.f32 v43, v45;
	v41 =	vsel vm2, $0x7F800000, v41  }
0xfa: {  	v40 =	vor.u32 v40, v44;
	v42 =	vadd.f32 v50, v42;
	vm2 =	vgt.s32 v31, v41;
	[tilespmem:s28+$0xFFFFFFE0] =	vst v41  }
0xfb: {  	v45 =	vsel vm1, $0x7F800000, v40;
	v40 =	vadd.f32 v46, v43;
	v44 =	vsel vm2, v41, v31  }
0xfc: {  	v31 =	vsel vm2, v31, v41;
	v41 =	vand.u32 $0xFFFFF800, v42;
	vm1 =	vgt.s32 v44, v45;
	[tilespmem:s28+$0xFFFFFFF0] =	vst v45  }
0xfd: {  	v39 =	vor.u32 v39, v41;
	v40 =	vand.u32 $0xFFFFF800, v40;
	v42 =	vsel vm1, v45, v44  }
0xfe: {  	vm2 =	vlt.s32 v38, v31;
	v39 =	vsel vm0, $0x7F800000, v39;
	v40 =	vor.u32 v53, v40  }
0xff: {  	s0 =	sadd.s32 $0xFFFFFFE0, s30;
	v31 =	vsel vm2, v38, v31;
	vm0 =	vgt.s32 v42, v39;
	v38 =	vsel vm3, $0x7F800000, v40;
	[tilespmem:s28+$0x0] =	vst v39  }
0x100: {  	s1 =	sadd.s32 $0xFFFFFFF0, s30;
	v41 =	vsel vm0, v39, v42;
	v42 =	vsel vm0, v42, v39;
	[tilespmem:s28+$0x10] =	vst v38;
	s28 =	smov.u32 s22  }
0x101: {  	v40 =	vor.u32 s0, v9;
	v39 =	vor.u32 s1, v9;
	v43 =	vld [tilespmem:s26+$0xFFFFFFC0]  }
0x102: {  	v44 =	vsel vm1, v44, v45;
	vm2 =	vgt.s32 v41, v38;
	vm0 =	veq.s32 v39, v24;
	s26 =	sadd.s32 $0x1, s26;
	v46 =	vld [tilespmem:s29+$0xFFFFFFE0]  }
0x103: {  	vm3 =	vlt.s32 v31, v44;
	vm1 =	veq.s32 v40, v24;
	v47 =	vsel vm2, v41, v38;
	v45 =	vld [tilespmem:s29+$0x0];
	s29 =	smov.u32 s26  }
0x104: {  	v44 =	vsel vm3, v31, v44;
	v31 =	vsel vm2, v38, v41  }
0x105: {  	vm2 =	vlt.s32 v44, v42  }
.Ltmp2:
0x106: {  	v38 =	vsel vm2, v44, v42;
	(v2sf) =	vpush v43, $0x0;
	(pc) =	sbr.rel @p0 .LBB2_4-.Ltmp2, $4  }
0x107: {  	vm2 =	vlt.s32 v38, v47;
	(v2sf) =	vpush v46, $0x0  }
0x108: {  	v38 =	vsel vm2, v38, v47;
	(v2sf) =	vpush v45, $0x0  }
0x109: {  	s0 =	sadd.s32 $0xFFFFFFD0, s30  }
0x10a: {  	v41 =	vor.u32 s0, v9  }
0x10b: {  	_ =	sdelay $0x9  }
0x10c: {  	s0 =	spop (v2sf)  }
0x10d: {  	s0 =	ssub.f32 s24, s0  }
0x10e: {  	s1 =	spop (v2sf)  }
0x10f: {  	s1 =	ssub.f32 s25, s1;
	v42 =	vmov s0  }
0x110: {  	s5 =	spop (v2sf);
	v44 =	vsub.f32 v29, v42  }
0x111: {  	s5 =	ssub.f32 s23, s5;
	v43 =	vmov s1;
	v45 =	vsub.f32 v30, v42;
	v46 =	vsub.f32 v34, v42  }
0x112: {  	v42 =	vsub.f32 v25, v42;
	v47 =	vsub.f32 v36, v43  }
0x113: {  	v48 =	vmov s5;
	v50 =	vsub.f32 v28, v43;
	v53 =	vsub.f32 v26, v43  }
0x114: {  	vm2 =	veq.s32 v41, v24;
	v43 =	vsub.f32 v27, v43;
	v49 =	vsub.f32 v32, v48  }
0x115: {  	v44 =	vmul.f32 v44, v44;
	v51 =	vsub.f32 v35, v48;
	v46 =	vmul.f32 v46, v46  }
0x116: {  	v52 =	vsub.f32 v37, v48;
	v45 =	vmul.f32 v45, v45;
	v47 =	vmul.f32 v47, v47  }
0x117: {  	v42 =	vmul.f32 v42, v42;
	v48 =	vsub.f32 v33, v48;
	v50 =	vmul.f32 v50, v50  }
0x118: {  	v62 =	vmul.f32 v53, v53;
	v49 =	vmul.f32 v49, v49;
	v46 =	vadd.f32 v47, v46  }
0x119: {  	v43 =	vmul.f32 v43, v43;
	v51 =	vmul.f32 v51, v51;
	v44 =	vadd.f32 v50, v44  }
0x11a: {  	v63 =	vmul.f32 v52, v52;
	v42 =	vadd.f32 v62, v42;
	v46 =	vadd.f32 v49, v46  }
0x11b: {  	v50 =	vmul.f32 v48, v48;
	v43 =	vadd.f32 v43, v45;
	v44 =	vadd.f32 v51, v44  }
0x11c: {  	v51 =	vor.u32 s30, v9;
	v42 =	vadd.f32 v63, v42;
	v46 =	vand.u32 $0xFFFFF800, v46  }
0x11d: {  	v43 =	vadd.f32 v50, v43;
	v44 =	vand.u32 $0xFFFFF800, v44;
	v52 =	vor.u32 v41, v46  }
0x11e: {  	v42 =	vand.u32 $0xFFFFF800, v42;
	v40 =	vor.u32 v40, v44;
	v41 =	vsel vm2, $0x7F800000, v52  }
0x11f: {  	v53 =	vand.u32 $0xFFFFF800, v43;
	v39 =	vor.u32 v39, v42;
	v40 =	vsel vm1, $0x7F800000, v40;
	[tilespmem:s28+$0xFFFFFFE0] =	vst v41  }
0x120: {  	v42 =	vor.u32 v51, v53;
	vm1 =	veq.s32 v51, v24;
	v39 =	vsel vm0, $0x7F800000, v39;
	[tilespmem:s28+$0xFFFFFFF0] =	vst v40  }
0x121: {  	[tilespmem:s28+$0x0] =	vst v39;
	v42 =	vsel vm1, $0x7F800000, v42  }
0x122: {  	[tilespmem:s28+$0x10] =	vst v42  }
0x123: {  	v54 =	vld [tilespmem:s26+$0xFFFFFFC0];
	_ =	sdelay $0x1  }
0x124: {  	v55 =	vld [tilespmem:s29+$0xFFFFFFE0];
	_ =	sdelay $0x1  }
0x125: {  	v56 =	vld [tilespmem:s29+$0x0]  }
0x126: {  	(v2sf) =	vpush v54, $0x0;
	_ =	sdelay $0x1  }
0x127: {  	(v2sf) =	vpush v55, $0x0;
	_ =	sdelay $0x1  }
0x128: {  	(v2sf) =	vpush v56, $0x0;
	_ =	sdelay $0x6  }
0x129: {  	vm0 =	vgt.s32 v31, v41  }
0x12a: {  	v43 =	vsel vm0, v41, v31  }
0x12b: {  	vm1 =	vgt.s32 v43, v40  }
0x12c: {  	v44 =	vsel vm1, v40, v43  }
0x12d: {  	s29 =	sadd.s32 $0xFFFFFFD0, s21;
	vm2 =	vgt.s32 v44, v39;
	s17 =	spop (v2sf)  }
0x12e: {  	s26 =	sadd.s32 $0xFFFFFFE0, s21;
	v62 =	vor.u32 s29, v9;
	v48 =	vsel vm2, v39, v44;
	s0 =	ssub.f32 s24, s17  }
0x12f: {  	v61 =	vor.u32 s26, v9;
	vm5 =	veq.s32 v62, v24;
	vm3 =	vgt.s32 v48, v42;
	s24 =	spop (v2sf)  }
0x130: {  	vm6 =	veq.s32 v61, v24;
	v50 =	vsel vm3, v42, v48;
	s1 =	ssub.f32 s25, s24;
	s25 =	sadd.s32 $0xFFFFFFF0, s21;
	v57 =	vmov s0  }
0x131: {  	s28 =	spop (v2sf);
	v47 =	vor.u32 s25, v9;
	v59 =	vsub.f32 v34, v57;
	v29 =	vsub.f32 v29, v57  }
0x132: {  	s0 =	ssub.f32 s23, s28;
	v58 =	vmov s1;
	v30 =	vsub.f32 v30, v57;
	v25 =	vsub.f32 v25, v57  }
0x133: {  	vm4 =	veq.s32 v47, v24;
	v60 =	vsub.f32 v36, v58;
	v28 =	vsub.f32 v28, v58  }
0x134: {  	v63 =	vmov s0;
	v26 =	vsub.f32 v26, v58;
	v27 =	vsub.f32 v27, v58  }
0x135: {  	v34 =	vmul.f32 v59, v59;
	v53 =	vsub.f32 v32, v63;
	v36 =	vmul.f32 v60, v60  }
0x136: {  	v29 =	vmul.f32 v29, v29;
	v54 =	vsub.f32 v35, v63;
	v30 =	vmul.f32 v30, v30  }
0x137: {  	v28 =	vmul.f32 v28, v28;
	v32 =	vmul.f32 v53, v53;
	v34 =	vadd.f32 v36, v34  }
0x138: {  	v55 =	vsub.f32 v37, v63;
	v25 =	vmul.f32 v25, v25;
	v26 =	vmul.f32 v26, v26  }
0x139: {  	v35 =	vmul.f32 v54, v54;
	v28 =	vadd.f32 v28, v29;
	v29 =	vadd.f32 v32, v34  }
0x13a: {  	v57 =	vsub.f32 v33, v63;
	v27 =	vmul.f32 v27, v27;
	v56 =	vmul.f32 v55, v55  }
0x13b: {  	v25 =	vadd.f32 v26, v25;
	v28 =	vadd.f32 v35, v28;
	v29 =	vand.u32 $0xFFFFF800, v29  }
0x13c: {  	v26 =	vmul.f32 v57, v57;
	v27 =	vadd.f32 v27, v30;
	v29 =	vor.u32 v62, v29  }
0x13d: {  	v25 =	vadd.f32 v56, v25;
	v28 =	vand.u32 $0xFFFFF800, v28;
	v58 =	vsel vm5, $0x7F800000, v29  }
0x13e: {  	v26 =	vadd.f32 v26, v27;
	v28 =	vor.u32 v61, v28;
	vm5 =	vgt.s32 v50, v58  }
0x13f: {  	v25 =	vand.u32 $0xFFFFF800, v25;
	v30 =	vsel vm6, $0x7F800000, v28;
	v29 =	vsel vm5, v58, v50  }
0x140: {  	v27 =	vor.u32 s21, v9;
	v25 =	vor.u32 v47, v25;
	vm6 =	vgt.s32 v29, v30  }
0x141: {  	v26 =	vand.u32 $0xFFFFF800, v26;
	v59 =	vsel vm4, $0x7F800000, v25;
	v28 =	vsel vm6, v30, v29  }
0x142: {  	vm15 =	veq.s32 v27, v24;
	v24 =	vor.u32 v27, v26;
	vm7 =	vgt.s32 v28, v59  }
0x143: {  	v24 =	vsel vm15, $0x7F800000, v24;
	v26 =	vsel vm7, v59, v28  }
0x144: {  	vm4 =	vgt.s32 v26, v24  }
0x145: {  	v25 =	vsel vm4, v24, v26  }
0x146: {  	(xrf1) =	vsort.ascd.msk.u32 $0xffff, v25, v25;
	_ =	sdelay $0xd  }
0x147: {  	v27, _, _ =	vpop (xrf1)  }
0x148: {  	(v2sf) =	vpush v27, $0x0  }
0x149: {  	v31 =	vsel vm0, v31, v41  }
0x14a: {  	vm0 =	vlt.s32 v38, v31  }
0x14b: {  	v31 =	vsel vm0, v38, v31;
	v60 =	vsel vm1, v43, v40  }
0x14c: {  	vm0 =	vlt.s32 v31, v60  }
0x14d: {  	v31 =	vsel vm0, v31, v60;
	v61 =	vsel vm2, v44, v39  }
0x14e: {  	vm0 =	vlt.s32 v31, v61  }
0x14f: {  	v62 =	vsel vm3, v48, v42;
	v31 =	vsel vm0, v31, v61  }
0x150: {  	vm0 =	vlt.s32 v31, v62  }
0x151: {  	v63 =	vsel vm5, v50, v58;
	v31 =	vsel vm0, v31, v62  }
0x152: {  	vm0 =	vlt.s32 v31, v63  }
0x153: {  	v29 =	vsel vm6, v29, v30;
	v31 =	vsel vm0, v31, v63  }
0x154: {  	vm0 =	vlt.s32 v31, v29  }
0x155: {  	v28 =	vsel vm7, v28, v59;
	v29 =	vsel vm0, v31, v29  }
0x156: {  	vm0 =	vlt.s32 v29, v28  }
0x157: {  	v26 =	vsel vm4, v26, v24;
	v28 =	vsel vm0, v29, v28;
	s21 =	spop (v2sf)  }
0x158: {  	vm0 =	vlt.s32 v28, v26;
	s23 =	sand.u32 $0xF, s21  }
0x159: {  	v26 =	vsel vm0, v28, v26;
	v28 =	vmov s23  }
0x15a: {  	v29 =	vperm.xlane v26, v28;
	_ =	sdelay $0x1  }
0x15b: {  	(v2sf) =	vpush v29, $0x0;
	_ =	sdelay $0xe  }
0x15c: {  	s31 =	spop (v2sf)  }
0x15d: {  	p0 =	sne.s32 s31, $0x7F800000  }
.Ltmp3:
0x15e: {  	s30 =	sadd.s32 $0x40, s22;
	(pc) =	sbr.rel @p0 .LBB2_6-.Ltmp3, $4  }
0x15f: {  	[tilespmem:s30+$0xFFFFFFE0] =	vst v58  }
0x160: {  	[tilespmem:s30+$0xFFFFFFF0] =	vst v30  }
0x161: {  	[tilespmem:s30+$0x10] =	vst v24;
	v24 =	vmul.u32 $0x10, v9  }
0x162: {  	[tilespmem:s30+$0x0] =	vst v59;
	vm0 =	veq.s32 v28, v9  }
0x163: {  	v28 =	vor.u32 v24, v28;
	s0 =	sor.u32 $0x100, s23  }
0x164: {  	v29 =	vor.u32 s0, v24  }
0x165: {  	s26 =	sor.u32 $0x200, s23  }
0x166: {  	v30 =	vor.u32 s26, v24  }
0x167: {  	s28 =	sor.u32 $0x300, s23  }
0x168: {  	v31 =	vor.u32 s28, v24;
	v28 =	vld.idx.msk [tilespmem:v28+s15+$0x0], $0xffff  }
0x169: {  	s29 =	sor.u32 $0x400, s23;
	v29 =	vld.idx.msk [tilespmem:v29+s15+$0x0], $0xffff  }
0x16a: {  	v32 =	vor.u32 s29, v24  }
0x16b: {  	s30 =	sor.u32 $0x500, s23;
	v30 =	vld.idx.msk [tilespmem:v30+s15+$0x0], $0xffff  }
0x16c: {  	v27 =	vbroadcast v27, $0x0;
	s31 =	sor.u32 $0x600, s23;
	v33 =	vor.u32 s30, v24  }
0x16d: {  	v34 =	vor.u32 s31, v24;
	v31 =	vld.idx.msk [tilespmem:v31+s15+$0x0], $0xffff;
	vm2 =	vlt.s32 v28, $0x7F800000  }
0x16e: {  	vm1 =	vgt.s32 v28, v27;
	v28 =	vnsel vm2, $0x7F800000, v28;
	vm13 =	vgt.s32 v29, v27  }
0x16f: {  	v32 =	vld.idx.msk [tilespmem:v32+s15+$0x0], $0xffff;
	v28 =	vnsel vm1, $0x7F800000, v28;
	v29 =	vnsel vm13, $0x7F800000, v29  }
0x170: {  	vm14 =	vgt.s32 v30, v27;
	vm1 =	vgt.s32 v28, v29  }
0x171: {  	v33 =	vld.idx.msk [tilespmem:v33+s15+$0x0], $0xffff;
	v30 =	vnsel vm14, $0x7F800000, v30;
	v35 =	vsel vm1, v29, v28  }
0x172: {  	vm3 =	vgt.s32 v31, v27;
	vm2 =	vgt.s32 v35, v30  }
0x173: {  	v34 =	vld.idx.msk [tilespmem:v34+s15+$0x0], $0xffff;
	v31 =	vnsel vm3, $0x7F800000, v31;
	v36 =	vsel vm2, v30, v35  }
0x174: {  	vm4 =	vgt.s32 v32, v27;
	vm3 =	vgt.s32 v36, v31  }
0x175: {  	v32 =	vnsel vm4, $0x7F800000, v32;
	v37 =	vsel vm3, v31, v36  }
0x176: {  	vm5 =	vgt.s32 v33, v27;
	vm4 =	vgt.s32 v37, v32  }
0x177: {  	v33 =	vnsel vm5, $0x7F800000, v33;
	v38 =	vsel vm4, v32, v37  }
0x178: {  	vm6 =	vgt.s32 v34, v27;
	vm5 =	vgt.s32 v38, v33  }
0x179: {  	v34 =	vnsel vm6, $0x7F800000, v34;
	v27 =	vsel vm5, v33, v38  }
0x17a: {  	vm6 =	vgt.s32 v27, v34  }
0x17b: {  	v39 =	vsel vm6, v34, v27  }
0x17c: {  	(xrf1) =	vsort.ascd.msk.u32 $0xffff, v39, v39;
	_ =	sdelay $0x4  }
0x17d: {  	v28 =	vsel vm1, v28, v29;
	v58 =	vsel vm2, v35, v30  }
0x17e: {  	vm1 =	vlt.s32 v28, v58  }
0x17f: {  	v28 =	vsel vm1, v28, v58;
	v59 =	vsel vm3, v36, v31  }
0x180: {  	vm1 =	vlt.s32 v28, v59  }
0x181: {  	v28 =	vsel vm1, v28, v59;
	v60 =	vsel vm4, v37, v32  }
0x182: {  	vm1 =	vlt.s32 v28, v60  }
0x183: {  	v28 =	vsel vm1, v28, v60;
	v61 =	vsel vm5, v38, v33  }
0x184: {  	vm1 =	vlt.s32 v28, v61  }
0x185: {  	v28 =	vsel vm1, v28, v61;
	v27 =	vsel vm6, v27, v34  }
0x186: {  	vm1 =	vlt.s32 v28, v27;
	v62, _, _ =	vpop (xrf1)  }
0x187: {  	v27 =	vsel vm1, v28, v27;
	v63 =	vbroadcast v62, $0x0  }
0x188: {  	vm1 =	vlt.s32 v27, $0x7F800000  }
0x189: {  	v27 =	vnsel vm1, $0x7F800000, v27;
	vm15 =	veq.s32 v39, v63  }
0x18a: {  	v27 =	vsel vm15, v27, v39  }
0x18b: {  	(xrf1) =	vsort.ascd.msk.u32 $0xffff, v27, v27;
	_ =	sdelay $0xc  }
.Ltmp4:
0x18c: {  	_ = 	snop;
	(pc) =	sbr.rel .LBB2_8-.Ltmp4, $3  }
0x18d: {  	v27, _, _ =	vpop (xrf1)  }
0x18e: {  	v27 =	vbroadcast v27, $0x0;
	_ =	sdelay $0x1  }
0x18f: {  	v25 =	vsel vm0, v63, v25;
	v26 =	vsel vm0, v27, v26  }
.LBB2_6:
0x190: {  	v25 =	vsel vm0, v29, v25;
	v26 =	vsel vm0, $0x7F800000, v26  }
.LBB2_8:
0x191: {  	(xrf1) =	vsort.ascd.msk.u32 $0xffff, v25, v25;
	_ =	sdelay $0xd  }
0x192: {  	v27, _, _ =	vpop (xrf1)  }
0x193: {  	(v2sf) =	vpush v27, $0x0;
	_ =	sdelay $0xe  }
0x194: {  	s22 =	spop (v2sf)  }
0x195: {  	s23 =	sand.u32 $0xF, s22  }
0x196: {  	v28 =	vmov s23  }
0x197: {  	v29 =	vperm.xlane v26, v28;
	_ =	sdelay $0x1  }
0x198: {  	(v2sf) =	vpush v29, $0x0;
	_ =	sdelay $0xe  }
0x199: {  	s0 =	spop (v2sf)  }
0x19a: {  	p0 =	sne.s32 s0, $0x7F800000  }
.Ltmp5:
0x19b: {  	_ = 	snop;
	(pc) =	sbr.rel @p0 .LBB2_9-.Ltmp5, $2  }
0x19c: {  	_ =	sdelay $0x2  }
0x19d: {  	vm0 =	veq.s32 v28, v9  }
0x19e: {  	v28 =	vor.u32 v24, v28;
	s0 =	sor.u32 $0x100, s23  }
0x19f: {  	v29 =	vor.u32 s0, v24  }
0x1a0: {  	s26 =	sor.u32 $0x200, s23  }
0x1a1: {  	v30 =	vor.u32 s26, v24  }
0x1a2: {  	s28 =	sor.u32 $0x300, s23  }
0x1a3: {  	v31 =	vor.u32 s28, v24;
	v28 =	vld.idx.msk [tilespmem:v28+s15+$0x0], $0xffff  }
0x1a4: {  	s29 =	sor.u32 $0x400, s23;
	v29 =	vld.idx.msk [tilespmem:v29+s15+$0x0], $0xffff  }
0x1a5: {  	v32 =	vor.u32 s29, v24  }
0x1a6: {  	s30 =	sor.u32 $0x500, s23;
	v30 =	vld.idx.msk [tilespmem:v30+s15+$0x0], $0xffff  }
0x1a7: {  	v27 =	vbroadcast v27, $0x0;
	s31 =	sor.u32 $0x600, s23;
	v33 =	vor.u32 s30, v24  }
0x1a8: {  	v34 =	vor.u32 s31, v24;
	v31 =	vld.idx.msk [tilespmem:v31+s15+$0x0], $0xffff;
	vm2 =	vlt.s32 v28, $0x7F800000  }
0x1a9: {  	vm1 =	vgt.s32 v28, v27;
	v28 =	vnsel vm2, $0x7F800000, v28;
	vm13 =	vgt.s32 v29, v27  }
0x1aa: {  	v32 =	vld.idx.msk [tilespmem:v32+s15+$0x0], $0xffff;
	v28 =	vnsel vm1, $0x7F800000, v28;
	v29 =	vnsel vm13, $0x7F800000, v29  }
0x1ab: {  	vm14 =	vgt.s32 v30, v27;
	vm1 =	vgt.s32 v28, v29  }
0x1ac: {  	v33 =	vld.idx.msk [tilespmem:v33+s15+$0x0], $0xffff;
	v30 =	vnsel vm14, $0x7F800000, v30;
	v35 =	vsel vm1, v29, v28  }
0x1ad: {  	vm3 =	vgt.s32 v31, v27;
	vm2 =	vgt.s32 v35, v30  }
0x1ae: {  	v34 =	vld.idx.msk [tilespmem:v34+s15+$0x0], $0xffff;
	v31 =	vnsel vm3, $0x7F800000, v31;
	v36 =	vsel vm2, v30, v35  }
0x1af: {  	vm4 =	vgt.s32 v32, v27;
	vm3 =	vgt.s32 v36, v31  }
0x1b0: {  	v32 =	vnsel vm4, $0x7F800000, v32;
	v37 =	vsel vm3, v31, v36  }
0x1b1: {  	vm5 =	vgt.s32 v33, v27;
	vm4 =	vgt.s32 v37, v32  }
0x1b2: {  	v33 =	vnsel vm5, $0x7F800000, v33;
	v38 =	vsel vm4, v32, v37  }
0x1b3: {  	vm6 =	vgt.s32 v34, v27;
	vm5 =	vgt.s32 v38, v33  }
0x1b4: {  	v34 =	vnsel vm6, $0x7F800000, v34;
	v27 =	vsel vm5, v33, v38  }
0x1b5: {  	vm6 =	vgt.s32 v27, v34  }
0x1b6: {  	v39 =	vsel vm6, v34, v27  }
0x1b7: {  	(xrf1) =	vsort.ascd.msk.u32 $0xffff, v39, v39;
	_ =	sdelay $0x4  }
0x1b8: {  	v28 =	vsel vm1, v28, v29;
	v58 =	vsel vm2, v35, v30  }
0x1b9: {  	vm1 =	vlt.s32 v28, v58  }
0x1ba: {  	v28 =	vsel vm1, v28, v58;
	v59 =	vsel vm3, v36, v31  }
0x1bb: {  	vm1 =	vlt.s32 v28, v59  }
0x1bc: {  	v28 =	vsel vm1, v28, v59;
	v60 =	vsel vm4, v37, v32  }
0x1bd: {  	vm1 =	vlt.s32 v28, v60  }
0x1be: {  	v28 =	vsel vm1, v28, v60;
	v61 =	vsel vm5, v38, v33  }
0x1bf: {  	vm1 =	vlt.s32 v28, v61  }
0x1c0: {  	v28 =	vsel vm1, v28, v61;
	v27 =	vsel vm6, v27, v34  }
0x1c1: {  	vm1 =	vlt.s32 v28, v27;
	v62, _, _ =	vpop (xrf1)  }
0x1c2: {  	v27 =	vsel vm1, v28, v27;
	v63 =	vbroadcast v62, $0x0  }
0x1c3: {  	vm1 =	vlt.s32 v27, $0x7F800000  }
0x1c4: {  	v27 =	vnsel vm1, $0x7F800000, v27;
	vm15 =	veq.s32 v39, v63  }
0x1c5: {  	v27 =	vsel vm15, v27, v39  }
0x1c6: {  	(xrf1) =	vsort.ascd.msk.u32 $0xffff, v27, v27;
	_ =	sdelay $0xc  }
.Ltmp6:
0x1c7: {  	_ = 	snop;
	(pc) =	sbr.rel .LBB2_11-.Ltmp6, $3  }
0x1c8: {  	v27, _, _ =	vpop (xrf1)  }
0x1c9: {  	v27 =	vbroadcast v27, $0x0;
	_ =	sdelay $0x1  }
0x1ca: {  	v25 =	vsel vm0, v63, v25;
	v26 =	vsel vm0, v27, v26  }
.LBB2_9:
0x1cb: {  	v25 =	vsel vm0, v29, v25;
	v26 =	vsel vm0, $0x7F800000, v26  }
.LBB2_11:
0x1cc: {  	(xrf1) =	vsort.ascd.msk.u32 $0xffff, v25, v25;
	_ =	sdelay $0xd  }
0x1cd: {  	v27, _, _ =	vpop (xrf1)  }
0x1ce: {  	(v2sf) =	vpush v27, $0x0;
	_ =	sdelay $0xe  }
0x1cf: {  	s23 =	spop (v2sf)  }
0x1d0: {  	s24 =	sand.u32 $0xF, s23  }
0x1d1: {  	v28 =	vmov s24  }
0x1d2: {  	v29 =	vperm.xlane v26, v28;
	_ =	sdelay $0x1  }
0x1d3: {  	(v2sf) =	vpush v29, $0x0;
	_ =	sdelay $0xe  }
0x1d4: {  	s0 =	spop (v2sf)  }
0x1d5: {  	p0 =	sne.s32 s0, $0x7F800000  }
.Ltmp7:
0x1d6: {  	_ = 	snop;
	(pc) =	sbr.rel @p0 .LBB2_12-.Ltmp7, $2  }
0x1d7: {  	_ =	sdelay $0x2  }
0x1d8: {  	vm0 =	veq.s32 v28, v9  }
0x1d9: {  	v28 =	vor.u32 v24, v28;
	s0 =	sor.u32 $0x100, s24  }
0x1da: {  	v29 =	vor.u32 s0, v24  }
0x1db: {  	s26 =	sor.u32 $0x200, s24  }
0x1dc: {  	v30 =	vor.u32 s26, v24  }
0x1dd: {  	s28 =	sor.u32 $0x300, s24  }
0x1de: {  	v31 =	vor.u32 s28, v24;
	v28 =	vld.idx.msk [tilespmem:v28+s15+$0x0], $0xffff  }
0x1df: {  	s29 =	sor.u32 $0x400, s24;
	v29 =	vld.idx.msk [tilespmem:v29+s15+$0x0], $0xffff  }
0x1e0: {  	v32 =	vor.u32 s29, v24  }
0x1e1: {  	s30 =	sor.u32 $0x500, s24;
	v30 =	vld.idx.msk [tilespmem:v30+s15+$0x0], $0xffff  }
0x1e2: {  	v27 =	vbroadcast v27, $0x0;
	s31 =	sor.u32 $0x600, s24;
	v33 =	vor.u32 s30, v24  }
0x1e3: {  	v34 =	vor.u32 s31, v24;
	v31 =	vld.idx.msk [tilespmem:v31+s15+$0x0], $0xffff;
	vm2 =	vlt.s32 v28, $0x7F800000  }
0x1e4: {  	vm1 =	vgt.s32 v28, v27;
	v28 =	vnsel vm2, $0x7F800000, v28;
	vm13 =	vgt.s32 v29, v27  }
0x1e5: {  	v32 =	vld.idx.msk [tilespmem:v32+s15+$0x0], $0xffff;
	v28 =	vnsel vm1, $0x7F800000, v28;
	v29 =	vnsel vm13, $0x7F800000, v29  }
0x1e6: {  	vm14 =	vgt.s32 v30, v27;
	vm1 =	vgt.s32 v28, v29  }
0x1e7: {  	v33 =	vld.idx.msk [tilespmem:v33+s15+$0x0], $0xffff;
	v30 =	vnsel vm14, $0x7F800000, v30;
	v35 =	vsel vm1, v29, v28  }
0x1e8: {  	vm3 =	vgt.s32 v31, v27;
	vm2 =	vgt.s32 v35, v30  }
0x1e9: {  	v34 =	vld.idx.msk [tilespmem:v34+s15+$0x0], $0xffff;
	v31 =	vnsel vm3, $0x7F800000, v31;
	v36 =	vsel vm2, v30, v35  }
0x1ea: {  	vm4 =	vgt.s32 v32, v27;
	vm3 =	vgt.s32 v36, v31  }
0x1eb: {  	v32 =	vnsel vm4, $0x7F800000, v32;
	v37 =	vsel vm3, v31, v36  }
0x1ec: {  	vm5 =	vgt.s32 v33, v27;
	vm4 =	vgt.s32 v37, v32  }
0x1ed: {  	v33 =	vnsel vm5, $0x7F800000, v33;
	v38 =	vsel vm4, v32, v37  }
0x1ee: {  	vm6 =	vgt.s32 v34, v27;
	vm5 =	vgt.s32 v38, v33  }
0x1ef: {  	v34 =	vnsel vm6, $0x7F800000, v34;
	v27 =	vsel vm5, v33, v38  }
0x1f0: {  	vm6 =	vgt.s32 v27, v34  }
0x1f1: {  	v39 =	vsel vm6, v34, v27  }
0x1f2: {  	(xrf1) =	vsort.ascd.msk.u32 $0xffff, v39, v39;
	_ =	sdelay $0x4  }
0x1f3: {  	v28 =	vsel vm1, v28, v29;
	v58 =	vsel vm2, v35, v30  }
0x1f4: {  	vm1 =	vlt.s32 v28, v58  }
0x1f5: {  	v28 =	vsel vm1, v28, v58;
	v59 =	vsel vm3, v36, v31  }
0x1f6: {  	vm1 =	vlt.s32 v28, v59  }
0x1f7: {  	v28 =	vsel vm1, v28, v59;
	v60 =	vsel vm4, v37, v32  }
0x1f8: {  	vm1 =	vlt.s32 v28, v60  }
0x1f9: {  	v28 =	vsel vm1, v28, v60;
	v61 =	vsel vm5, v38, v33  }
0x1fa: {  	vm1 =	vlt.s32 v28, v61  }
0x1fb: {  	v28 =	vsel vm1, v28, v61;
	v27 =	vsel vm6, v27, v34  }
0x1fc: {  	vm1 =	vlt.s32 v28, v27;
	v62, _, _ =	vpop (xrf1)  }
0x1fd: {  	v27 =	vsel vm1, v28, v27;
	v63 =	vbroadcast v62, $0x0  }
0x1fe: {  	vm1 =	vlt.s32 v27, $0x7F800000  }
0x1ff: {  	v27 =	vnsel vm1, $0x7F800000, v27;
	vm15 =	veq.s32 v39, v63  }
0x200: {  	v27 =	vsel vm15, v27, v39  }
0x201: {  	(xrf1) =	vsort.ascd.msk.u32 $0xffff, v27, v27;
	_ =	sdelay $0xc  }
.Ltmp8:
0x202: {  	_ = 	snop;
	(pc) =	sbr.rel .LBB2_14-.Ltmp8, $3  }
0x203: {  	v27, _, _ =	vpop (xrf1)  }
0x204: {  	v27 =	vbroadcast v27, $0x0;
	_ =	sdelay $0x1  }
0x205: {  	v25 =	vsel vm0, v63, v25;
	v26 =	vsel vm0, v27, v26  }
.LBB2_12:
0x206: {  	v25 =	vsel vm0, v29, v25;
	v26 =	vsel vm0, $0x7F800000, v26  }
.LBB2_14:
0x207: {  	(xrf1) =	vsort.ascd.msk.u32 $0xffff, v25, v25;
	_ =	sdelay $0xd  }
0x208: {  	v27, _, _ =	vpop (xrf1)  }
0x209: {  	(v2sf) =	vpush v27, $0x0;
	_ =	sdelay $0xe  }
0x20a: {  	s24 =	spop (v2sf)  }
0x20b: {  	s25 =	sand.u32 $0xF, s24  }
0x20c: {  	v28 =	vmov s25  }
0x20d: {  	v29 =	vperm.xlane v26, v28;
	_ =	sdelay $0x1  }
0x20e: {  	(v2sf) =	vpush v29, $0x0;
	_ =	sdelay $0xe  }
0x20f: {  	s0 =	spop (v2sf)  }
0x210: {  	p0 =	sne.s32 s0, $0x7F800000  }
.Ltmp9:
0x211: {  	_ = 	snop;
	(pc) =	sbr.rel @p0 .LBB2_15-.Ltmp9, $2  }
0x212: {  	_ =	sdelay $0x2  }
0x213: {  	vm0 =	veq.s32 v28, v9  }
0x214: {  	v28 =	vor.u32 v24, v28;
	s0 =	sor.u32 $0x100, s25  }
0x215: {  	v29 =	vor.u32 s0, v24  }
0x216: {  	s26 =	sor.u32 $0x200, s25  }
0x217: {  	v30 =	vor.u32 s26, v24  }
0x218: {  	s28 =	sor.u32 $0x300, s25  }
0x219: {  	v31 =	vor.u32 s28, v24;
	v28 =	vld.idx.msk [tilespmem:v28+s15+$0x0], $0xffff  }
0x21a: {  	s29 =	sor.u32 $0x400, s25;
	v29 =	vld.idx.msk [tilespmem:v29+s15+$0x0], $0xffff  }
0x21b: {  	v32 =	vor.u32 s29, v24  }
0x21c: {  	s30 =	sor.u32 $0x500, s25;
	v30 =	vld.idx.msk [tilespmem:v30+s15+$0x0], $0xffff  }
0x21d: {  	v27 =	vbroadcast v27, $0x0;
	s31 =	sor.u32 $0x600, s25;
	v33 =	vor.u32 s30, v24  }
0x21e: {  	v34 =	vor.u32 s31, v24;
	v31 =	vld.idx.msk [tilespmem:v31+s15+$0x0], $0xffff;
	vm2 =	vlt.s32 v28, $0x7F800000  }
0x21f: {  	vm1 =	vgt.s32 v28, v27;
	v28 =	vnsel vm2, $0x7F800000, v28;
	vm13 =	vgt.s32 v29, v27  }
0x220: {  	v32 =	vld.idx.msk [tilespmem:v32+s15+$0x0], $0xffff;
	v28 =	vnsel vm1, $0x7F800000, v28;
	v29 =	vnsel vm13, $0x7F800000, v29  }
0x221: {  	vm14 =	vgt.s32 v30, v27;
	vm1 =	vgt.s32 v28, v29  }
0x222: {  	v33 =	vld.idx.msk [tilespmem:v33+s15+$0x0], $0xffff;
	v30 =	vnsel vm14, $0x7F800000, v30;
	v35 =	vsel vm1, v29, v28  }
0x223: {  	vm3 =	vgt.s32 v31, v27;
	vm2 =	vgt.s32 v35, v30  }
0x224: {  	v34 =	vld.idx.msk [tilespmem:v34+s15+$0x0], $0xffff;
	v31 =	vnsel vm3, $0x7F800000, v31;
	v36 =	vsel vm2, v30, v35  }
0x225: {  	vm4 =	vgt.s32 v32, v27;
	vm3 =	vgt.s32 v36, v31  }
0x226: {  	v32 =	vnsel vm4, $0x7F800000, v32;
	v37 =	vsel vm3, v31, v36  }
0x227: {  	vm5 =	vgt.s32 v33, v27;
	vm4 =	vgt.s32 v37, v32  }
0x228: {  	v33 =	vnsel vm5, $0x7F800000, v33;
	v38 =	vsel vm4, v32, v37  }
0x229: {  	vm6 =	vgt.s32 v34, v27;
	vm5 =	vgt.s32 v38, v33  }
0x22a: {  	v34 =	vnsel vm6, $0x7F800000, v34;
	v27 =	vsel vm5, v33, v38  }
0x22b: {  	vm6 =	vgt.s32 v27, v34  }
0x22c: {  	v39 =	vsel vm6, v34, v27  }
0x22d: {  	(xrf1) =	vsort.ascd.msk.u32 $0xffff, v39, v39;
	_ =	sdelay $0x4  }
0x22e: {  	v28 =	vsel vm1, v28, v29;
	v58 =	vsel vm2, v35, v30  }
0x22f: {  	vm1 =	vlt.s32 v28, v58  }
0x230: {  	v28 =	vsel vm1, v28, v58;
	v59 =	vsel vm3, v36, v31  }
0x231: {  	vm1 =	vlt.s32 v28, v59  }
0x232: {  	v28 =	vsel vm1, v28, v59;
	v60 =	vsel vm4, v37, v32  }
0x233: {  	vm1 =	vlt.s32 v28, v60  }
0x234: {  	v28 =	vsel vm1, v28, v60;
	v61 =	vsel vm5, v38, v33  }
0x235: {  	vm1 =	vlt.s32 v28, v61  }
0x236: {  	v28 =	vsel vm1, v28, v61;
	v27 =	vsel vm6, v27, v34  }
0x237: {  	vm1 =	vlt.s32 v28, v27;
	v62, _, _ =	vpop (xrf1)  }
0x238: {  	v27 =	vsel vm1, v28, v27;
	v63 =	vbroadcast v62, $0x0  }
0x239: {  	vm1 =	vlt.s32 v27, $0x7F800000  }
0x23a: {  	v27 =	vnsel vm1, $0x7F800000, v27;
	vm15 =	veq.s32 v39, v63  }
0x23b: {  	v27 =	vsel vm15, v27, v39  }
0x23c: {  	(xrf1) =	vsort.ascd.msk.u32 $0xffff, v27, v27;
	_ =	sdelay $0xc  }
.Ltmp10:
0x23d: {  	_ = 	snop;
	(pc) =	sbr.rel .LBB2_17-.Ltmp10, $3  }
0x23e: {  	v27, _, _ =	vpop (xrf1)  }
0x23f: {  	v27 =	vbroadcast v27, $0x0;
	_ =	sdelay $0x1  }
0x240: {  	v25 =	vsel vm0, v63, v25;
	v26 =	vsel vm0, v27, v26  }
.LBB2_15:
0x241: {  	v25 =	vsel vm0, v29, v25;
	v26 =	vsel vm0, $0x7F800000, v26  }
.LBB2_17:
0x242: {  	(xrf1) =	vsort.ascd.msk.u32 $0xffff, v25, v25;
	_ =	sdelay $0xd  }
0x243: {  	v27, _, _ =	vpop (xrf1)  }
0x244: {  	(v2sf) =	vpush v27, $0x0;
	_ =	sdelay $0xe  }
0x245: {  	s25 =	spop (v2sf)  }
0x246: {  	s26 =	sand.u32 $0xF, s25  }
0x247: {  	v28 =	vmov s26  }
0x248: {  	v29 =	vperm.xlane v26, v28;
	_ =	sdelay $0x1  }
0x249: {  	(v2sf) =	vpush v29, $0x0;
	_ =	sdelay $0xe  }
0x24a: {  	s0 =	spop (v2sf)  }
0x24b: {  	p0 =	sne.s32 s0, $0x7F800000  }
.Ltmp11:
0x24c: {  	_ = 	snop;
	(pc) =	sbr.rel @p0 .LBB2_18-.Ltmp11, $2  }
0x24d: {  	_ =	sdelay $0x2  }
0x24e: {  	vm0 =	veq.s32 v28, v9  }
0x24f: {  	v28 =	vor.u32 v24, v28;
	s0 =	sor.u32 $0x100, s26  }
0x250: {  	v29 =	vor.u32 s0, v24  }
0x251: {  	s17 =	sor.u32 $0x200, s26  }
0x252: {  	v30 =	vor.u32 s17, v24  }
0x253: {  	s28 =	sor.u32 $0x300, s26  }
0x254: {  	v31 =	vor.u32 s28, v24;
	v28 =	vld.idx.msk [tilespmem:v28+s15+$0x0], $0xffff  }
0x255: {  	s29 =	sor.u32 $0x400, s26;
	v29 =	vld.idx.msk [tilespmem:v29+s15+$0x0], $0xffff  }
0x256: {  	v32 =	vor.u32 s29, v24  }
0x257: {  	s30 =	sor.u32 $0x500, s26;
	v30 =	vld.idx.msk [tilespmem:v30+s15+$0x0], $0xffff  }
0x258: {  	v27 =	vbroadcast v27, $0x0;
	s31 =	sor.u32 $0x600, s26;
	v33 =	vor.u32 s30, v24  }
0x259: {  	v34 =	vor.u32 s31, v24;
	v31 =	vld.idx.msk [tilespmem:v31+s15+$0x0], $0xffff;
	vm2 =	vlt.s32 v28, $0x7F800000  }
0x25a: {  	vm1 =	vgt.s32 v28, v27;
	v28 =	vnsel vm2, $0x7F800000, v28;
	vm13 =	vgt.s32 v29, v27  }
0x25b: {  	v32 =	vld.idx.msk [tilespmem:v32+s15+$0x0], $0xffff;
	v28 =	vnsel vm1, $0x7F800000, v28;
	v29 =	vnsel vm13, $0x7F800000, v29  }
0x25c: {  	vm14 =	vgt.s32 v30, v27;
	vm1 =	vgt.s32 v28, v29  }
0x25d: {  	v33 =	vld.idx.msk [tilespmem:v33+s15+$0x0], $0xffff;
	v30 =	vnsel vm14, $0x7F800000, v30;
	v35 =	vsel vm1, v29, v28  }
0x25e: {  	vm3 =	vgt.s32 v31, v27;
	vm2 =	vgt.s32 v35, v30  }
0x25f: {  	v34 =	vld.idx.msk [tilespmem:v34+s15+$0x0], $0xffff;
	v31 =	vnsel vm3, $0x7F800000, v31;
	v36 =	vsel vm2, v30, v35  }
0x260: {  	vm4 =	vgt.s32 v32, v27;
	vm3 =	vgt.s32 v36, v31  }
0x261: {  	v32 =	vnsel vm4, $0x7F800000, v32;
	v37 =	vsel vm3, v31, v36  }
0x262: {  	vm5 =	vgt.s32 v33, v27;
	vm4 =	vgt.s32 v37, v32  }
0x263: {  	v33 =	vnsel vm5, $0x7F800000, v33;
	v38 =	vsel vm4, v32, v37  }
0x264: {  	vm6 =	vgt.s32 v34, v27;
	vm5 =	vgt.s32 v38, v33  }
0x265: {  	v34 =	vnsel vm6, $0x7F800000, v34;
	v27 =	vsel vm5, v33, v38  }
0x266: {  	vm6 =	vgt.s32 v27, v34  }
0x267: {  	v39 =	vsel vm6, v34, v27  }
0x268: {  	(xrf1) =	vsort.ascd.msk.u32 $0xffff, v39, v39;
	_ =	sdelay $0x4  }
0x269: {  	v28 =	vsel vm1, v28, v29;
	v58 =	vsel vm2, v35, v30  }
0x26a: {  	vm1 =	vlt.s32 v28, v58  }
0x26b: {  	v28 =	vsel vm1, v28, v58;
	v59 =	vsel vm3, v36, v31  }
0x26c: {  	vm1 =	vlt.s32 v28, v59  }
0x26d: {  	v28 =	vsel vm1, v28, v59;
	v60 =	vsel vm4, v37, v32  }
0x26e: {  	vm1 =	vlt.s32 v28, v60  }
0x26f: {  	v28 =	vsel vm1, v28, v60;
	v61 =	vsel vm5, v38, v33  }
0x270: {  	vm1 =	vlt.s32 v28, v61  }
0x271: {  	v28 =	vsel vm1, v28, v61;
	v27 =	vsel vm6, v27, v34  }
0x272: {  	vm1 =	vlt.s32 v28, v27;
	v62, _, _ =	vpop (xrf1)  }
0x273: {  	v27 =	vsel vm1, v28, v27;
	v63 =	vbroadcast v62, $0x0  }
0x274: {  	vm1 =	vlt.s32 v27, $0x7F800000  }
0x275: {  	v27 =	vnsel vm1, $0x7F800000, v27;
	vm15 =	veq.s32 v39, v63  }
0x276: {  	v27 =	vsel vm15, v27, v39  }
0x277: {  	(xrf1) =	vsort.ascd.msk.u32 $0xffff, v27, v27;
	_ =	sdelay $0xc  }
.Ltmp12:
0x278: {  	_ = 	snop;
	(pc) =	sbr.rel .LBB2_20-.Ltmp12, $3  }
0x279: {  	v27, _, _ =	vpop (xrf1)  }
0x27a: {  	v27 =	vbroadcast v27, $0x0;
	_ =	sdelay $0x1  }
0x27b: {  	v25 =	vsel vm0, v63, v25;
	v26 =	vsel vm0, v27, v26  }
.LBB2_18:
0x27c: {  	v25 =	vsel vm0, v29, v25;
	v26 =	vsel vm0, $0x7F800000, v26  }
.LBB2_20:
0x27d: {  	(xrf1) =	vsort.ascd.msk.u32 $0xffff, v25, v25;
	_ =	sdelay $0xd  }
0x27e: {  	v27, _, _ =	vpop (xrf1)  }
0x27f: {  	(v2sf) =	vpush v27, $0x0;
	_ =	sdelay $0xe  }
0x280: {  	s26 =	spop (v2sf)  }
0x281: {  	s28 =	sand.u32 $0xF, s26  }
0x282: {  	v28 =	vmov s28  }
0x283: {  	v29 =	vperm.xlane v26, v28;
	_ =	sdelay $0x1  }
0x284: {  	(v2sf) =	vpush v29, $0x0;
	_ =	sdelay $0xe  }
0x285: {  	s0 =	spop (v2sf)  }
0x286: {  	p0 =	sne.s32 s0, $0x7F800000  }
.Ltmp13:
0x287: {  	_ = 	snop;
	(pc) =	sbr.rel @!p0 .LBB2_22-.Ltmp13, $2  }
0x288: {  	_ =	sdelay $0x2  }
0x289: {  	vm0 =	veq.s32 v28, v9  }
.Ltmp14:
0x28a: {  	(pc) =	sbr.rel .LBB2_23-.Ltmp14, $2  }
0x28b: {  	_ =	sdelay $0x2  }
0x28c: {  	v24 =	vsel vm0, v29, v25;
	v25 =	vsel vm0, $0x7F800000, v26  }
.LBB2_24:
0x28d: {  	s21 =	simm.s32 $0xC80  }
0x28e: {  	v25 =	vld [tilespmem:s21+$0x0];
	_ =	sdelay $0x1  }
0x28f: {  	s20 =	simm.s32 $0x0;
	v23 =	vshrl.u32 v9, $0x3  }
0x290: {  	v26 =	vor.u32 s20, v23;
	v24 =	vor.u32 $0x40, v23  }
0x291: {  	v27 =	vor.u32 s20, v24  }
0x292: {  	v28 =	vand.u32 $0x3F, v25  }
0x293: {  	v25 =	vor.u32 $0x80, v23;
	v29 =	vor.u32 $0x40, v28  }
0x294: {  	v30 =	vor.u32 s20, v25  }
0x295: {  	v26 =	vld.idx.msk [tilespmem:v26+s16+$0x0], $0xffff;
	v31 =	vor.u32 $0x80, v28  }
0x296: {  	v27 =	vld.idx.msk [tilespmem:v27+s16+$0x0], $0xffff  }
0x297: {  	v28 =	vld.idx.msk [tilespmem:v28+s16+$0x0], $0xffff  }
0x298: {  	v29 =	vld.idx.msk [tilespmem:v29+s16+$0x0], $0xffff  }
0x299: {  	v30 =	vld.idx.msk [tilespmem:v30+s16+$0x0], $0xffff  }
0x29a: {  	v31 =	vld.idx.msk [tilespmem:v31+s16+$0x0], $0xffff;
	_ =	sdelay $0x1  }
0x29b: {  	v26 =	vsub.f32 v28, v26  }
0x29c: {  	v27 =	vsub.f32 v29, v27  }
0x29d: {  	v28 =	vmul.f32 v26, v16;
	v29 =	vmul.f32 v26, v20  }
0x29e: {  	v30 =	vsub.f32 v31, v30;
	v26 =	vmul.f32 v26, v14;
	v31 =	vmul.f32 v27, v15  }
0x29f: {  	v32 =	vmul.f32 v27, v17;
	v27 =	vmul.f32 v27, v21  }
0x2a0: {  	v33 =	vmul.f32 v30, v19;
	v26 =	vadd.f32 v31, v26;
	v31 =	vmul.f32 v30, v18  }
0x2a1: {  	s24 =	simm.s32 $0xE80;
	v32 =	vadd.f32 v32, v28;
	v29 =	vadd.f32 v27, v29;
	v30 =	vmul.f32 v30, v22  }
0x2a2: {  	s22 =	simm.s32 $0x1480;
	s25 =	simm.s32 $0x10;
	s26 =	simm.s32 $0xE90;
	v28 =	vadd.f32 v31, v26  }
0x2a3: {  	s28 =	simm.s32 $0x1490;
	s29 =	simm.s32 $0x0;
	s23 =	sand.u32 $0x1F0, s20;
	v27 =	vadd.f32 v33, v32;
	v26 =	vadd.f32 v30, v29  }
.LBB2_25:
0x2a4: {  	s0 =	sand.u32 $0x1F0, s25;
	[tilespmem:s24+$0x0] =	vst v28;
	s29 =	sadd.s32 $0x2, s29;
	s21 =	sadd.s32 $0x10, s21  }
0x2a5: {  	p0 =	sne.s32 s25, $0x1F0;
	s25 =	sadd.s32 $0x10, s25;
	s24 =	smov.u32 s26;
	[tilespmem:s23+$0x1080] =	vst v27  }
0x2a6: {  	[tilespmem:s23+$0x1280] =	vst v26;
	s23 =	smov.u32 s0  }
0x2a7: {  	[tilespmem:s22+$0x0] =	vst v11;
	s22 =	smov.u32 s28  }
0x2a8: {  	v26 =	vld [tilespmem:s21+$0x0];
	_ =	sdelay $0x2  }
0x2a9: {  	v27 =	vor.u32 s29, v23  }
0x2aa: {  	v28 =	vor.u32 s29, v24;
	v29 =	vor.u32 s29, v25  }
0x2ab: {  	v26 =	vand.u32 $0x3F, v26  }
0x2ac: {  	v30 =	vor.u32 $0x40, v26;
	v31 =	vor.u32 $0x80, v26;
	_ =	sdelay $0x1  }
0x2ad: {  	v27 =	vld.idx.msk [tilespmem:v27+s16+$0x0], $0xffff  }
0x2ae: {  	v28 =	vld.idx.msk [tilespmem:v28+s16+$0x0], $0xffff  }
0x2af: {  	v26 =	vld.idx.msk [tilespmem:v26+s16+$0x0], $0xffff  }
0x2b0: {  	v30 =	vld.idx.msk [tilespmem:v30+s16+$0x0], $0xffff  }
0x2b1: {  	v29 =	vld.idx.msk [tilespmem:v29+s16+$0x0], $0xffff  }
0x2b2: {  	v31 =	vld.idx.msk [tilespmem:v31+s16+$0x0], $0xffff;
	_ =	sdelay $0x2  }
0x2b3: {  	v26 =	vsub.f32 v26, v27  }
0x2b4: {  	v27 =	vsub.f32 v30, v28  }
0x2b5: {  	v28 =	vmul.f32 v26, v16;
	v30 =	vmul.f32 v26, v20  }
0x2b6: {  	v26 =	vmul.f32 v26, v14;
	v29 =	vsub.f32 v31, v29;
	v31 =	vmul.f32 v27, v15  }
.Ltmp15:
0x2b7: {  	v32 =	vmul.f32 v27, v17;
	v27 =	vmul.f32 v27, v21;
	(pc) =	sbr.rel @p0 .LBB2_25-.Ltmp15, $4  }
0x2b8: {  	v26 =	vadd.f32 v31, v26;
	v31 =	vmul.f32 v29, v18;
	v33 =	vmul.f32 v29, v19  }
0x2b9: {  	v32 =	vadd.f32 v32, v28;
	v30 =	vadd.f32 v27, v30;
	v29 =	vmul.f32 v29, v22  }
0x2ba: {  	v28 =	vadd.f32 v31, v26  }
0x2bb: {  	s26 =	sadd.s32 $0x10, s26;
	s28 =	sadd.s32 $0x10, s28;
	v27 =	vadd.f32 v33, v32;
	v26 =	vadd.f32 v29, v30  }
0x2bc: {  	[tilespmem:s24+$0x0] =	vst v28  }
0x2bd: {  	[tilespmem:s23+$0x1080] =	vst v27  }
0x2be: {  	[tilespmem:s23+$0x1280] =	vst v26  }
0x2bf: {  	[tilespmem:s22+$0x0] =	vst v11  }
.LBB2_27:
0x2c0: {  	v14 =	vld.msk [tilespmem:s20+$0x480 ss:$0x0], $0xffff  }
0x2c1: {  	v15 =	vld.msk [tilespmem:s20+$0x4A0 ss:$0x0], $0xffff;
	s0 =	simm.s32 $0x0;
	s1 =	simm.s32 $0xE80  }
0x2c2: {  	v17 =	vld [tilespmem:s1+$0x0];
	s0 =	sand.u32 $0x1F0, s0  }
0x2c3: {  	v18 =	vld [tilespmem:s0+$0x1080]  }
0x2c4: {  	v16 =	vld.msk [tilespmem:s20+$0x4C0 ss:$0x0], $0xffff  }
0x2c5: {  	v19 =	vld [tilespmem:s0+$0x1280];
	_ =	sdelay $0x2  }
0x2c6: {  	v17 =	vadd.f32 v17, v14;
	v18 =	vadd.f32 v18, v15;
	_ =	sdelay $0x1  }
0x2c7: {  	s21 =	simm.s32 $0x1480;
	v19 =	vadd.f32 v19, v16;
	v17 =	vmul.f32 v17, v17;
	v18 =	vmul.f32 v18, v18  }
0x2c8: {  	v20 =	vld [tilespmem:s21+$0x0]  }
0x2c9: {  	v17 =	vadd.f32 v18, v17;
	v18 =	vmul.f32 v19, v19;
	_ =	sdelay $0x1  }
0x2ca: {  	v17 =	vadd.f32 v18, v17;
	_ =	sdelay $0x1  }
0x2cb: {  	v17 =	vmin.f32 v20, v17  }
0x2cc: {  	s31 =	simm.s32 $0x10;
	s22 =	simm.s32 $0xE90;
	[tilespmem:s21+$0x0] =	vst v17  }
0x2cd: {  	s23 =	simm.s32 $0x20;
	s24 =	sand.u32 $0x1F0, s31;
	v17 =	vld [tilespmem:s22+$0x0]  }
.LBB2_28:
0x2ce: {  	p0 =	sne.s32 s23, $0x1F0;
	v18 =	vld [tilespmem:s24+$0x1080];
	_ =	sdelay $0x1  }
0x2cf: {  	v19 =	vld [tilespmem:s24+$0x1280];
	_ =	sdelay $0x2  }
0x2d0: {  	v17 =	vadd.f32 v17, v14;
	v18 =	vadd.f32 v18, v15;
	_ =	sdelay $0x1  }
0x2d1: {  	s21 =	sadd.s32 $0x10, s21;
	v17 =	vmul.f32 v17, v17;
	v19 =	vadd.f32 v19, v16;
	v18 =	vmul.f32 v18, v18  }
0x2d2: {  	v20 =	vld [tilespmem:s21+$0x0]  }
0x2d3: {  	v17 =	vadd.f32 v18, v17;
	v18 =	vmul.f32 v19, v19;
	_ =	sdelay $0x1  }
.Ltmp16:
0x2d4: {  	v17 =	vadd.f32 v18, v17;
	(pc) =	sbr.rel @p0 .LBB2_28-.Ltmp16, $4  }
0x2d5: {  	_ = 	snop  }
0x2d6: {  	v17 =	vmin.f32 v20, v17  }
0x2d7: {  	s22 =	sadd.s32 $0x10, s22;
	[tilespmem:s21+$0x0] =	vst v17  }
0x2d8: {  	s24 =	sand.u32 $0x1F0, s23;
	s23 =	sadd.s32 $0x10, s23;
	v17 =	vld [tilespmem:s22+$0x0]  }
0x2d9: {  	v18 =	vld [tilespmem:s24+$0x1080];
	_ =	sdelay $0x1  }
0x2da: {  	v19 =	vld [tilespmem:s24+$0x1280];
	_ =	sdelay $0x2  }
0x2db: {  	v14 =	vadd.f32 v17, v14;
	v15 =	vadd.f32 v18, v15;
	_ =	sdelay $0x1  }
0x2dc: {  	s0 =	sadd.s32 $0x10, s21;
	v16 =	vadd.f32 v19, v16;
	v14 =	vmul.f32 v14, v14;
	v15 =	vmul.f32 v15, v15  }
0x2dd: {  	s20 =	sadd.s32 $0x1, s20;
	v63 =	vld [tilespmem:s0+$0x0]  }
0x2de: {  	p0 =	sne.s32 s20, $0x1B;
	v14 =	vadd.f32 v15, v14;
	v15 =	vmul.f32 v16, v16  }
.Ltmp17:
0x2df: {  	_ = 	snop;
	(pc) =	sbr.rel @p0 .LBB2_27-.Ltmp17, $3  }
0x2e0: {  	v14 =	vadd.f32 v15, v14;
	_ =	sdelay $0x1  }
0x2e1: {  	v14 =	vmin.f32 v63, v14  }
0x2e2: {  	[tilespmem:s0+$0x0] =	vst v14  }
0x2e3: {  	s0 =	simm.s32 $0x0  }
0x2e4: {  	v14 =	vld [tilespmem:s0+$0x1480];
	_ =	sdelay $0x3  }
0x2e5: {  	s26 =	simm.s32 $0x10  }
0x2e6: {  	v15 =	vadd.f32 $9.999999960e-13, v14;
	v14 =	vld [tilespmem:s26+$0x1480];
	_ =	sdelay $0x1  }
0x2e7: {  	v16 =	vshra.s32 v15, $0x1;
	v18 =	vmul.f32 $5.000000000e-01, v15  }
0x2e8: {  	v16 =	vsub.s32 $0x5F3759DF, v16  }
0x2e9: {  	v17 =	vmul.f32 v16, v18  }
0x2ea: {  	s28 =	simm.s32 $0x20;
	v14 =	vadd.f32 $9.999999960e-13, v14  }
0x2eb: {  	v19 =	vld [tilespmem:s28+$0x1480];
	v17 =	vmul.f32 v16, v17  }
0x2ec: {  	v20 =	vshra.s32 v14, $0x1;
	v26 =	vmul.f32 $5.000000000e-01, v14  }
0x2ed: {  	v17 =	vsub.f32 $1.500000000e+00, v17;
	v20 =	vsub.s32 $0x5F3759DF, v20  }
0x2ee: {  	v21 =	vmul.f32 v20, v26  }
0x2ef: {  	v22 =	vmul.f32 v16, v17  }
0x2f0: {  	s29 =	simm.s32 $0x30;
	v16 =	vadd.f32 $9.999999960e-13, v19;
	v21 =	vmul.f32 v20, v21  }
0x2f1: {  	v17 =	vld [tilespmem:s29+$0x1480];
	v23 =	vmul.f32 v22, v18  }
0x2f2: {  	v24 =	vshra.s32 v16, $0x1;
	v19 =	vmul.f32 $5.000000000e-01, v16;
	v21 =	vsub.f32 $1.500000000e+00, v21  }
0x2f3: {  	v24 =	vsub.s32 $0x5F3759DF, v24;
	v23 =	vmul.f32 v23, v22  }
0x2f4: {  	v25 =	vmul.f32 v24, v19;
	v27 =	vmul.f32 v20, v21  }
0x2f5: {  	v20 =	vsub.f32 $1.500000000e+00, v23  }
0x2f6: {  	s30 =	simm.s32 $0x40;
	v17 =	vadd.f32 $9.999999960e-13, v17;
	v23 =	vmul.f32 v24, v25;
	v25 =	vmul.f32 v27, v26  }
0x2f7: {  	v21 =	vld [tilespmem:s30+$0x1480];
	v32 =	vmul.f32 v20, v22  }
0x2f8: {  	v22 =	vshra.s32 v17, $0x1;
	v23 =	vsub.f32 $1.500000000e+00, v23;
	v25 =	vmul.f32 v25, v27  }
0x2f9: {  	v20 =	vmul.f32 $5.000000000e-01, v17;
	v29 =	vsub.s32 $0x5F3759DF, v22  }
0x2fa: {  	v22 =	vmul.f32 v32, v18;
	v23 =	vmul.f32 v24, v23;
	v24 =	vsub.f32 $1.500000000e+00, v25  }
0x2fb: {  	s31 =	simm.s32 $0x50;
	v28 =	vmul.f32 v29, v20  }
0x2fc: {  	v18 =	vadd.f32 $9.999999960e-13, v21;
	v25 =	vmul.f32 v22, v32;
	v22 =	vmul.f32 v24, v27;
	v27 =	vld [tilespmem:s31+$0x1480]  }
0x2fd: {  	v28 =	vmul.f32 v29, v28;
	v30 =	vmul.f32 v23, v19  }
0x2fe: {  	v21 =	vimm.f32 $0.0e+00;
	v33 =	vshra.s32 v18, $0x1;
	v34 =	vsub.f32 $1.500000000e+00, v25  }
0x2ff: {  	v24 =	vmul.f32 $5.000000000e-01, v18;
	v31 =	vsub.f32 $1.500000000e+00, v28;
	v30 =	vmul.f32 v30, v23  }
0x300: {  	s20 =	simm.s32 $0x180;
	v25 =	vsub.s32 $0x5F3759DF, v33;
	v28 =	vmul.f32 v22, v26;
	v26 =	vmul.f32 v34, v32  }
.LBB2_31:
0x301: {  	s0 =	sshra.s32 s20, $0x2;
	v32 =	vadd.f32 $9.999999960e-13, v27;
	v33 =	vmul.f32 v25, v24;
	v29 =	vmul.f32 v29, v31;
	v34 =	vmovc v20;
	v20 =	vmovc v24;
	p0 =	sne.s32 s20, $0x7C0  }
.Ltmp18:
0x302: {  	v24 =	vsub.f32 $1.500000000e+00, v30;
	v27 =	vld [tilespmem:s0+$0x1480];
	v28 =	vmul.f32 v28, v22;
	v26 =	vmul.f32 v26, v15;
	v15 =	vmovc v14;
	v14 =	vmovc v16;
	(pc) =	sbr.rel @p0 .LBB2_31-.Ltmp18, $4  }
0x303: {  	v16 =	vmovc v17;
	v17 =	vmovc v18;
	v35 =	vshra.s32 v32, $0x1;
	v30 =	vmul.f32 v25, v33;
	v33 =	vmul.f32 v29, v34  }
0x304: {  	s20 =	sadd.s32 $0x40, s20;
	v36 =	vmul.f32 v24, v23;
	v18 =	vmovc v32;
	v23 =	vmovc v29;
	v37 =	vsub.f32 $1.500000000e+00, v28;
	v21 =	vadd.f32 v26, v21  }
0x305: {  	v24 =	vmul.f32 $5.000000000e-01, v18;
	v31 =	vsub.f32 $1.500000000e+00, v30;
	v30 =	vmul.f32 v33, v23;
	v29 =	vmovc v25  }
0x306: {  	v25 =	vsub.s32 $0x5F3759DF, v35;
	v28 =	vmul.f32 v36, v19;
	v19 =	vmovc v34;
	v26 =	vmul.f32 v37, v22;
	v22 =	vmovc v36  }
0x307: {  	v27 =	vadd.f32 $9.999999960e-13, v27;
	_ =	sdelay $0x1  }
0x308: {  	v32 =	vmul.f32 v25, v24;
	v33 =	vshra.s32 v27, $0x1;
	v34 =	vmul.f32 $5.000000000e-01, v27  }
0x309: {  	v45 =	vsub.s32 $0x5F3759DF, v33  }
0x30a: {  	v32 =	vmul.f32 v25, v32;
	v33 =	vmul.f32 v45, v34  }
0x30b: {  	v29 =	vmul.f32 v29, v31  }
0x30c: {  	v32 =	vsub.f32 $1.500000000e+00, v32;
	v33 =	vmul.f32 v45, v33  }
0x30d: {  	v35 =	vmul.f32 v29, v20  }
0x30e: {  	v46 =	vmul.f32 v25, v32;
	v47 =	vsub.f32 $1.500000000e+00, v33  }
0x30f: {  	v30 =	vsub.f32 $1.500000000e+00, v30;
	v35 =	vmul.f32 v35, v29  }
0x310: {  	v49 =	vmul.f32 v46, v24;
	v31 =	vmul.f32 v45, v47  }
0x311: {  	v28 =	vmul.f32 v28, v22;
	v23 =	vmul.f32 v30, v23;
	v48 =	vsub.f32 $1.500000000e+00, v35  }
0x312: {  	v50 =	vmul.f32 v49, v46;
	v51 =	vmul.f32 v31, v34  }
0x313: {  	v19 =	vmul.f32 v23, v19;
	v29 =	vmul.f32 v48, v29  }
0x314: {  	v30 =	vsub.f32 $1.500000000e+00, v50;
	v32 =	vmul.f32 v51, v31  }
0x315: {  	v28 =	vsub.f32 $1.500000000e+00, v28;
	v19 =	vmul.f32 v19, v23;
	v52 =	vmul.f32 v29, v20  }
0x316: {  	v15 =	vmul.f32 v26, v15;
	v25 =	vmul.f32 v30, v46;
	v53 =	vsub.f32 $1.500000000e+00, v32  }
0x317: {  	v54 =	vmul.f32 v28, v22;
	v19 =	vsub.f32 $1.500000000e+00, v19;
	v20 =	vmul.f32 v52, v29  }
0x318: {  	v55 =	vmul.f32 v25, v24;
	v26 =	vmul.f32 v53, v31  }
0x319: {  	v15 =	vadd.f32 v15, v21;
	v14 =	vmul.f32 v54, v14;
	v19 =	vmul.f32 v19, v23  }
0x31a: {  	v20 =	vsub.f32 $1.500000000e+00, v20;
	v56 =	vmul.f32 v55, v25;
	v57 =	vmul.f32 v26, v34  }
0x31b: {  	v14 =	vadd.f32 v14, v15;
	v15 =	vmul.f32 v19, v16  }
0x31c: {  	v58 =	vmul.f32 v20, v29;
	v59 =	vsub.f32 $1.500000000e+00, v56;
	v60 =	vmul.f32 v57, v26  }
0x31d: {  	v14 =	vadd.f32 v15, v14  }
0x31e: {  	v15 =	vmul.f32 v58, v17;
	v61 =	vmul.f32 v59, v25;
	v62 =	vsub.f32 $1.500000000e+00, v60;
	_ =	sdelay $0x1  }
0x31f: {  	v14 =	vadd.f32 v15, v14;
	v15 =	vmul.f32 v61, v18;
	v63 =	vmul.f32 v62, v26;
	_ =	sdelay $0x1  }
0x320: {  	v14 =	vadd.f32 v15, v14;
	v15 =	vmul.f32 v63, v27;
	_ =	sdelay $0x1  }
0x321: {  	v14 =	vadd.f32 v15, v14;
	_ =	sdelay $0x1  }
0x322: {  	v15 =	vperm.xlane v14, v6;
	_ =	sdelay $0x1  }
0x323: {  	v14 =	vadd.f32 v15, v14;
	_ =	sdelay $0x1  }
0x324: {  	v15 =	vperm.xlane v14, v8;
	_ =	sdelay $0x1  }
0x325: {  	v14 =	vadd.f32 v15, v14;
	_ =	sdelay $0x1  }
0x326: {  	v15 =	vperm.xlane v14, v10;
	_ =	sdelay $0x1  }
0x327: {  	v14 =	vadd.f32 v15, v14;
	_ =	sdelay $0x1  }
0x328: {  	v15 =	vperm.xlane v14, v12;
	_ =	sdelay $0x1  }
0x329: {  	v14 =	vadd.f32 v15, v14;
	v15 =	vmov s19;
	s19 =	sadd.s32 $0x1, s19  }
0x32a: {  	p0 =	sne.s32 s19, $0x4  }
.Ltmp19:
0x32b: {  	_ = 	snop;
	(pc) =	sbr.rel @p0 .LBB2_2-.Ltmp19, $4  }
0x32c: {  	_ = 	snop  }
0x32d: {  	v14 =	vmul.f32 $1.953125000e-03, v14  }
0x32e: {  	vm0 =	veq.s32 v15, v9  }
0x32f: {  	v13 =	vsel vm0, v14, v13  }
0x330: {  	s18 =	sadd.s32 $0x1, s18  }
0x331: {  	p0 =	sne.s32 s18, s10  }
.Ltmp20:
0x332: {  	[tilespmem:$0x1680] =	vst v13;
	s0 =	simm.s32 $0x0;
	s1 =	simm.s32 $0x1680;
	(pc) =	sbr.rel @p0 .LBB2_1-.Ltmp20, $4  }
0x333: {  	[hbm4b:s9+s0] =	stream.linear.scatter [tilespmem:s1], [sflag:$0x1], $0x80, $0x38;
	[tilespmem:$0x1700] =	vst v63  }
0x334: {  	_ =	swait.ge [sflag:s11], $0x80  }
0x335: {  	[sflag:s11] =	ssyncset.done $0x0  }
0x336: {  	[sflag:s11] =	ssyncadd.s32 $0xFFFFFF80  }
0x337: {  	_ =	sfence.sel $0x180000  }
0x338: {  	[bflag:$0x0] =	sbarrier.arrive $0xFFFF  }
0x339: {  	_ =	strace $0x90000047  }
0x33a: {  	s0 =	stileid.u32;
	[bflag:$0x2] =	sbarrier.arrive $0xFFFF  }
0x33b: {  	p0 =	sne.s32 s0, $0x0;
	s0 =	rddreg [dreg:$0x1]  }
0x33c: {  	s0 =	sadd.s32 @!p0 $0x100000, s0  }
0x33d: {  	[sflag:s0] =	ssyncadd.tile.s32 @!p0 $0x1;
	_ =	shalt  }
.Lfunc_end2:
_tile_overlayer_lowered:
.L_overlay_start_2:
0x33e: {  	(tag) =	ssettag $0x2  }
0x33f: {  	s0 =	rddreg [dreg:$0x0];
	s2 =	stileid.u32  }
0x340: {  	s1 =	rddreg [dreg:$0x1];
	p0 =	sne.s32 s2, $0x0  }
0x341: {  	s3 =	rddreg [dreg:$0x2];
	[bflag:$0x3] =	sbarrier.arrive $0xFFFF;
	s2 =	simm.s32 @!p0 $0x1C01  }
0x342: {  	[timem:s3], [sflag:s2] =	dma.local @!p0 [hbm:s0], s1  }
0x343: {  	s0 =	simm.s32 @!p0 $0x1  }
0x344: {  	_ =	swait.ge @!p0 [sflag:s0], s1  }
0x345: {  	s1 =	ssub.s32 @!p0 $0x0, s1;
	[sflag:s0] =	ssyncset.done @!p0 $0x0  }
0x346: {  	[sflag:s0] =	ssyncadd.s32 @!p0 s1  }
0x347: {  	[bflag:$0x3] =	sbarrier.arrive $0xFFFF  }
0x348: {  	_ =	shalt  }

</sc_bundles>
